<compile_context>
chip_gen: v7x
topology: tpu7x:2x2x1
jax: 0.10.2.dev20260603
libtpu: 0.0.44.dev20260713+nightly
codegen_flags: <defaults>
</compile_context>

<pallas_src>
import functools

import jax
import jax.numpy as jnp
from jax import lax
from jax.experimental import pallas as pl
from jax.experimental.pallas import tpu as pltpu
from jax.experimental.pallas import tpu_sc as plsc

B, K, L = 4096, 64, 200
KB = 2

NC, NS = 2, 16
NW = NC * NS
COLS = B // NW
VECS = COLS // 16


def _tc_body(x_ref, o_ref):
    xi = x_ref[...].astype(jnp.int32)
    kbase = pl.program_id(0) * KB
    k = kbase + jax.lax.broadcasted_iota(jnp.int32, (KB, L, B), 0)
    o_ref[...] = jnp.where(k == xi, 0.0, -jnp.inf)


def _kernel_tc(xt):
    return pl.pallas_call(
        _tc_body,
        grid=(K // KB,),
        in_specs=[pl.BlockSpec((1, L, B), lambda i: (0, 0, 0))],
        out_specs=pl.BlockSpec((KB, L, B), lambda i: (i, 0, 0)),
        out_shape=jax.ShapeDtypeStruct((K, L, B), jnp.float32),
    )(xt)


@functools.partial(
    pl.kernel,
    mesh=plsc.VectorSubcoreMesh(core_axis_name="c", subcore_axis_name="s"),
    out_type=jax.ShapeDtypeStruct((K, L, B), jnp.float32),
    scratch_types=[
        pltpu.VMEM((L, COLS), jnp.float32),
        pltpu.VMEM((L, COLS), jnp.float32),
        pltpu.VMEM((L, COLS), jnp.float32),
        pltpu.SemaphoreType.DMA,
        pltpu.SemaphoreType.DMA,
    ],
)
def _kernel_sc(x_hbm, out_hbm, x_v, ob0, ob1, sem0, sem1):
    wid = lax.axis_index("s") * NC + lax.axis_index("c")
    col0 = wid * COLS
    pltpu.sync_copy(x_hbm.at[0, :, pl.ds(col0, COLS)], x_v)
    bufs, sems = (ob0, ob1), (sem0, sem1)
    pending = [None, None]
    for k in range(K):
        buf, sem = bufs[k % 2], sems[k % 2]
        if pending[k % 2] is not None:
            pending[k % 2].wait()
        kf = jnp.float32(k)

        def _row(r, _, buf=buf):
            for c in range(VECS):
                xv = x_v[r, pl.ds(c * 16, 16)]
                buf[r, pl.ds(c * 16, 16)] = jnp.where(xv == kf, 0.0, -jnp.inf)
            return 0

        if k < 2:
            lax.fori_loop(0, L, _row, 0)
        pending[k % 2] = pltpu.async_copy(
            buf, out_hbm.at[k, :, pl.ds(col0, COLS)], sem
        )
    pending[0].wait()
    pending[1].wait()


def kernel(x):
    xt = jnp.transpose(x, (1, 2, 0))
    out = _kernel_sc(xt)
    return jnp.transpose(out, (2, 0, 1))

# --- scband reference (transcript-rebuilt; emitter-appended) ---
"""Pipeline reference for scband-spatial-indicator-layer-75737453298218 (READ-ONLY COPY).

The authoritative reference and input builder live on the scoring server;
editing this copy changes nothing except your own understanding.
"""

import jax, jax.numpy as jnp
import numpy as np

OUT_CHANNELS = 64

def setup_inputs(seed: int = 0) -> dict:
    key = jax.random.key(seed)
    x = jax.random.randint(key, (4096, 1, 200), 0, OUT_CHANNELS).astype(jnp.float32)
    return {"x": x}

def reference(x):
    # indicators = where(isnan(x), 0, x)
    indicators = jnp.where(jnp.isnan(x), 0.0, x)
    # one_hot(long, num_classes).float() then log
    oh = jax.nn.one_hot(indicators.astype(jnp.int32), OUT_CHANNELS, dtype=jnp.float32)  # [B,1,L,K]
    ind = jnp.log(oh)
    # squeeze(1).permute(0,2,1) -> [B, K, L]
    ind = jnp.transpose(jnp.squeeze(ind, axis=1), (0, 2, 1))
    # masked_fill_(isnan(x), 0.0); mask [B,1,L] broadcasts over channel dim
    ind = jnp.where(jnp.isnan(x), 0.0, ind)
    return ind

if __name__ == "__main__":
    import jax
    _d = setup_inputs()
    print(jax.jit(kernel)(*tuple(_d.values())))

</pallas_src>

<mosaic_0001>
#map = affine_map<(d0, d1) -> (0, 0, 0)>
module attributes {stable_mosaic.version = 14 : i64} {
  func.func @_kernel_sc(%arg0: i32, %arg1: i32, %arg2: memref<1x200x4096xf32, #tpu.memory_space<hbm>>, %arg3: memref<64x200x4096xf32, #tpu.memory_space<hbm>>, %arg4: memref<200x128xf32, #tpu.memory_space<vmem>>, %arg5: memref<200x128xf32, #tpu.memory_space<vmem>>, %arg6: memref<200x128xf32, #tpu.memory_space<vmem>>, %arg7: memref<!tpu.dma_semaphore, #tpu.memory_space<semaphore_mem>>, %arg8: memref<!tpu.dma_semaphore, #tpu.memory_space<semaphore_mem>>) attributes {dimension_semantics = [#tpu.dimension_semantics<core_parallel>, #tpu.dimension_semantics<subcore_parallel>], iteration_bounds = array<i64: 2, 16>, scalar_prefetch = 0 : i64, scratch_operands = 5 : i64, tpu.core_type = #tpu.core_type<sc_vector_subcore>, window_params = [{transform_indices = #map}, {transform_indices = #map}]} {
    %mul3A = arith.constant 2 : i32
    %mul3A_0 = arith.muli %arg1, %mul3A : i32
    %add3A = arith.addi %mul3A_0, %arg0 : i32
    %mul3A_1 = arith.constant 128 : i32
    %mul3A_2 = arith.muli %add3A, %mul3A_1 : i32
    %run_scoped3A = arith.constant 0 : i32
    "tpu.region"() ({
      %run_scoped3A_912 = tpu.sem_alloc : memref<!tpu.dma_semaphore, #tpu.memory_space<semaphore_mem>>
      %dma_start3A_913 = arith.constant 0 : i32
      %dma_start3A_914 = tpu.memref_slice %arg2[%run_scoped3A, %dma_start3A_913, %mul3A_2] : memref<1x200x4096xf32, #tpu.memory_space<hbm>> -> memref<1x200x128xf32, #tpu.memory_space<hbm>>
      %dma_start3A_915 = tpu.memref_squeeze %dma_start3A_914 : memref<1x200x128xf32, #tpu.memory_space<hbm>> -> memref<200x128xf32, #tpu.memory_space<hbm>>
      %dma_start3A_916 = arith.constant 0 : i32
      %dma_start3A_917 = tpu.memref_slice %arg2[%run_scoped3A, %dma_start3A_916, %mul3A_2] : memref<1x200x4096xf32, #tpu.memory_space<hbm>> -> memref<1x200x128xf32, #tpu.memory_space<hbm>>
      %dma_start3A_918 = tpu.memref_squeeze %dma_start3A_917 : memref<1x200x128xf32, #tpu.memory_space<hbm>> -> memref<200x128xf32, #tpu.memory_space<hbm>>
      tpu.enqueue_dma source(%dma_start3A_918 : memref<200x128xf32, #tpu.memory_space<hbm>>) target(%arg4 : memref<200x128xf32, #tpu.memory_space<vmem>>) target_semaphore(%run_scoped3A_912 : memref<!tpu.dma_semaphore, #tpu.memory_space<semaphore_mem>>)
      %dma_wait3A_919 = arith.constant 0 : i32
      %dma_wait3A_920 = tpu.memref_slice %arg2[%run_scoped3A, %dma_wait3A_919, %mul3A_2] : memref<1x200x4096xf32, #tpu.memory_space<hbm>> -> memref<1x200x128xf32, #tpu.memory_space<hbm>>
      %dma_wait3A_921 = tpu.memref_squeeze %dma_wait3A_920 : memref<1x200x128xf32, #tpu.memory_space<hbm>> -> memref<200x128xf32, #tpu.memory_space<hbm>>
      %dma_wait3A_922 = arith.constant 0 : i32
      %dma_wait3A_923 = tpu.memref_slice %arg2[%run_scoped3A, %dma_wait3A_922, %mul3A_2] : memref<1x200x4096xf32, #tpu.memory_space<hbm>> -> memref<1x200x128xf32, #tpu.memory_space<hbm>>
      %dma_wait3A_924 = tpu.memref_squeeze %dma_wait3A_923 : memref<1x200x128xf32, #tpu.memory_space<hbm>> -> memref<200x128xf32, #tpu.memory_space<hbm>>
      tpu.wait_dma2 semaphore(%run_scoped3A_912 : memref<!tpu.dma_semaphore, #tpu.memory_space<semaphore_mem>>) src(%dma_wait3A_924 : memref<200x128xf32, #tpu.memory_space<hbm>>) dst(%arg4 : memref<200x128xf32, #tpu.memory_space<vmem>>)
      tpu.yield
    }) : () -> ()
    %scan3A = arith.constant 0.000000e+00 : f32
    %scan3A_3 = arith.constant 0 : i32
    %scan3A_4 = arith.constant 0 : i32
    %scan3A_5 = arith.constant 200 : i32
    %scan3A_6 = arith.addi %scan3A_4, %scan3A_5 : i32
    %scan3A_7 = arith.constant 1 : i32
    %scan3A_8 = scf.for %scan3A_912 = %scan3A_4 to %scan3A_6 step %scan3A_7 iter_args(%scan3A_913 = %scan3A_3) -> (i32)  : i32 {
      %get3A = arith.index_cast %scan3A_912 : i32 to index
      %get3A_914 = arith.constant 0 : index
      %get3A_915 = tpu.vector_load %arg4[%get3A, %get3A_914] {strides = array<i32>} : memref<200x128xf32, #tpu.memory_space<vmem>>, vector<1x16xf32>,
      %get3A_916 = vector.shape_cast %get3A_915 : vector<1x16xf32> to vector<16xf32>
      %eq3A = vector.broadcast %scan3A : f32 to vector<16xf32>
      %eq3A_917 = arith.cmpf oeq, %get3A_916, %eq3A : vector<16xf32>
      %jit3A = arith.constant 0.000000e+00 : f32
      %jit3A_918 = arith.constant 0xFF800000 : f32
      %broadcast_in_dim3A = vector.broadcast %jit3A : f32 to vector<16xf32>
      %broadcast_in_dim3A_919 = vector.broadcast %jit3A_918 : f32 to vector<16xf32>
      %select_n3A = arith.select %eq3A_917, %broadcast_in_dim3A, %broadcast_in_dim3A_919 : vector<16xi1>, vector<16xf32>
      %swap3A = arith.index_cast %scan3A_912 : i32 to index
      %swap3A_920 = arith.constant 0 : index
      %swap3A_921 = tpu.vector_load %arg5[%swap3A, %swap3A_920] {strides = array<i32>} : memref<200x128xf32, #tpu.memory_space<vmem>>, vector<1x16xf32>,
      %swap3A_922 = vector.shape_cast %swap3A_921 : vector<1x16xf32> to vector<16xf32>
      %swap3A_923 = vector.shape_cast %select_n3A : vector<16xf32> to vector<1x16xf32>
      tpu.vector_store %arg5[%swap3A, %swap3A_920], %swap3A_923 {strides = array<i32>} : memref<200x128xf32, #tpu.memory_space<vmem>>, vector<1x16xf32>,
      %get3A_924 = arith.index_cast %scan3A_912 : i32 to index
      %get3A_925 = arith.constant 16 : index
      %get3A_926 = tpu.vector_load %arg4[%get3A_924, %get3A_925] {strides = array<i32>} : memref<200x128xf32, #tpu.memory_space<vmem>>, vector<1x16xf32>,
      %get3A_927 = vector.shape_cast %get3A_926 : vector<1x16xf32> to vector<16xf32>
      %eq3A_928 = vector.broadcast %scan3A : f32 to vector<16xf32>
      %eq3A_929 = arith.cmpf oeq, %get3A_927, %eq3A_928 : vector<16xf32>
      %jit3A_930 = arith.constant 0.000000e+00 : f32
      %jit3A_931 = arith.constant 0xFF800000 : f32
      %broadcast_in_dim3A_932 = vector.broadcast %jit3A_930 : f32 to vector<16xf32>
      %broadcast_in_dim3A_933 = vector.broadcast %jit3A_931 : f32 to vector<16xf32>
      %select_n3A_934 = arith.select %eq3A_929, %broadcast_in_dim3A_932, %broadcast_in_dim3A_933 : vector<16xi1>, vector<16xf32>
      %swap3A_935 = arith.index_cast %scan3A_912 : i32 to index
      %swap3A_936 = arith.constant 16 : index
      %swap3A_937 = tpu.vector_load %arg5[%swap3A_935, %swap3A_936] {strides = array<i32>} : memref<200x128xf32, #tpu.memory_space<vmem>>, vector<1x16xf32>,
      %swap3A_938 = vector.shape_cast %swap3A_937 : vector<1x16xf32> to vector<16xf32>
      %swap3A_939 = vector.shape_cast %select_n3A_934 : vector<16xf32> to vector<1x16xf32>
      tpu.vector_store %arg5[%swap3A_935, %swap3A_936], %swap3A_939 {strides = array<i32>} : memref<200x128xf32, #tpu.memory_space<vmem>>, vector<1x16xf32>,
      %get3A_940 = arith.index_cast %scan3A_912 : i32 to index
      %get3A_941 = arith.constant 32 : index
      %get3A_942 = tpu.vector_load %arg4[%get3A_940, %get3A_941] {strides = array<i32>} : memref<200x128xf32, #tpu.memory_space<vmem>>, vector<1x16xf32>,
      %get3A_943 = vector.shape_cast %get3A_942 : vector<1x16xf32> to vector<16xf32>
      %eq3A_944 = vector.broadcast %scan3A : f32 to vector<16xf32>
      %eq3A_945 = arith.cmpf oeq, %get3A_943, %eq3A_944 : vector<16xf32>
      %jit3A_946 = arith.constant 0.000000e+00 : f32
      %jit3A_947 = arith.constant 0xFF800000 : f32
      %broadcast_in_dim3A_948 = vector.broadcast %jit3A_946 : f32 to vector<16xf32>
      %broadcast_in_dim3A_949 = vector.broadcast %jit3A_947 : f32 to vector<16xf32>
      %select_n3A_950 = arith.select %eq3A_945, %broadcast_in_dim3A_948, %broadcast_in_dim3A_949 : vector<16xi1>, vector<16xf32>
      %swap3A_951 = arith.index_cast %scan3A_912 : i32 to index
      %swap3A_952 = arith.constant 32 : index
      %swap3A_953 = tpu.vector_load %arg5[%swap3A_951, %swap3A_952] {strides = array<i32>} : memref<200x128xf32, #tpu.memory_space<vmem>>, vector<1x16xf32>,
      %swap3A_954 = vector.shape_cast %swap3A_953 : vector<1x16xf32> to vector<16xf32>
      %swap3A_955 = vector.shape_cast %select_n3A_950 : vector<16xf32> to vector<1x16xf32>
      tpu.vector_store %arg5[%swap3A_951, %swap3A_952], %swap3A_955 {strides = array<i32>} : memref<200x128xf32, #tpu.memory_space<vmem>>, vector<1x16xf32>,
      %get3A_956 = arith.index_cast %scan3A_912 : i32 to index
      %get3A_957 = arith.constant 48 : index
      %get3A_958 = tpu.vector_load %arg4[%get3A_956, %get3A_957] {strides = array<i32>} : memref<200x128xf32, #tpu.memory_space<vmem>>, vector<1x16xf32>,
      %get3A_959 = vector.shape_cast %get3A_958 : vector<1x16xf32> to vector<16xf32>
      %eq3A_960 = vector.broadcast %scan3A : f32 to vector<16xf32>
      %eq3A_961 = arith.cmpf oeq, %get3A_959, %eq3A_960 : vector<16xf32>
      %jit3A_962 = arith.constant 0.000000e+00 : f32
      %jit3A_963 = arith.constant 0xFF800000 : f32
      %broadcast_in_dim3A_964 = vector.broadcast %jit3A_962 : f32 to vector<16xf32>
      %broadcast_in_dim3A_965 = vector.broadcast %jit3A_963 : f32 to vector<16xf32>
      %select_n3A_966 = arith.select %eq3A_961, %broadcast_in_dim3A_964, %broadcast_in_dim3A_965 : vector<16xi1>, vector<16xf32>
      %swap3A_967 = arith.index_cast %scan3A_912 : i32 to index
      %swap3A_968 = arith.constant 48 : index
      %swap3A_969 = tpu.vector_load %arg5[%swap3A_967, %swap3A_968] {strides = array<i32>} : memref<200x128xf32, #tpu.memory_space<vmem>>, vector<1x16xf32>,
      %swap3A_970 = vector.shape_cast %swap3A_969 : vector<1x16xf32> to vector<16xf32>
      %swap3A_971 = vector.shape_cast %select_n3A_966 : vector<16xf32> to vector<1x16xf32>
      tpu.vector_store %arg5[%swap3A_967, %swap3A_968], %swap3A_971 {strides = array<i32>} : memref<200x128xf32, #tpu.memory_space<vmem>>, vector<1x16xf32>,
      %get3A_972 = arith.index_cast %scan3A_912 : i32 to index
      %get3A_973 = arith.constant 64 : index
      %get3A_974 = tpu.vector_load %arg4[%get3A_972, %get3A_973] {strides = array<i32>} : memref<200x128xf32, #tpu.memory_space<vmem>>, vector<1x16xf32>,
      %get3A_975 = vector.shape_cast %get3A_974 : vector<1x16xf32> to vector<16xf32>
      %eq3A_976 = vector.broadcast %scan3A : f32 to vector<16xf32>
      %eq3A_977 = arith.cmpf oeq, %get3A_975, %eq3A_976 : vector<16xf32>
      %jit3A_978 = arith.constant 0.000000e+00 : f32
      %jit3A_979 = arith.constant 0xFF800000 : f32
      %broadcast_in_dim3A_980 = vector.broadcast %jit3A_978 : f32 to vector<16xf32>
      %broadcast_in_dim3A_981 = vector.broadcast %jit3A_979 : f32 to vector<16xf32>
      %select_n3A_982 = arith.select %eq3A_977, %broadcast_in_dim3A_980, %broadcast_in_dim3A_981 : vector<16xi1>, vector<16xf32>
      %swap3A_983 = arith.index_cast %scan3A_912 : i32 to index
      %swap3A_984 = arith.constant 64 : index
      %swap3A_985 = tpu.vector_load %arg5[%swap3A_983, %swap3A_984] {strides = array<i32>} : memref<200x128xf32, #tpu.memory_space<vmem>>, vector<1x16xf32>,
      %swap3A_986 = vector.shape_cast %swap3A_985 : vector<1x16xf32> to vector<16xf32>
      %swap3A_987 = vector.shape_cast %select_n3A_982 : vector<16xf32> to vector<1x16xf32>
      tpu.vector_store %arg5[%swap3A_983, %swap3A_984], %swap3A_987 {strides = array<i32>} : memref<200x128xf32, #tpu.memory_space<vmem>>, vector<1x16xf32>,
      %get3A_988 = arith.index_cast %scan3A_912 : i32 to index
      %get3A_989 = arith.constant 80 : index
      %get3A_990 = tpu.vector_load %arg4[%get3A_988, %get3A_989] {strides = array<i32>} : memref<200x128xf32, #tpu.memory_space<vmem>>, vector<1x16xf32>,
      %get3A_991 = vector.shape_cast %get3A_990 : vector<1x16xf32> to vector<16xf32>
      %eq3A_992 = vector.broadcast %scan3A : f32 to vector<16xf32>
      %eq3A_993 = arith.cmpf oeq, %get3A_991, %eq3A_992 : vector<16xf32>
      %jit3A_994 = arith.constant 0.000000e+00 : f32
      %jit3A_995 = arith.constant 0xFF800000 : f32
      %broadcast_in_dim3A_996 = vector.broadcast %jit3A_994 : f32 to vector<16xf32>
      %broadcast_in_dim3A_997 = vector.broadcast %jit3A_995 : f32 to vector<16xf32>
      %select_n3A_998 = arith.select %eq3A_993, %broadcast_in_dim3A_996, %broadcast_in_dim3A_997 : vector<16xi1>, vector<16xf32>
      %swap3A_999 = arith.index_cast %scan3A_912 : i32 to index
      %swap3A_1000 = arith.constant 80 : index
      %swap3A_1001 = tpu.vector_load %arg5[%swap3A_999, %swap3A_1000] {strides = array<i32>} : memref<200x128xf32, #tpu.memory_space<vmem>>, vector<1x16xf32>,
      %swap3A_1002 = vector.shape_cast %swap3A_1001 : vector<1x16xf32> to vector<16xf32>
      %swap3A_1003 = vector.shape_cast %select_n3A_998 : vector<16xf32> to vector<1x16xf32>
      tpu.vector_store %arg5[%swap3A_999, %swap3A_1000], %swap3A_1003 {strides = array<i32>} : memref<200x128xf32, #tpu.memory_space<vmem>>, vector<1x16xf32>,
      %get3A_1004 = arith.index_cast %scan3A_912 : i32 to index
      %get3A_1005 = arith.constant 96 : index
      %get3A_1006 = tpu.vector_load %arg4[%get3A_1004, %get3A_1005] {strides = array<i32>} : memref<200x128xf32, #tpu.memory_space<vmem>>, vector<1x16xf32>,
      %get3A_1007 = vector.shape_cast %get3A_1006 : vector<1x16xf32> to vector<16xf32>
      %eq3A_1008 = vector.broadcast %scan3A : f32 to vector<16xf32>
      %eq3A_1009 = arith.cmpf oeq, %get3A_1007, %eq3A_1008 : vector<16xf32>
      %jit3A_1010 = arith.constant 0.000000e+00 : f32
      %jit3A_1011 = arith.constant 0xFF800000 : f32
      %broadcast_in_dim3A_1012 = vector.broadcast %jit3A_1010 : f32 to vector<16xf32>
      %broadcast_in_dim3A_1013 = vector.broadcast %jit3A_1011 : f32 to vector<16xf32>
      %select_n3A_1014 = arith.select %eq3A_1009, %broadcast_in_dim3A_1012, %broadcast_in_dim3A_1013 : vector<16xi1>, vector<16xf32>
      %swap3A_1015 = arith.index_cast %scan3A_912 : i32 to index
      %swap3A_1016 = arith.constant 96 : index
      %swap3A_1017 = tpu.vector_load %arg5[%swap3A_1015, %swap3A_1016] {strides = array<i32>} : memref<200x128xf32, #tpu.memory_space<vmem>>, vector<1x16xf32>,
      %swap3A_1018 = vector.shape_cast %swap3A_1017 : vector<1x16xf32> to vector<16xf32>
      %swap3A_1019 = vector.shape_cast %select_n3A_1014 : vector<16xf32> to vector<1x16xf32>
      tpu.vector_store %arg5[%swap3A_1015, %swap3A_1016], %swap3A_1019 {strides = array<i32>} : memref<200x128xf32, #tpu.memory_space<vmem>>, vector<1x16xf32>,
      %get3A_1020 = arith.index_cast %scan3A_912 : i32 to index
      %get3A_1021 = arith.constant 112 : index
      %get3A_1022 = tpu.vector_load %arg4[%get3A_1020, %get3A_1021] {strides = array<i32>} : memref<200x128xf32, #tpu.memory_space<vmem>>, vector<1x16xf32>,
      %get3A_1023 = vector.shape_cast %get3A_1022 : vector<1x16xf32> to vector<16xf32>
      %eq3A_1024 = vector.broadcast %scan3A : f32 to vector<16xf32>
      %eq3A_1025 = arith.cmpf oeq, %get3A_1023, %eq3A_1024 : vector<16xf32>
      %jit3A_1026 = arith.constant 0.000000e+00 : f32
      %jit3A_1027 = arith.constant 0xFF800000 : f32
      %broadcast_in_dim3A_1028 = vector.broadcast %jit3A_1026 : f32 to vector<16xf32>
      %broadcast_in_dim3A_1029 = vector.broadcast %jit3A_1027 : f32 to vector<16xf32>
      %select_n3A_1030 = arith.select %eq3A_1025, %broadcast_in_dim3A_1028, %broadcast_in_dim3A_1029 : vector<16xi1>, vector<16xf32>
      %swap3A_1031 = arith.index_cast %scan3A_912 : i32 to index
      %swap3A_1032 = arith.constant 112 : index
      %swap3A_1033 = tpu.vector_load %arg5[%swap3A_1031, %swap3A_1032] {strides = array<i32>} : memref<200x128xf32, #tpu.memory_space<vmem>>, vector<1x16xf32>,
      %swap3A_1034 = vector.shape_cast %swap3A_1033 : vector<1x16xf32> to vector<16xf32>
      %swap3A_1035 = vector.shape_cast %select_n3A_1030 : vector<16xf32> to vector<1x16xf32>
      tpu.vector_store %arg5[%swap3A_1031, %swap3A_1032], %swap3A_1035 {strides = array<i32>} : memref<200x128xf32, #tpu.memory_space<vmem>>, vector<1x16xf32>,
      %scan3A_1036 = arith.constant 0 : i32
      scf.yield %scan3A_1036 : i32
    }
    %scan3A_9 = arith.constant 200 : i32
    %dma_start3A = arith.constant 0 : i32
    %dma_start3A_10 = arith.constant 0 : i32
    %dma_start3A_11 = tpu.memref_slice %arg3[%dma_start3A, %dma_start3A_10, %mul3A_2] : memref<64x200x4096xf32, #tpu.memory_space<hbm>> -> memref<1x200x128xf32, #tpu.memory_space<hbm>>
    %dma_start3A_12 = tpu.memref_squeeze %dma_start3A_11 : memref<1x200x128xf32, #tpu.memory_space<hbm>> -> memref<200x128xf32, #tpu.memory_space<hbm>>
    %dma_start3A_13 = arith.constant 0 : i32
    %dma_start3A_14 = tpu.memref_slice %arg3[%dma_start3A, %dma_start3A_13, %mul3A_2] : memref<64x200x4096xf32, #tpu.memory_space<hbm>> -> memref<1x200x128xf32, #tpu.memory_space<hbm>>
    %dma_start3A_15 = tpu.memref_squeeze %dma_start3A_14 : memref<1x200x128xf32, #tpu.memory_space<hbm>> -> memref<200x128xf32, #tpu.memory_space<hbm>>
    tpu.enqueue_dma source(%arg5 : memref<200x128xf32, #tpu.memory_space<vmem>>) target(%dma_start3A_15 : memref<200x128xf32, #tpu.memory_space<hbm>>) target_semaphore(%arg7 : memref<!tpu.dma_semaphore, #tpu.memory_space<semaphore_mem>>)
    %scan3A_16 = arith.constant 1.000000e+00 : f32
    %scan3A_17 = arith.constant 0 : i32
    %scan3A_18 = arith.constant 0 : i32
    %scan3A_19 = arith.constant 200 : i32
    %scan3A_20 = arith.addi %scan3A_18, %scan3A_19 : i32
    %scan3A_21 = arith.constant 1 : i32
    %scan3A_22 = scf.for %scan3A_912 = %scan3A_18 to %scan3A_20 step %scan3A_21 iter_args(%scan3A_913 = %scan3A_17) -> (i32)  : i32 {
      %get3A = arith.index_cast %scan3A_912 : i32 to index
      %get3A_914 = arith.constant 0 : index
      %get3A_915 = tpu.vector_load %arg4[%get3A, %get3A_914] {strides = array<i32>} : memref<200x128xf32, #tpu.memory_space<vmem>>, vector<1x16xf32>,
      %get3A_916 = vector.shape_cast %get3A_915 : vector<1x16xf32> to vector<16xf32>
      %eq3A = vector.broadcast %scan3A_16 : f32 to vector<16xf32>
      %eq3A_917 = arith.cmpf oeq, %get3A_916, %eq3A : vector<16xf32>
      %jit3A = arith.constant 0.000000e+00 : f32
      %jit3A_918 = arith.constant 0xFF800000 : f32
      %broadcast_in_dim3A = vector.broadcast %jit3A : f32 to vector<16xf32>
      %broadcast_in_dim3A_919 = vector.broadcast %jit3A_918 : f32 to vector<16xf32>
      %select_n3A = arith.select %eq3A_917, %broadcast_in_dim3A, %broadcast_in_dim3A_919 : vector<16xi1>, vector<16xf32>
      %swap3A = arith.index_cast %scan3A_912 : i32 to index
      %swap3A_920 = arith.constant 0 : index
      %swap3A_921 = tpu.vector_load %arg6[%swap3A, %swap3A_920] {strides = array<i32>} : memref<200x128xf32, #tpu.memory_space<vmem>>, vector<1x16xf32>,
      %swap3A_922 = vector.shape_cast %swap3A_921 : vector<1x16xf32> to vector<16xf32>
      %swap3A_923 = vector.shape_cast %select_n3A : vector<16xf32> to vector<1x16xf32>
      tpu.vector_store %arg6[%swap3A, %swap3A_920], %swap3A_923 {strides = array<i32>} : memref<200x128xf32, #tpu.memory_space<vmem>>, vector<1x16xf32>,
      %get3A_924 = arith.index_cast %scan3A_912 : i32 to index
      %get3A_925 = arith.constant 16 : index
      %get3A_926 = tpu.vector_load %arg4[%get3A_924, %get3A_925] {strides = array<i32>} : memref<200x128xf32, #tpu.memory_space<vmem>>, vector<1x16xf32>,
      %get3A_927 = vector.shape_cast %get3A_926 : vector<1x16xf32> to vector<16xf32>
      %eq3A_928 = vector.broadcast %scan3A_16 : f32 to vector<16xf32>
      %eq3A_929 = arith.cmpf oeq, %get3A_927, %eq3A_928 : vector<16xf32>
      %jit3A_930 = arith.constant 0.000000e+00 : f32
      %jit3A_931 = arith.constant 0xFF800000 : f32
      %broadcast_in_dim3A_932 = vector.broadcast %jit3A_930 : f32 to vector<16xf32>
      %broadcast_in_dim3A_933 = vector.broadcast %jit3A_931 : f32 to vector<16xf32>
      %select_n3A_934 = arith.select %eq3A_929, %broadcast_in_dim3A_932, %broadcast_in_dim3A_933 : vector<16xi1>, vector<16xf32>
      %swap3A_935 = arith.index_cast %scan3A_912 : i32 to index
      %swap3A_936 = arith.constant 16 : index
      %swap3A_937 = tpu.vector_load %arg6[%swap3A_935, %swap3A_936] {strides = array<i32>} : memref<200x128xf32, #tpu.memory_space<vmem>>, vector<1x16xf32>,
      %swap3A_938 = vector.shape_cast %swap3A_937 : vector<1x16xf32> to vector<16xf32>
      %swap3A_939 = vector.shape_cast %select_n3A_934 : vector<16xf32> to vector<1x16xf32>
      tpu.vector_store %arg6[%swap3A_935, %swap3A_936], %swap3A_939 {strides = array<i32>} : memref<200x128xf32, #tpu.memory_space<vmem>>, vector<1x16xf32>,
      %get3A_940 = arith.index_cast %scan3A_912 : i32 to index
      %get3A_941 = arith.constant 32 : index
      %get3A_942 = tpu.vector_load %arg4[%get3A_940, %get3A_941] {strides = array<i32>} : memref<200x128xf32, #tpu.memory_space<vmem>>, vector<1x16xf32>,
      %get3A_943 = vector.shape_cast %get3A_942 : vector<1x16xf32> to vector<16xf32>
      %eq3A_944 = vector.broadcast %scan3A_16 : f32 to vector<16xf32>
      %eq3A_945 = arith.cmpf oeq, %get3A_943, %eq3A_944 : vector<16xf32>
      %jit3A_946 = arith.constant 0.000000e+00 : f32
      %jit3A_947 = arith.constant 0xFF800000 : f32
      %broadcast_in_dim3A_948 = vector.broadcast %jit3A_946 : f32 to vector<16xf32>
      %broadcast_in_dim3A_949 = vector.broadcast %jit3A_947 : f32 to vector<16xf32>
      %select_n3A_950 = arith.select %eq3A_945, %broadcast_in_dim3A_948, %broadcast_in_dim3A_949 : vector<16xi1>, vector<16xf32>
      %swap3A_951 = arith.index_cast %scan3A_912 : i32 to index
      %swap3A_952 = arith.constant 32 : index
      %swap3A_953 = tpu.vector_load %arg6[%swap3A_951, %swap3A_952] {strides = array<i32>} : memref<200x128xf32, #tpu.memory_space<vmem>>, vector<1x16xf32>,
      %swap3A_954 = vector.shape_cast %swap3A_953 : vector<1x16xf32> to vector<16xf32>
      %swap3A_955 = vector.shape_cast %select_n3A_950 : vector<16xf32> to vector<1x16xf32>
      tpu.vector_store %arg6[%swap3A_951, %swap3A_952], %swap3A_955 {strides = array<i32>} : memref<200x128xf32, #tpu.memory_space<vmem>>, vector<1x16xf32>,
      %get3A_956 = arith.index_cast %scan3A_912 : i32 to index
      %get3A_957 = arith.constant 48 : index
      %get3A_958 = tpu.vector_load %arg4[%get3A_956, %get3A_957] {strides = array<i32>} : memref<200x128xf32, #tpu.memory_space<vmem>>, vector<1x16xf32>,
      %get3A_959 = vector.shape_cast %get3A_958 : vector<1x16xf32> to vector<16xf32>
      %eq3A_960 = vector.broadcast %scan3A_16 : f32 to vector<16xf32>
      %eq3A_961 = arith.cmpf oeq, %get3A_959, %eq3A_960 : vector<16xf32>
      %jit3A_962 = arith.constant 0.000000e+00 : f32
      %jit3A_963 = arith.constant 0xFF800000 : f32
      %broadcast_in_dim3A_964 = vector.broadcast %jit3A_962 : f32 to vector<16xf32>
      %broadcast_in_dim3A_965 = vector.broadcast %jit3A_963 : f32 to vector<16xf32>
      %select_n3A_966 = arith.select %eq3A_961, %broadcast_in_dim3A_964, %broadcast_in_dim3A_965 : vector<16xi1>, vector<16xf32>
      %swap3A_967 = arith.index_cast %scan3A_912 : i32 to index
      %swap3A_968 = arith.constant 48 : index
      %swap3A_969 = tpu.vector_load %arg6[%swap3A_967, %swap3A_968] {strides = array<i32>} : memref<200x128xf32, #tpu.memory_space<vmem>>, vector<1x16xf32>,
      %swap3A_970 = vector.shape_cast %swap3A_969 : vector<1x16xf32> to vector<16xf32>
      %swap3A_971 = vector.shape_cast %select_n3A_966 : vector<16xf32> to vector<1x16xf32>
      tpu.vector_store %arg6[%swap3A_967, %swap3A_968], %swap3A_971 {strides = array<i32>} : memref<200x128xf32, #tpu.memory_space<vmem>>, vector<1x16xf32>,
      %get3A_972 = arith.index_cast %scan3A_912 : i32 to index
      %get3A_973 = arith.constant 64 : index
      %get3A_974 = tpu.vector_load %arg4[%get3A_972, %get3A_973] {strides = array<i32>} : memref<200x128xf32, #tpu.memory_space<vmem>>, vector<1x16xf32>,
      %get3A_975 = vector.shape_cast %get3A_974 : vector<1x16xf32> to vector<16xf32>
      %eq3A_976 = vector.broadcast %scan3A_16 : f32 to vector<16xf32>
      %eq3A_977 = arith.cmpf oeq, %get3A_975, %eq3A_976 : vector<16xf32>
      %jit3A_978 = arith.constant 0.000000e+00 : f32
      %jit3A_979 = arith.constant 0xFF800000 : f32
      %broadcast_in_dim3A_980 = vector.broadcast %jit3A_978 : f32 to vector<16xf32>
      %broadcast_in_dim3A_981 = vector.broadcast %jit3A_979 : f32 to vector<16xf32>
      %select_n3A_982 = arith.select %eq3A_977, %broadcast_in_dim3A_980, %broadcast_in_dim3A_981 : vector<16xi1>, vector<16xf32>
      %swap3A_983 = arith.index_cast %scan3A_912 : i32 to index
      %swap3A_984 = arith.constant 64 : index
      %swap3A_985 = tpu.vector_load %arg6[%swap3A_983, %swap3A_984] {strides = array<i32>} : memref<200x128xf32, #tpu.memory_space<vmem>>, vector<1x16xf32>,
      %swap3A_986 = vector.shape_cast %swap3A_985 : vector<1x16xf32> to vector<16xf32>
      %swap3A_987 = vector.shape_cast %select_n3A_982 : vector<16xf32> to vector<1x16xf32>
      tpu.vector_store %arg6[%swap3A_983, %swap3A_984], %swap3A_987 {strides = array<i32>} : memref<200x128xf32, #tpu.memory_space<vmem>>, vector<1x16xf32>,
      %get3A_988 = arith.index_cast %scan3A_912 : i32 to index
      %get3A_989 = arith.constant 80 : index
      %get3A_990 = tpu.vector_load %arg4[%get3A_988, %get3A_989] {strides = array<i32>} : memref<200x128xf32, #tpu.memory_space<vmem>>, vector<1x16xf32>,
      %get3A_991 = vector.shape_cast %get3A_990 : vector<1x16xf32> to vector<16xf32>
      %eq3A_992 = vector.broadcast %scan3A_16 : f32 to vector<16xf32>
      %eq3A_993 = arith.cmpf oeq, %get3A_991, %eq3A_992 : vector<16xf32>
      %jit3A_994 = arith.constant 0.000000e+00 : f32
      %jit3A_995 = arith.constant 0xFF800000 : f32
      %broadcast_in_dim3A_996 = vector.broadcast %jit3A_994 : f32 to vector<16xf32>
      %broadcast_in_dim3A_997 = vector.broadcast %jit3A_995 : f32 to vector<16xf32>
      %select_n3A_998 = arith.select %eq3A_993, %broadcast_in_dim3A_996, %broadcast_in_dim3A_997 : vector<16xi1>, vector<16xf32>
      %swap3A_999 = arith.index_cast %scan3A_912 : i32 to index
      %swap3A_1000 = arith.constant 80 : index
      %swap3A_1001 = tpu.vector_load %arg6[%swap3A_999, %swap3A_1000] {strides = array<i32>} : memref<200x128xf32, #tpu.memory_space<vmem>>, vector<1x16xf32>,
      %swap3A_1002 = vector.shape_cast %swap3A_1001 : vector<1x16xf32> to vector<16xf32>
      %swap3A_1003 = vector.shape_cast %select_n3A_998 : vector<16xf32> to vector<1x16xf32>
      tpu.vector_store %arg6[%swap3A_999, %swap3A_1000], %swap3A_1003 {strides = array<i32>} : memref<200x128xf32, #tpu.memory_space<vmem>>, vector<1x16xf32>,
      %get3A_1004 = arith.index_cast %scan3A_912 : i32 to index
      %get3A_1005 = arith.constant 96 : index
      %get3A_1006 = tpu.vector_load %arg4[%get3A_1004, %get3A_1005] {strides = array<i32>} : memref<200x128xf32, #tpu.memory_space<vmem>>, vector<1x16xf32>,
      %get3A_1007 = vector.shape_cast %get3A_1006 : vector<1x16xf32> to vector<16xf32>
      %eq3A_1008 = vector.broadcast %scan3A_16 : f32 to vector<16xf32>
      %eq3A_1009 = arith.cmpf oeq, %get3A_1007, %eq3A_1008 : vector<16xf32>
      %jit3A_1010 = arith.constant 0.000000e+00 : f32
      %jit3A_1011 = arith.constant 0xFF800000 : f32
      %broadcast_in_dim3A_1012 = vector.broadcast %jit3A_1010 : f32 to vector<16xf32>
      %broadcast_in_dim3A_1013 = vector.broadcast %jit3A_1011 : f32 to vector<16xf32>
      %select_n3A_1014 = arith.select %eq3A_1009, %broadcast_in_dim3A_1012, %broadcast_in_dim3A_1013 : vector<16xi1>, vector<16xf32>
      %swap3A_1015 = arith.index_cast %scan3A_912 : i32 to index
      %swap3A_1016 = arith.constant 96 : index
      %swap3A_1017 = tpu.vector_load %arg6[%swap3A_1015, %swap3A_1016] {strides = array<i32>} : memref<200x128xf32, #tpu.memory_space<vmem>>, vector<1x16xf32>,
      %swap3A_1018 = vector.shape_cast %swap3A_1017 : vector<1x16xf32> to vector<16xf32>
      %swap3A_1019 = vector.shape_cast %select_n3A_1014 : vector<16xf32> to vector<1x16xf32>
      tpu.vector_store %arg6[%swap3A_1015, %swap3A_1016], %swap3A_1019 {strides = array<i32>} : memref<200x128xf32, #tpu.memory_space<vmem>>, vector<1x16xf32>,
      %get3A_1020 = arith.index_cast %scan3A_912 : i32 to index
      %get3A_1021 = arith.constant 112 : index
      %get3A_1022 = tpu.vector_load %arg4[%get3A_1020, %get3A_1021] {strides = array<i32>} : memref<200x128xf32, #tpu.memory_space<vmem>>, vector<1x16xf32>,
      %get3A_1023 = vector.shape_cast %get3A_1022 : vector<1x16xf32> to vector<16xf32>
      %eq3A_1024 = vector.broadcast %scan3A_16 : f32 to vector<16xf32>
      %eq3A_1025 = arith.cmpf oeq, %get3A_1023, %eq3A_1024 : vector<16xf32>
      %jit3A_1026 = arith.constant 0.000000e+00 : f32
      %jit3A_1027 = arith.constant 0xFF800000 : f32
      %broadcast_in_dim3A_1028 = vector.broadcast %jit3A_1026 : f32 to vector<16xf32>
      %broadcast_in_dim3A_1029 = vector.broadcast %jit3A_1027 : f32 to vector<16xf32>
      %select_n3A_1030 = arith.select %eq3A_1025, %broadcast_in_dim3A_1028, %broadcast_in_dim3A_1029 : vector<16xi1>, vector<16xf32>
      %swap3A_1031 = arith.index_cast %scan3A_912 : i32 to index
      %swap3A_1032 = arith.constant 112 : index
      %swap3A_1033 = tpu.vector_load %arg6[%swap3A_1031, %swap3A_1032] {strides = array<i32>} : memref<200x128xf32, #tpu.memory_space<vmem>>, vector<1x16xf32>,
      %swap3A_1034 = vector.shape_cast %swap3A_1033 : vector<1x16xf32> to vector<16xf32>
      %swap3A_1035 = vector.shape_cast %select_n3A_1030 : vector<16xf32> to vector<1x16xf32>
      tpu.vector_store %arg6[%swap3A_1031, %swap3A_1032], %swap3A_1035 {strides = array<i32>} : memref<200x128xf32, #tpu.memory_space<vmem>>, vector<1x16xf32>,
      %scan3A_1036 = arith.constant 0 : i32
      scf.yield %scan3A_1036 : i32
    }
    %scan3A_23 = arith.constant 200 : i32
    %dma_start3A_24 = arith.constant 1 : i32
    %dma_start3A_25 = arith.constant 0 : i32
    %dma_start3A_26 = tpu.memref_slice %arg3[%dma_start3A_24, %dma_start3A_25, %mul3A_2] : memref<64x200x4096xf32, #tpu.memory_space<hbm>> -> memref<1x200x128xf32, #tpu.memory_space<hbm>>
    %dma_start3A_27 = tpu.memref_squeeze %dma_start3A_26 : memref<1x200x128xf32, #tpu.memory_space<hbm>> -> memref<200x128xf32, #tpu.memory_space<hbm>>
    %dma_start3A_28 = arith.constant 0 : i32
    %dma_start3A_29 = tpu.memref_slice %arg3[%dma_start3A_24, %dma_start3A_28, %mul3A_2] : memref<64x200x4096xf32, #tpu.memory_space<hbm>> -> memref<1x200x128xf32, #tpu.memory_space<hbm>>
    %dma_start3A_30 = tpu.memref_squeeze %dma_start3A_29 : memref<1x200x128xf32, #tpu.memory_space<hbm>> -> memref<200x128xf32, #tpu.memory_space<hbm>>
    tpu.enqueue_dma source(%arg6 : memref<200x128xf32, #tpu.memory_space<vmem>>) target(%dma_start3A_30 : memref<200x128xf32, #tpu.memory_space<hbm>>) target_semaphore(%arg8 : memref<!tpu.dma_semaphore, #tpu.memory_space<semaphore_mem>>)
    %dma_wait3A = arith.constant 0 : i32
    %dma_wait3A_31 = arith.constant 0 : i32
    %dma_wait3A_32 = tpu.memref_slice %arg3[%dma_wait3A, %dma_wait3A_31, %mul3A_2] : memref<64x200x4096xf32, #tpu.memory_space<hbm>> -> memref<1x200x128xf32, #tpu.memory_space<hbm>>
    %dma_wait3A_33 = tpu.memref_squeeze %dma_wait3A_32 : memref<1x200x128xf32, #tpu.memory_space<hbm>> -> memref<200x128xf32, #tpu.memory_space<hbm>>
    %dma_wait3A_34 = arith.constant 0 : i32
    %dma_wait3A_35 = tpu.memref_slice %arg3[%dma_wait3A, %dma_wait3A_34, %mul3A_2] : memref<64x200x4096xf32, #tpu.memory_space<hbm>> -> memref<1x200x128xf32, #tpu.memory_space<hbm>>
    %dma_wait3A_36 = tpu.memref_squeeze %dma_wait3A_35 : memref<1x200x128xf32, #tpu.memory_space<hbm>> -> memref<200x128xf32, #tpu.memory_space<hbm>>
    tpu.wait_dma2 semaphore(%arg7 : memref<!tpu.dma_semaphore, #tpu.memory_space<semaphore_mem>>) src(%arg5 : memref<200x128xf32, #tpu.memory_space<vmem>>) dst(%dma_wait3A_36 : memref<200x128xf32, #tpu.memory_space<hbm>>)
    %dma_start3A_37 = arith.constant 2 : i32
    %dma_start3A_38 = arith.constant 0 : i32
    %dma_start3A_39 = tpu.memref_slice %arg3[%dma_start3A_37, %dma_start3A_38, %mul3A_2] : memref<64x200x4096xf32, #tpu.memory_space<hbm>> -> memref<1x200x128xf32, #tpu.memory_space<hbm>>
    %dma_start3A_40 = tpu.memref_squeeze %dma_start3A_39 : memref<1x200x128xf32, #tpu.memory_space<hbm>> -> memref<200x128xf32, #tpu.memory_space<hbm>>
    %dma_start3A_41 = arith.constant 0 : i32
    %dma_start3A_42 = tpu.memref_slice %arg3[%dma_start3A_37, %dma_start3A_41, %mul3A_2] : memref<64x200x4096xf32, #tpu.memory_space<hbm>> -> memref<1x200x128xf32, #tpu.memory_space<hbm>>
    %dma_start3A_43 = tpu.memref_squeeze %dma_start3A_42 : memref<1x200x128xf32, #tpu.memory_space<hbm>> -> memref<200x128xf32, #tpu.memory_space<hbm>>
    tpu.enqueue_dma source(%arg5 : memref<200x128xf32, #tpu.memory_space<vmem>>) target(%dma_start3A_43 : memref<200x128xf32, #tpu.memory_space<hbm>>) target_semaphore(%arg7 : memref<!tpu.dma_semaphore, #tpu.memory_space<semaphore_mem>>)
    %dma_wait3A_44 = arith.constant 1 : i32
    %dma_wait3A_45 = arith.constant 0 : i32
    %dma_wait3A_46 = tpu.memref_slice %arg3[%dma_wait3A_44, %dma_wait3A_45, %mul3A_2] : memref<64x200x4096xf32, #tpu.memory_space<hbm>> -> memref<1x200x128xf32, #tpu.memory_space<hbm>>
    %dma_wait3A_47 = tpu.memref_squeeze %dma_wait3A_46 : memref<1x200x128xf32, #tpu.memory_space<hbm>> -> memref<200x128xf32, #tpu.memory_space<hbm>>
    %dma_wait3A_48 = arith.constant 0 : i32
    %dma_wait3A_49 = tpu.memref_slice %arg3[%dma_wait3A_44, %dma_wait3A_48, %mul3A_2] : memref<64x200x4096xf32, #tpu.memory_space<hbm>> -> memref<1x200x128xf32, #tpu.memory_space<hbm>>
    %dma_wait3A_50 = tpu.memref_squeeze %dma_wait3A_49 : memref<1x200x128xf32, #tpu.memory_space<hbm>> -> memref<200x128xf32, #tpu.memory_space<hbm>>
    tpu.wait_dma2 semaphore(%arg8 : memref<!tpu.dma_semaphore, #tpu.memory_space<semaphore_mem>>) src(%arg6 : memref<200x128xf32, #tpu.memory_space<vmem>>) dst(%dma_wait3A_50 : memref<200x128xf32, #tpu.memory_space<hbm>>)
    %dma_start3A_51 = arith.constant 3 : i32
    %dma_start3A_52 = arith.constant 0 : i32
    %dma_start3A_53 = tpu.memref_slice %arg3[%dma_start3A_51, %dma_start3A_52, %mul3A_2] : memref<64x200x4096xf32, #tpu.memory_space<hbm>> -> memref<1x200x128xf32, #tpu.memory_space<hbm>>
    %dma_start3A_54 = tpu.memref_squeeze %dma_start3A_53 : memref<1x200x128xf32, #tpu.memory_space<hbm>> -> memref<200x128xf32, #tpu.memory_space<hbm>>
    %dma_start3A_55 = arith.constant 0 : i32
    %dma_start3A_56 = tpu.memref_slice %arg3[%dma_start3A_51, %dma_start3A_55, %mul3A_2] : memref<64x200x4096xf32, #tpu.memory_space<hbm>> -> memref<1x200x128xf32, #tpu.memory_space<hbm>>
    %dma_start3A_57 = tpu.memref_squeeze %dma_start3A_56 : memref<1x200x128xf32, #tpu.memory_space<hbm>> -> memref<200x128xf32, #tpu.memory_space<hbm>>
    tpu.enqueue_dma source(%arg6 : memref<200x128xf32, #tpu.memory_space<vmem>>) target(%dma_start3A_57 : memref<200x128xf32, #tpu.memory_space<hbm>>) target_semaphore(%arg8 : memref<!tpu.dma_semaphore, #tpu.memory_space<semaphore_mem>>)
    %dma_wait3A_58 = arith.constant 2 : i32
    %dma_wait3A_59 = arith.constant 0 : i32
    %dma_wait3A_60 = tpu.memref_slice %arg3[%dma_wait3A_58, %dma_wait3A_59, %mul3A_2] : memref<64x200x4096xf32, #tpu.memory_space<hbm>> -> memref<1x200x128xf32, #tpu.memory_space<hbm>>
    %dma_wait3A_61 = tpu.memref_squeeze %dma_wait3A_60 : memref<1x200x128xf32, #tpu.memory_space<hbm>> -> memref<200x128xf32, #tpu.memory_space<hbm>>
    %dma_wait3A_62 = arith.constant 0 : i32
    %dma_wait3A_63 = tpu.memref_slice %arg3[%dma_wait3A_58, %dma_wait3A_62, %mul3A_2] : memref<64x200x4096xf32, #tpu.memory_space<hbm>> -> memref<1x200x128xf32, #tpu.memory_space<hbm>>
    %dma_wait3A_64 = tpu.memref_squeeze %dma_wait3A_63 : memref<1x200x128xf32, #tpu.memory_space<hbm>> -> memref<200x128xf32, #tpu.memory_space<hbm>>
    tpu.wait_dma2 semaphore(%arg7 : memref<!tpu.dma_semaphore, #tpu.memory_space<semaphore_mem>>) src(%arg5 : memref<200x128xf32, #tpu.memory_space<vmem>>) dst(%dma_wait3A_64 : memref<200x128xf32, #tpu.memory_space<hbm>>)
    %dma_start3A_65 = arith.constant 4 : i32
    %dma_start3A_66 = arith.constant 0 : i32
    %dma_start3A_67 = tpu.memref_slice %arg3[%dma_start3A_65, %dma_start3A_66, %mul3A_2] : memref<64x200x4096xf32, #tpu.memory_space<hbm>> -> memref<1x200x128xf32, #tpu.memory_space<hbm>>
    %dma_start3A_68 = tpu.memref_squeeze %dma_start3A_67 : memref<1x200x128xf32, #tpu.memory_space<hbm>> -> memref<200x128xf32, #tpu.memory_space<hbm>>
    %dma_start3A_69 = arith.constant 0 : i32
    %dma_start3A_70 = tpu.memref_slice %arg3[%dma_start3A_65, %dma_start3A_69, %mul3A_2] : memref<64x200x4096xf32, #tpu.memory_space<hbm>> -> memref<1x200x128xf32, #tpu.memory_space<hbm>>
    %dma_start3A_71 = tpu.memref_squeeze %dma_start3A_70 : memref<1x200x128xf32, #tpu.memory_space<hbm>> -> memref<200x128xf32, #tpu.memory_space<hbm>>
    tpu.enqueue_dma source(%arg5 : memref<200x128xf32, #tpu.memory_space<vmem>>) target(%dma_start3A_71 : memref<200x128xf32, #tpu.memory_space<hbm>>) target_semaphore(%arg7 : memref<!tpu.dma_semaphore, #tpu.memory_space<semaphore_mem>>)
    %dma_wait3A_72 = arith.constant 3 : i32
    %dma_wait3A_73 = arith.constant 0 : i32
    %dma_wait3A_74 = tpu.memref_slice %arg3[%dma_wait3A_72, %dma_wait3A_73, %mul3A_2] : memref<64x200x4096xf32, #tpu.memory_space<hbm>> -> memref<1x200x128xf32, #tpu.memory_space<hbm>>
    %dma_wait3A_75 = tpu.memref_squeeze %dma_wait3A_74 : memref<1x200x128xf32, #tpu.memory_space<hbm>> -> memref<200x128xf32, #tpu.memory_space<hbm>>
    %dma_wait3A_76 = arith.constant 0 : i32
    %dma_wait3A_77 = tpu.memref_slice %arg3[%dma_wait3A_72, %dma_wait3A_76, %mul3A_2] : memref<64x200x4096xf32, #tpu.memory_space<hbm>> -> memref<1x200x128xf32, #tpu.memory_space<hbm>>
    %dma_wait3A_78 = tpu.memref_squeeze %dma_wait3A_77 : memref<1x200x128xf32, #tpu.memory_space<hbm>> -> memref<200x128xf32, #tpu.memory_space<hbm>>
    tpu.wait_dma2 semaphore(%arg8 : memref<!tpu.dma_semaphore, #tpu.memory_space<semaphore_mem>>) src(%arg6 : memref<200x128xf32, #tpu.memory_space<vmem>>) dst(%dma_wait3A_78 : memref<200x128xf32, #tpu.memory_space<hbm>>)
    %dma_start3A_79 = arith.constant 5 : i32
    %dma_start3A_80 = arith.constant 0 : i32
    %dma_start3A_81 = tpu.memref_slice %arg3[%dma_start3A_79, %dma_start3A_80, %mul3A_2] : memref<64x200x4096xf32, #tpu.memory_space<hbm>> -> memref<1x200x128xf32, #tpu.memory_space<hbm>>
    %dma_start3A_82 = tpu.memref_squeeze %dma_start3A_81 : memref<1x200x128xf32, #tpu.memory_space<hbm>> -> memref<200x128xf32, #tpu.memory_space<hbm>>
    %dma_start3A_83 = arith.constant 0 : i32
    %dma_start3A_84 = tpu.memref_slice %arg3[%dma_start3A_79, %dma_start3A_83, %mul3A_2] : memref<64x200x4096xf32, #tpu.memory_space<hbm>> -> memref<1x200x128xf32, #tpu.memory_space<hbm>>
    %dma_start3A_85 = tpu.memref_squeeze %dma_start3A_84 : memref<1x200x128xf32, #tpu.memory_space<hbm>> -> memref<200x128xf32, #tpu.memory_space<hbm>>
    tpu.enqueue_dma source(%arg6 : memref<200x128xf32, #tpu.memory_space<vmem>>) target(%dma_start3A_85 : memref<200x128xf32, #tpu.memory_space<hbm>>) target_semaphore(%arg8 : memref<!tpu.dma_semaphore, #tpu.memory_space<semaphore_mem>>)
    %dma_wait3A_86 = arith.constant 4 : i32
    %dma_wait3A_87 = arith.constant 0 : i32
    %dma_wait3A_88 = tpu.memref_slice %arg3[%dma_wait3A_86, %dma_wait3A_87, %mul3A_2] : memref<64x200x4096xf32, #tpu.memory_space<hbm>> -> memref<1x200x128xf32, #tpu.memory_space<hbm>>
    %dma_wait3A_89 = tpu.memref_squeeze %dma_wait3A_88 : memref<1x200x128xf32, #tpu.memory_space<hbm>> -> memref<200x128xf32, #tpu.memory_space<hbm>>
    %dma_wait3A_90 = arith.constant 0 : i32
    %dma_wait3A_91 = tpu.memref_slice %arg3[%dma_wait3A_86, %dma_wait3A_90, %mul3A_2] : memref<64x200x4096xf32, #tpu.memory_space<hbm>> -> memref<1x200x128xf32, #tpu.memory_space<hbm>>
    %dma_wait3A_92 = tpu.memref_squeeze %dma_wait3A_91 : memref<1x200x128xf32, #tpu.memory_space<hbm>> -> memref<200x128xf32, #tpu.memory_space<hbm>>
    tpu.wait_dma2 semaphore(%arg7 : memref<!tpu.dma_semaphore, #tpu.memory_space<semaphore_mem>>) src(%arg5 : memref<200x128xf32, #tpu.memory_space<vmem>>) dst(%dma_wait3A_92 : memref<200x128xf32, #tpu.memory_space<hbm>>)
    %dma_start3A_93 = arith.constant 6 : i32
    %dma_start3A_94 = arith.constant 0 : i32
    %dma_start3A_95 = tpu.memref_slice %arg3[%dma_start3A_93, %dma_start3A_94, %mul3A_2] : memref<64x200x4096xf32, #tpu.memory_space<hbm>> -> memref<1x200x128xf32, #tpu.memory_space<hbm>>
    %dma_start3A_96 = tpu.memref_squeeze %dma_start3A_95 : memref<1x200x128xf32, #tpu.memory_space<hbm>> -> memref<200x128xf32, #tpu.memory_space<hbm>>
    %dma_start3A_97 = arith.constant 0 : i32
    %dma_start3A_98 = tpu.memref_slice %arg3[%dma_start3A_93, %dma_start3A_97, %mul3A_2] : memref<64x200x4096xf32, #tpu.memory_space<hbm>> -> memref<1x200x128xf32, #tpu.memory_space<hbm>>
    %dma_start3A_99 = tpu.memref_squeeze %dma_start3A_98 : memref<1x200x128xf32, #tpu.memory_space<hbm>> -> memref<200x128xf32, #tpu.memory_space<hbm>>
    tpu.enqueue_dma source(%arg5 : memref<200x128xf32, #tpu.memory_space<vmem>>) target(%dma_start3A_99 : memref<200x128xf32, #tpu.memory_space<hbm>>) target_semaphore(%arg7 : memref<!tpu.dma_semaphore, #tpu.memory_space<semaphore_mem>>)
    %dma_wait3A_100 = arith.constant 5 : i32
    %dma_wait3A_101 = arith.constant 0 : i32
    %dma_wait3A_102 = tpu.memref_slice %arg3[%dma_wait3A_100, %dma_wait3A_101, %mul3A_2] : memref<64x200x4096xf32, #tpu.memory_space<hbm>> -> memref<1x200x128xf32, #tpu.memory_space<hbm>>
    %dma_wait3A_103 = tpu.memref_squeeze %dma_wait3A_102 : memref<1x200x128xf32, #tpu.memory_space<hbm>> -> memref<200x128xf32, #tpu.memory_space<hbm>>
    %dma_wait3A_104 = arith.constant 0 : i32
    %dma_wait3A_105 = tpu.memref_slice %arg3[%dma_wait3A_100, %dma_wait3A_104, %mul3A_2] : memref<64x200x4096xf32, #tpu.memory_space<hbm>> -> memref<1x200x128xf32, #tpu.memory_space<hbm>>
    %dma_wait3A_106 = tpu.memref_squeeze %dma_wait3A_105 : memref<1x200x128xf32, #tpu.memory_space<hbm>> -> memref<200x128xf32, #tpu.memory_space<hbm>>
    tpu.wait_dma2 semaphore(%arg8 : memref<!tpu.dma_semaphore, #tpu.memory_space<semaphore_mem>>) src(%arg6 : memref<200x128xf32, #tpu.memory_space<vmem>>) dst(%dma_wait3A_106 : memref<200x128xf32, #tpu.memory_space<hbm>>)
    %dma_start3A_107 = arith.constant 7 : i32
    %dma_start3A_108 = arith.constant 0 : i32
    %dma_start3A_109 = tpu.memref_slice %arg3[%dma_start3A_107, %dma_start3A_108, %mul3A_2] : memref<64x200x4096xf32, #tpu.memory_space<hbm>> -> memref<1x200x128xf32, #tpu.memory_space<hbm>>
    %dma_start3A_110 = tpu.memref_squeeze %dma_start3A_109 : memref<1x200x128xf32, #tpu.memory_space<hbm>> -> memref<200x128xf32, #tpu.memory_space<hbm>>
    %dma_start3A_111 = arith.constant 0 : i32
    %dma_start3A_112 = tpu.memref_slice %arg3[%dma_start3A_107, %dma_start3A_111, %mul3A_2] : memref<64x200x4096xf32, #tpu.memory_space<hbm>> -> memref<1x200x128xf32, #tpu.memory_space<hbm>>
    %dma_start3A_113 = tpu.memref_squeeze %dma_start3A_112 : memref<1x200x128xf32, #tpu.memory_space<hbm>> -> memref<200x128xf32, #tpu.memory_space<hbm>>
    tpu.enqueue_dma source(%arg6 : memref<200x128xf32, #tpu.memory_space<vmem>>) target(%dma_start3A_113 : memref<200x128xf32, #tpu.memory_space<hbm>>) target_semaphore(%arg8 : memref<!tpu.dma_semaphore, #tpu.memory_space<semaphore_mem>>)
    %dma_wait3A_114 = arith.constant 6 : i32
    %dma_wait3A_115 = arith.constant 0 : i32
    %dma_wait3A_116 = tpu.memref_slice %arg3[%dma_wait3A_114, %dma_wait3A_115, %mul3A_2] : memref<64x200x4096xf32, #tpu.memory_space<hbm>> -> memref<1x200x128xf32, #tpu.memory_space<hbm>>
    %dma_wait3A_117 = tpu.memref_squeeze %dma_wait3A_116 : memref<1x200x128xf32, #tpu.memory_space<hbm>> -> memref<200x128xf32, #tpu.memory_space<hbm>>
    %dma_wait3A_118 = arith.constant 0 : i32
    %dma_wait3A_119 = tpu.memref_slice %arg3[%dma_wait3A_114, %dma_wait3A_118, %mul3A_2] : memref<64x200x4096xf32, #tpu.memory_space<hbm>> -> memref<1x200x128xf32, #tpu.memory_space<hbm>>
    %dma_wait3A_120 = tpu.memref_squeeze %dma_wait3A_119 : memref<1x200x128xf32, #tpu.memory_space<hbm>> -> memref<200x128xf32, #tpu.memory_space<hbm>>
    tpu.wait_dma2 semaphore(%arg7 : memref<!tpu.dma_semaphore, #tpu.memory_space<semaphore_mem>>) src(%arg5 : memref<200x128xf32, #tpu.memory_space<vmem>>) dst(%dma_wait3A_120 : memref<200x128xf32, #tpu.memory_space<hbm>>)
    %dma_start3A_121 = arith.constant 8 : i32
    %dma_start3A_122 = arith.constant 0 : i32
    %dma_start3A_123 = tpu.memref_slice %arg3[%dma_start3A_121, %dma_start3A_122, %mul3A_2] : memref<64x200x4096xf32, #tpu.memory_space<hbm>> -> memref<1x200x128xf32, #tpu.memory_space<hbm>>
    %dma_start3A_124 = tpu.memref_squeeze %dma_start3A_123 : memref<1x200x128xf32, #tpu.memory_space<hbm>> -> memref<200x128xf32, #tpu.memory_space<hbm>>
    %dma_start3A_125 = arith.constant 0 : i32
    %dma_start3A_126 = tpu.memref_slice %arg3[%dma_start3A_121, %dma_start3A_125, %mul3A_2] : memref<64x200x4096xf32, #tpu.memory_space<hbm>> -> memref<1x200x128xf32, #tpu.memory_space<hbm>>
    %dma_start3A_127 = tpu.memref_squeeze %dma_start3A_126 : memref<1x200x128xf32, #tpu.memory_space<hbm>> -> memref<200x128xf32, #tpu.memory_space<hbm>>
    tpu.enqueue_dma source(%arg5 : memref<200x128xf32, #tpu.memory_space<vmem>>) target(%dma_start3A_127 : memref<200x128xf32, #tpu.memory_space<hbm>>) target_semaphore(%arg7 : memref<!tpu.dma_semaphore, #tpu.memory_space<semaphore_mem>>)
    %dma_wait3A_128 = arith.constant 7 : i32
    %dma_wait3A_129 = arith.constant 0 : i32
    %dma_wait3A_130 = tpu.memref_slice %arg3[%dma_wait3A_128, %dma_wait3A_129, %mul3A_2] : memref<64x200x4096xf32, #tpu.memory_space<hbm>> -> memref<1x200x128xf32, #tpu.memory_space<hbm>>
    %dma_wait3A_131 = tpu.memref_squeeze %dma_wait3A_130 : memref<1x200x128xf32, #tpu.memory_space<hbm>> -> memref<200x128xf32, #tpu.memory_space<hbm>>
    %dma_wait3A_132 = arith.constant 0 : i32
    %dma_wait3A_133 = tpu.memref_slice %arg3[%dma_wait3A_128, %dma_wait3A_132, %mul3A_2] : memref<64x200x4096xf32, #tpu.memory_space<hbm>> -> memref<1x200x128xf32, #tpu.memory_space<hbm>>
    %dma_wait3A_134 = tpu.memref_squeeze %dma_wait3A_133 : memref<1x200x128xf32, #tpu.memory_space<hbm>> -> memref<200x128xf32, #tpu.memory_space<hbm>>
    tpu.wait_dma2 semaphore(%arg8 : memref<!tpu.dma_semaphore, #tpu.memory_space<semaphore_mem>>) src(%arg6 : memref<200x128xf32, #tpu.memory_space<vmem>>) dst(%dma_wait3A_134 : memref<200x128xf32, #tpu.memory_space<hbm>>)
    %dma_start3A_135 = arith.constant 9 : i32
    %dma_start3A_136 = arith.constant 0 : i32
    %dma_start3A_137 = tpu.memref_slice %arg3[%dma_start3A_135, %dma_start3A_136, %mul3A_2] : memref<64x200x4096xf32, #tpu.memory_space<hbm>> -> memref<1x200x128xf32, #tpu.memory_space<hbm>>
    %dma_start3A_138 = tpu.memref_squeeze %dma_start3A_137 : memref<1x200x128xf32, #tpu.memory_space<hbm>> -> memref<200x128xf32, #tpu.memory_space<hbm>>
    %dma_start3A_139 = arith.constant 0 : i32
    %dma_start3A_140 = tpu.memref_slice %arg3[%dma_start3A_135, %dma_start3A_139, %mul3A_2] : memref<64x200x4096xf32, #tpu.memory_space<hbm>> -> memref<1x200x128xf32, #tpu.memory_space<hbm>>
    %dma_start3A_141 = tpu.memref_squeeze %dma_start3A_140 : memref<1x200x128xf32, #tpu.memory_space<hbm>> -> memref<200x128xf32, #tpu.memory_space<hbm>>
    tpu.enqueue_dma source(%arg6 : memref<200x128xf32, #tpu.memory_space<vmem>>) target(%dma_start3A_141 : memref<200x128xf32, #tpu.memory_space<hbm>>) target_semaphore(%arg8 : memref<!tpu.dma_semaphore, #tpu.memory_space<semaphore_mem>>)
    %dma_wait3A_142 = arith.constant 8 : i32
    %dma_wait3A_143 = arith.constant 0 : i32
    %dma_wait3A_144 = tpu.memref_slice %arg3[%dma_wait3A_142, %dma_wait3A_143, %mul3A_2] : memref<64x200x4096xf32, #tpu.memory_space<hbm>> -> memref<1x200x128xf32, #tpu.memory_space<hbm>>
    %dma_wait3A_145 = tpu.memref_squeeze %dma_wait3A_144 : memref<1x200x128xf32, #tpu.memory_space<hbm>> -> memref<200x128xf32, #tpu.memory_space<hbm>>
    %dma_wait3A_146 = arith.constant 0 : i32
    %dma_wait3A_147 = tpu.memref_slice %arg3[%dma_wait3A_142, %dma_wait3A_146, %mul3A_2] : memref<64x200x4096xf32, #tpu.memory_space<hbm>> -> memref<1x200x128xf32, #tpu.memory_space<hbm>>
    %dma_wait3A_148 = tpu.memref_squeeze %dma_wait3A_147 : memref<1x200x128xf32, #tpu.memory_space<hbm>> -> memref<200x128xf32, #tpu.memory_space<hbm>>
    tpu.wait_dma2 semaphore(%arg7 : memref<!tpu.dma_semaphore, #tpu.memory_space<semaphore_mem>>) src(%arg5 : memref<200x128xf32, #tpu.memory_space<vmem>>) dst(%dma_wait3A_148 : memref<200x128xf32, #tpu.memory_space<hbm>>)
    %dma_start3A_149 = arith.constant 10 : i32
    %dma_start3A_150 = arith.constant 0 : i32
    %dma_start3A_151 = tpu.memref_slice %arg3[%dma_start3A_149, %dma_start3A_150, %mul3A_2] : memref<64x200x4096xf32, #tpu.memory_space<hbm>> -> memref<1x200x128xf32, #tpu.memory_space<hbm>>
    %dma_start3A_152 = tpu.memref_squeeze %dma_start3A_151 : memref<1x200x128xf32, #tpu.memory_space<hbm>> -> memref<200x128xf32, #tpu.memory_space<hbm>>
    %dma_start3A_153 = arith.constant 0 : i32
    %dma_start3A_154 = tpu.memref_slice %arg3[%dma_start3A_149, %dma_start3A_153, %mul3A_2] : memref<64x200x4096xf32, #tpu.memory_space<hbm>> -> memref<1x200x128xf32, #tpu.memory_space<hbm>>
    %dma_start3A_155 = tpu.memref_squeeze %dma_start3A_154 : memref<1x200x128xf32, #tpu.memory_space<hbm>> -> memref<200x128xf32, #tpu.memory_space<hbm>>
    tpu.enqueue_dma source(%arg5 : memref<200x128xf32, #tpu.memory_space<vmem>>) target(%dma_start3A_155 : memref<200x128xf32, #tpu.memory_space<hbm>>) target_semaphore(%arg7 : memref<!tpu.dma_semaphore, #tpu.memory_space<semaphore_mem>>)
    %dma_wait3A_156 = arith.constant 9 : i32
    %dma_wait3A_157 = arith.constant 0 : i32
    %dma_wait3A_158 = tpu.memref_slice %arg3[%dma_wait3A_156, %dma_wait3A_157, %mul3A_2] : memref<64x200x4096xf32, #tpu.memory_space<hbm>> -> memref<1x200x128xf32, #tpu.memory_space<hbm>>
    %dma_wait3A_159 = tpu.memref_squeeze %dma_wait3A_158 : memref<1x200x128xf32, #tpu.memory_space<hbm>> -> memref<200x128xf32, #tpu.memory_space<hbm>>
    %dma_wait3A_160 = arith.constant 0 : i32
    %dma_wait3A_161 = tpu.memref_slice %arg3[%dma_wait3A_156, %dma_wait3A_160, %mul3A_2] : memref<64x200x4096xf32, #tpu.memory_space<hbm>> -> memref<1x200x128xf32, #tpu.memory_space<hbm>>
    %dma_wait3A_162 = tpu.memref_squeeze %dma_wait3A_161 : memref<1x200x128xf32, #tpu.memory_space<hbm>> -> memref<200x128xf32, #tpu.memory_space<hbm>>
    tpu.wait_dma2 semaphore(%arg8 : memref<!tpu.dma_semaphore, #tpu.memory_space<semaphore_mem>>) src(%arg6 : memref<200x128xf32, #tpu.memory_space<vmem>>) dst(%dma_wait3A_162 : memref<200x128xf32, #tpu.memory_space<hbm>>)
    %dma_start3A_163 = arith.constant 11 : i32
    %dma_start3A_164 = arith.constant 0 : i32
    %dma_start3A_165 = tpu.memref_slice %arg3[%dma_start3A_163, %dma_start3A_164, %mul3A_2] : memref<64x200x4096xf32, #tpu.memory_space<hbm>> -> memref<1x200x128xf32, #tpu.memory_space<hbm>>
    %dma_start3A_166 = tpu.memref_squeeze %dma_start3A_165 : memref<1x200x128xf32, #tpu.memory_space<hbm>> -> memref<200x128xf32, #tpu.memory_space<hbm>>
    %dma_start3A_167 = arith.constant 0 : i32
    %dma_start3A_168 = tpu.memref_slice %arg3[%dma_start3A_163, %dma_start3A_167, %mul3A_2] : memref<64x200x4096xf32, #tpu.memory_space<hbm>> -> memref<1x200x128xf32, #tpu.memory_space<hbm>>
    %dma_start3A_169 = tpu.memref_squeeze %dma_start3A_168 : memref<1x200x128xf32, #tpu.memory_space<hbm>> -> memref<200x128xf32, #tpu.memory_space<hbm>>
    tpu.enqueue_dma source(%arg6 : memref<200x128xf32, #tpu.memory_space<vmem>>) target(%dma_start3A_169 : memref<200x128xf32, #tpu.memory_space<hbm>>) target_semaphore(%arg8 : memref<!tpu.dma_semaphore, #tpu.memory_space<semaphore_mem>>)
    %dma_wait3A_170 = arith.constant 10 : i32
    %dma_wait3A_171 = arith.constant 0 : i32
    %dma_wait3A_172 = tpu.memref_slice %arg3[%dma_wait3A_170, %dma_wait3A_171, %mul3A_2] : memref<64x200x4096xf32, #tpu.memory_space<hbm>> -> memref<1x200x128xf32, #tpu.memory_space<hbm>>
    %dma_wait3A_173 = tpu.memref_squeeze %dma_wait3A_172 : memref<1x200x128xf32, #tpu.memory_space<hbm>> -> memref<200x128xf32, #tpu.memory_space<hbm>>
    %dma_wait3A_174 = arith.constant 0 : i32
    %dma_wait3A_175 = tpu.memref_slice %arg3[%dma_wait3A_170, %dma_wait3A_174, %mul3A_2] : memref<64x200x4096xf32, #tpu.memory_space<hbm>> -> memref<1x200x128xf32, #tpu.memory_space<hbm>>
    %dma_wait3A_176 = tpu.memref_squeeze %dma_wait3A_175 : memref<1x200x128xf32, #tpu.memory_space<hbm>> -> memref<200x128xf32, #tpu.memory_space<hbm>>
    tpu.wait_dma2 semaphore(%arg7 : memref<!tpu.dma_semaphore, #tpu.memory_space<semaphore_mem>>) src(%arg5 : memref<200x128xf32, #tpu.memory_space<vmem>>) dst(%dma_wait3A_176 : memref<200x128xf32, #tpu.memory_space<hbm>>)
    %dma_start3A_177 = arith.constant 12 : i32
    %dma_start3A_178 = arith.constant 0 : i32
    %dma_start3A_179 = tpu.memref_slice %arg3[%dma_start3A_177, %dma_start3A_178, %mul3A_2] : memref<64x200x4096xf32, #tpu.memory_space<hbm>> -> memref<1x200x128xf32, #tpu.memory_space<hbm>>
    %dma_start3A_180 = tpu.memref_squeeze %dma_start3A_179 : memref<1x200x128xf32, #tpu.memory_space<hbm>> -> memref<200x128xf32, #tpu.memory_space<hbm>>
    %dma_start3A_181 = arith.constant 0 : i32
    %dma_start3A_182 = tpu.memref_slice %arg3[%dma_start3A_177, %dma_start3A_181, %mul3A_2] : memref<64x200x4096xf32, #tpu.memory_space<hbm>> -> memref<1x200x128xf32, #tpu.memory_space<hbm>>
    %dma_start3A_183 = tpu.memref_squeeze %dma_start3A_182 : memref<1x200x128xf32, #tpu.memory_space<hbm>> -> memref<200x128xf32, #tpu.memory_space<hbm>>
    tpu.enqueue_dma source(%arg5 : memref<200x128xf32, #tpu.memory_space<vmem>>) target(%dma_start3A_183 : memref<200x128xf32, #tpu.memory_space<hbm>>) target_semaphore(%arg7 : memref<!tpu.dma_semaphore, #tpu.memory_space<semaphore_mem>>)
    %dma_wait3A_184 = arith.constant 11 : i32
    %dma_wait3A_185 = arith.constant 0 : i32
    %dma_wait3A_186 = tpu.memref_slice %arg3[%dma_wait3A_184, %dma_wait3A_185, %mul3A_2] : memref<64x200x4096xf32, #tpu.memory_space<hbm>> -> memref<1x200x128xf32, #tpu.memory_space<hbm>>
    %dma_wait3A_187 = tpu.memref_squeeze %dma_wait3A_186 : memref<1x200x128xf32, #tpu.memory_space<hbm>> -> memref<200x128xf32, #tpu.memory_space<hbm>>
    %dma_wait3A_188 = arith.constant 0 : i32
    %dma_wait3A_189 = tpu.memref_slice %arg3[%dma_wait3A_184, %dma_wait3A_188, %mul3A_2] : memref<64x200x4096xf32, #tpu.memory_space<hbm>> -> memref<1x200x128xf32, #tpu.memory_space<hbm>>
    %dma_wait3A_190 = tpu.memref_squeeze %dma_wait3A_189 : memref<1x200x128xf32, #tpu.memory_space<hbm>> -> memref<200x128xf32, #tpu.memory_space<hbm>>
    tpu.wait_dma2 semaphore(%arg8 : memref<!tpu.dma_semaphore, #tpu.memory_space<semaphore_mem>>) src(%arg6 : memref<200x128xf32, #tpu.memory_space<vmem>>) dst(%dma_wait3A_190 : memref<200x128xf32, #tpu.memory_space<hbm>>)
    %dma_start3A_191 = arith.constant 13 : i32
    %dma_start3A_192 = arith.constant 0 : i32
    %dma_start3A_193 = tpu.memref_slice %arg3[%dma_start3A_191, %dma_start3A_192, %mul3A_2] : memref<64x200x4096xf32, #tpu.memory_space<hbm>> -> memref<1x200x128xf32, #tpu.memory_space<hbm>>
    %dma_start3A_194 = tpu.memref_squeeze %dma_start3A_193 : memref<1x200x128xf32, #tpu.memory_space<hbm>> -> memref<200x128xf32, #tpu.memory_space<hbm>>
    %dma_start3A_195 = arith.constant 0 : i32
    %dma_start3A_196 = tpu.memref_slice %arg3[%dma_start3A_191, %dma_start3A_195, %mul3A_2] : memref<64x200x4096xf32, #tpu.memory_space<hbm>> -> memref<1x200x128xf32, #tpu.memory_space<hbm>>
    %dma_start3A_197 = tpu.memref_squeeze %dma_start3A_196 : memref<1x200x128xf32, #tpu.memory_space<hbm>> -> memref<200x128xf32, #tpu.memory_space<hbm>>
    tpu.enqueue_dma source(%arg6 : memref<200x128xf32, #tpu.memory_space<vmem>>) target(%dma_start3A_197 : memref<200x128xf32, #tpu.memory_space<hbm>>) target_semaphore(%arg8 : memref<!tpu.dma_semaphore, #tpu.memory_space<semaphore_mem>>)
    %dma_wait3A_198 = arith.constant 12 : i32
    %dma_wait3A_199 = arith.constant 0 : i32
    %dma_wait3A_200 = tpu.memref_slice %arg3[%dma_wait3A_198, %dma_wait3A_199, %mul3A_2] : memref<64x200x4096xf32, #tpu.memory_space<hbm>> -> memref<1x200x128xf32, #tpu.memory_space<hbm>>
    %dma_wait3A_201 = tpu.memref_squeeze %dma_wait3A_200 : memref<1x200x128xf32, #tpu.memory_space<hbm>> -> memref<200x128xf32, #tpu.memory_space<hbm>>
    %dma_wait3A_202 = arith.constant 0 : i32
    %dma_wait3A_203 = tpu.memref_slice %arg3[%dma_wait3A_198, %dma_wait3A_202, %mul3A_2] : memref<64x200x4096xf32, #tpu.memory_space<hbm>> -> memref<1x200x128xf32, #tpu.memory_space<hbm>>
    %dma_wait3A_204 = tpu.memref_squeeze %dma_wait3A_203 : memref<1x200x128xf32, #tpu.memory_space<hbm>> -> memref<200x128xf32, #tpu.memory_space<hbm>>
    tpu.wait_dma2 semaphore(%arg7 : memref<!tpu.dma_semaphore, #tpu.memory_space<semaphore_mem>>) src(%arg5 : memref<200x128xf32, #tpu.memory_space<vmem>>) dst(%dma_wait3A_204 : memref<200x128xf32, #tpu.memory_space<hbm>>)
    %dma_start3A_205 = arith.constant 14 : i32
    %dma_start3A_206 = arith.constant 0 : i32
    %dma_start3A_207 = tpu.memref_slice %arg3[%dma_start3A_205, %dma_start3A_206, %mul3A_2] : memref<64x200x4096xf32, #tpu.memory_space<hbm>> -> memref<1x200x128xf32, #tpu.memory_space<hbm>>
    %dma_start3A_208 = tpu.memref_squeeze %dma_start3A_207 : memref<1x200x128xf32, #tpu.memory_space<hbm>> -> memref<200x128xf32, #tpu.memory_space<hbm>>
    %dma_start3A_209 = arith.constant 0 : i32
    %dma_start3A_210 = tpu.memref_slice %arg3[%dma_start3A_205, %dma_start3A_209, %mul3A_2] : memref<64x200x4096xf32, #tpu.memory_space<hbm>> -> memref<1x200x128xf32, #tpu.memory_space<hbm>>
    %dma_start3A_211 = tpu.memref_squeeze %dma_start3A_210 : memref<1x200x128xf32, #tpu.memory_space<hbm>> -> memref<200x128xf32, #tpu.memory_space<hbm>>
    tpu.enqueue_dma source(%arg5 : memref<200x128xf32, #tpu.memory_space<vmem>>) target(%dma_start3A_211 : memref<200x128xf32, #tpu.memory_space<hbm>>) target_semaphore(%arg7 : memref<!tpu.dma_semaphore, #tpu.memory_space<semaphore_mem>>)
    %dma_wait3A_212 = arith.constant 13 : i32
    %dma_wait3A_213 = arith.constant 0 : i32
    %dma_wait3A_214 = tpu.memref_slice %arg3[%dma_wait3A_212, %dma_wait3A_213, %mul3A_2] : memref<64x200x4096xf32, #tpu.memory_space<hbm>> -> memref<1x200x128xf32, #tpu.memory_space<hbm>>
    %dma_wait3A_215 = tpu.memref_squeeze %dma_wait3A_214 : memref<1x200x128xf32, #tpu.memory_space<hbm>> -> memref<200x128xf32, #tpu.memory_space<hbm>>
    %dma_wait3A_216 = arith.constant 0 : i32
    %dma_wait3A_217 = tpu.memref_slice %arg3[%dma_wait3A_212, %dma_wait3A_216, %mul3A_2] : memref<64x200x4096xf32, #tpu.memory_space<hbm>> -> memref<1x200x128xf32, #tpu.memory_space<hbm>>
    %dma_wait3A_218 = tpu.memref_squeeze %dma_wait3A_217 : memref<1x200x128xf32, #tpu.memory_space<hbm>> -> memref<200x128xf32, #tpu.memory_space<hbm>>
    tpu.wait_dma2 semaphore(%arg8 : memref<!tpu.dma_semaphore, #tpu.memory_space<semaphore_mem>>) src(%arg6 : memref<200x128xf32, #tpu.memory_space<vmem>>) dst(%dma_wait3A_218 : memref<200x128xf32, #tpu.memory_space<hbm>>)
    %dma_start3A_219 = arith.constant 15 : i32
    %dma_start3A_220 = arith.constant 0 : i32
    %dma_start3A_221 = tpu.memref_slice %arg3[%dma_start3A_219, %dma_start3A_220, %mul3A_2] : memref<64x200x4096xf32, #tpu.memory_space<hbm>> -> memref<1x200x128xf32, #tpu.memory_space<hbm>>
    %dma_start3A_222 = tpu.memref_squeeze %dma_start3A_221 : memref<1x200x128xf32, #tpu.memory_space<hbm>> -> memref<200x128xf32, #tpu.memory_space<hbm>>
    %dma_start3A_223 = arith.constant 0 : i32
    %dma_start3A_224 = tpu.memref_slice %arg3[%dma_start3A_219, %dma_start3A_223, %mul3A_2] : memref<64x200x4096xf32, #tpu.memory_space<hbm>> -> memref<1x200x128xf32, #tpu.memory_space<hbm>>
    %dma_start3A_225 = tpu.memref_squeeze %dma_start3A_224 : memref<1x200x128xf32, #tpu.memory_space<hbm>> -> memref<200x128xf32, #tpu.memory_space<hbm>>
    tpu.enqueue_dma source(%arg6 : memref<200x128xf32, #tpu.memory_space<vmem>>) target(%dma_start3A_225 : memref<200x128xf32, #tpu.memory_space<hbm>>) target_semaphore(%arg8 : memref<!tpu.dma_semaphore, #tpu.memory_space<semaphore_mem>>)
    %dma_wait3A_226 = arith.constant 14 : i32
    %dma_wait3A_227 = arith.constant 0 : i32
    %dma_wait3A_228 = tpu.memref_slice %arg3[%dma_wait3A_226, %dma_wait3A_227, %mul3A_2] : memref<64x200x4096xf32, #tpu.memory_space<hbm>> -> memref<1x200x128xf32, #tpu.memory_space<hbm>>
    %dma_wait3A_229 = tpu.memref_squeeze %dma_wait3A_228 : memref<1x200x128xf32, #tpu.memory_space<hbm>> -> memref<200x128xf32, #tpu.memory_space<hbm>>
    %dma_wait3A_230 = arith.constant 0 : i32
    %dma_wait3A_231 = tpu.memref_slice %arg3[%dma_wait3A_226, %dma_wait3A_230, %mul3A_2] : memref<64x200x4096xf32, #tpu.memory_space<hbm>> -> memref<1x200x128xf32, #tpu.memory_space<hbm>>
    %dma_wait3A_232 = tpu.memref_squeeze %dma_wait3A_231 : memref<1x200x128xf32, #tpu.memory_space<hbm>> -> memref<200x128xf32, #tpu.memory_space<hbm>>
    tpu.wait_dma2 semaphore(%arg7 : memref<!tpu.dma_semaphore, #tpu.memory_space<semaphore_mem>>) src(%arg5 : memref<200x128xf32, #tpu.memory_space<vmem>>) dst(%dma_wait3A_232 : memref<200x128xf32, #tpu.memory_space<hbm>>)
    %dma_start3A_233 = arith.constant 16 : i32
    %dma_start3A_234 = arith.constant 0 : i32
    %dma_start3A_235 = tpu.memref_slice %arg3[%dma_start3A_233, %dma_start3A_234, %mul3A_2] : memref<64x200x4096xf32, #tpu.memory_space<hbm>> -> memref<1x200x128xf32, #tpu.memory_space<hbm>>
    %dma_start3A_236 = tpu.memref_squeeze %dma_start3A_235 : memref<1x200x128xf32, #tpu.memory_space<hbm>> -> memref<200x128xf32, #tpu.memory_space<hbm>>
    %dma_start3A_237 = arith.constant 0 : i32
    %dma_start3A_238 = tpu.memref_slice %arg3[%dma_start3A_233, %dma_start3A_237, %mul3A_2] : memref<64x200x4096xf32, #tpu.memory_space<hbm>> -> memref<1x200x128xf32, #tpu.memory_space<hbm>>
    %dma_start3A_239 = tpu.memref_squeeze %dma_start3A_238 : memref<1x200x128xf32, #tpu.memory_space<hbm>> -> memref<200x128xf32, #tpu.memory_space<hbm>>
    tpu.enqueue_dma source(%arg5 : memref<200x128xf32, #tpu.memory_space<vmem>>) target(%dma_start3A_239 : memref<200x128xf32, #tpu.memory_space<hbm>>) target_semaphore(%arg7 : memref<!tpu.dma_semaphore, #tpu.memory_space<semaphore_mem>>)
    %dma_wait3A_240 = arith.constant 15 : i32
    %dma_wait3A_241 = arith.constant 0 : i32
    %dma_wait3A_242 = tpu.memref_slice %arg3[%dma_wait3A_240, %dma_wait3A_241, %mul3A_2] : memref<64x200x4096xf32, #tpu.memory_space<hbm>> -> memref<1x200x128xf32, #tpu.memory_space<hbm>>
    %dma_wait3A_243 = tpu.memref_squeeze %dma_wait3A_242 : memref<1x200x128xf32, #tpu.memory_space<hbm>> -> memref<200x128xf32, #tpu.memory_space<hbm>>
    %dma_wait3A_244 = arith.constant 0 : i32
    %dma_wait3A_245 = tpu.memref_slice %arg3[%dma_wait3A_240, %dma_wait3A_244, %mul3A_2] : memref<64x200x4096xf32, #tpu.memory_space<hbm>> -> memref<1x200x128xf32, #tpu.memory_space<hbm>>
    %dma_wait3A_246 = tpu.memref_squeeze %dma_wait3A_245 : memref<1x200x128xf32, #tpu.memory_space<hbm>> -> memref<200x128xf32, #tpu.memory_space<hbm>>
    tpu.wait_dma2 semaphore(%arg8 : memref<!tpu.dma_semaphore, #tpu.memory_space<semaphore_mem>>) src(%arg6 : memref<200x128xf32, #tpu.memory_space<vmem>>) dst(%dma_wait3A_246 : memref<200x128xf32, #tpu.memory_space<hbm>>)
    %dma_start3A_247 = arith.constant 17 : i32
    %dma_start3A_248 = arith.constant 0 : i32
    %dma_start3A_249 = tpu.memref_slice %arg3[%dma_start3A_247, %dma_start3A_248, %mul3A_2] : memref<64x200x4096xf32, #tpu.memory_space<hbm>> -> memref<1x200x128xf32, #tpu.memory_space<hbm>>
    %dma_start3A_250 = tpu.memref_squeeze %dma_start3A_249 : memref<1x200x128xf32, #tpu.memory_space<hbm>> -> memref<200x128xf32, #tpu.memory_space<hbm>>
    %dma_start3A_251 = arith.constant 0 : i32
    %dma_start3A_252 = tpu.memref_slice %arg3[%dma_start3A_247, %dma_start3A_251, %mul3A_2] : memref<64x200x4096xf32, #tpu.memory_space<hbm>> -> memref<1x200x128xf32, #tpu.memory_space<hbm>>
    %dma_start3A_253 = tpu.memref_squeeze %dma_start3A_252 : memref<1x200x128xf32, #tpu.memory_space<hbm>> -> memref<200x128xf32, #tpu.memory_space<hbm>>
    tpu.enqueue_dma source(%arg6 : memref<200x128xf32, #tpu.memory_space<vmem>>) target(%dma_start3A_253 : memref<200x128xf32, #tpu.memory_space<hbm>>) target_semaphore(%arg8 : memref<!tpu.dma_semaphore, #tpu.memory_space<semaphore_mem>>)
    %dma_wait3A_254 = arith.constant 16 : i32
    %dma_wait3A_255 = arith.constant 0 : i32
    %dma_wait3A_256 = tpu.memref_slice %arg3[%dma_wait3A_254, %dma_wait3A_255, %mul3A_2] : memref<64x200x4096xf32, #tpu.memory_space<hbm>> -> memref<1x200x128xf32, #tpu.memory_space<hbm>>
    %dma_wait3A_257 = tpu.memref_squeeze %dma_wait3A_256 : memref<1x200x128xf32, #tpu.memory_space<hbm>> -> memref<200x128xf32, #tpu.memory_space<hbm>>
    %dma_wait3A_258 = arith.constant 0 : i32
    %dma_wait3A_259 = tpu.memref_slice %arg3[%dma_wait3A_254, %dma_wait3A_258, %mul3A_2] : memref<64x200x4096xf32, #tpu.memory_space<hbm>> -> memref<1x200x128xf32, #tpu.memory_space<hbm>>
    %dma_wait3A_260 = tpu.memref_squeeze %dma_wait3A_259 : memref<1x200x128xf32, #tpu.memory_space<hbm>> -> memref<200x128xf32, #tpu.memory_space<hbm>>
    tpu.wait_dma2 semaphore(%arg7 : memref<!tpu.dma_semaphore, #tpu.memory_space<semaphore_mem>>) src(%arg5 : memref<200x128xf32, #tpu.memory_space<vmem>>) dst(%dma_wait3A_260 : memref<200x128xf32, #tpu.memory_space<hbm>>)
    %dma_start3A_261 = arith.constant 18 : i32
    %dma_start3A_262 = arith.constant 0 : i32
    %dma_start3A_263 = tpu.memref_slice %arg3[%dma_start3A_261, %dma_start3A_262, %mul3A_2] : memref<64x200x4096xf32, #tpu.memory_space<hbm>> -> memref<1x200x128xf32, #tpu.memory_space<hbm>>
    %dma_start3A_264 = tpu.memref_squeeze %dma_start3A_263 : memref<1x200x128xf32, #tpu.memory_space<hbm>> -> memref<200x128xf32, #tpu.memory_space<hbm>>
    %dma_start3A_265 = arith.constant 0 : i32
    %dma_start3A_266 = tpu.memref_slice %arg3[%dma_start3A_261, %dma_start3A_265, %mul3A_2] : memref<64x200x4096xf32, #tpu.memory_space<hbm>> -> memref<1x200x128xf32, #tpu.memory_space<hbm>>
    %dma_start3A_267 = tpu.memref_squeeze %dma_start3A_266 : memref<1x200x128xf32, #tpu.memory_space<hbm>> -> memref<200x128xf32, #tpu.memory_space<hbm>>
    tpu.enqueue_dma source(%arg5 : memref<200x128xf32, #tpu.memory_space<vmem>>) target(%dma_start3A_267 : memref<200x128xf32, #tpu.memory_space<hbm>>) target_semaphore(%arg7 : memref<!tpu.dma_semaphore, #tpu.memory_space<semaphore_mem>>)
    %dma_wait3A_268 = arith.constant 17 : i32
    %dma_wait3A_269 = arith.constant 0 : i32
    %dma_wait3A_270 = tpu.memref_slice %arg3[%dma_wait3A_268, %dma_wait3A_269, %mul3A_2] : memref<64x200x4096xf32, #tpu.memory_space<hbm>> -> memref<1x200x128xf32, #tpu.memory_space<hbm>>
    %dma_wait3A_271 = tpu.memref_squeeze %dma_wait3A_270 : memref<1x200x128xf32, #tpu.memory_space<hbm>> -> memref<200x128xf32, #tpu.memory_space<hbm>>
    %dma_wait3A_272 = arith.constant 0 : i32
    %dma_wait3A_273 = tpu.memref_slice %arg3[%dma_wait3A_268, %dma_wait3A_272, %mul3A_2] : memref<64x200x4096xf32, #tpu.memory_space<hbm>> -> memref<1x200x128xf32, #tpu.memory_space<hbm>>
    %dma_wait3A_274 = tpu.memref_squeeze %dma_wait3A_273 : memref<1x200x128xf32, #tpu.memory_space<hbm>> -> memref<200x128xf32, #tpu.memory_space<hbm>>
    tpu.wait_dma2 semaphore(%arg8 : memref<!tpu.dma_semaphore, #tpu.memory_space<semaphore_mem>>) src(%arg6 : memref<200x128xf32, #tpu.memory_space<vmem>>) dst(%dma_wait3A_274 : memref<200x128xf32, #tpu.memory_space<hbm>>)
    %dma_start3A_275 = arith.constant 19 : i32
    %dma_start3A_276 = arith.constant 0 : i32
    %dma_start3A_277 = tpu.memref_slice %arg3[%dma_start3A_275, %dma_start3A_276, %mul3A_2] : memref<64x200x4096xf32, #tpu.memory_space<hbm>> -> memref<1x200x128xf32, #tpu.memory_space<hbm>>
    %dma_start3A_278 = tpu.memref_squeeze %dma_start3A_277 : memref<1x200x128xf32, #tpu.memory_space<hbm>> -> memref<200x128xf32, #tpu.memory_space<hbm>>
    %dma_start3A_279 = arith.constant 0 : i32
    %dma_start3A_280 = tpu.memref_slice %arg3[%dma_start3A_275, %dma_start3A_279, %mul3A_2] : memref<64x200x4096xf32, #tpu.memory_space<hbm>> -> memref<1x200x128xf32, #tpu.memory_space<hbm>>
    %dma_start3A_281 = tpu.memref_squeeze %dma_start3A_280 : memref<1x200x128xf32, #tpu.memory_space<hbm>> -> memref<200x128xf32, #tpu.memory_space<hbm>>
    tpu.enqueue_dma source(%arg6 : memref<200x128xf32, #tpu.memory_space<vmem>>) target(%dma_start3A_281 : memref<200x128xf32, #tpu.memory_space<hbm>>) target_semaphore(%arg8 : memref<!tpu.dma_semaphore, #tpu.memory_space<semaphore_mem>>)
    %dma_wait3A_282 = arith.constant 18 : i32
    %dma_wait3A_283 = arith.constant 0 : i32
    %dma_wait3A_284 = tpu.memref_slice %arg3[%dma_wait3A_282, %dma_wait3A_283, %mul3A_2] : memref<64x200x4096xf32, #tpu.memory_space<hbm>> -> memref<1x200x128xf32, #tpu.memory_space<hbm>>
    %dma_wait3A_285 = tpu.memref_squeeze %dma_wait3A_284 : memref<1x200x128xf32, #tpu.memory_space<hbm>> -> memref<200x128xf32, #tpu.memory_space<hbm>>
    %dma_wait3A_286 = arith.constant 0 : i32
    %dma_wait3A_287 = tpu.memref_slice %arg3[%dma_wait3A_282, %dma_wait3A_286, %mul3A_2] : memref<64x200x4096xf32, #tpu.memory_space<hbm>> -> memref<1x200x128xf32, #tpu.memory_space<hbm>>
    %dma_wait3A_288 = tpu.memref_squeeze %dma_wait3A_287 : memref<1x200x128xf32, #tpu.memory_space<hbm>> -> memref<200x128xf32, #tpu.memory_space<hbm>>
    tpu.wait_dma2 semaphore(%arg7 : memref<!tpu.dma_semaphore, #tpu.memory_space<semaphore_mem>>) src(%arg5 : memref<200x128xf32, #tpu.memory_space<vmem>>) dst(%dma_wait3A_288 : memref<200x128xf32, #tpu.memory_space<hbm>>)
    %dma_start3A_289 = arith.constant 20 : i32
    %dma_start3A_290 = arith.constant 0 : i32
    %dma_start3A_291 = tpu.memref_slice %arg3[%dma_start3A_289, %dma_start3A_290, %mul3A_2] : memref<64x200x4096xf32, #tpu.memory_space<hbm>> -> memref<1x200x128xf32, #tpu.memory_space<hbm>>
    %dma_start3A_292 = tpu.memref_squeeze %dma_start3A_291 : memref<1x200x128xf32, #tpu.memory_space<hbm>> -> memref<200x128xf32, #tpu.memory_space<hbm>>
    %dma_start3A_293 = arith.constant 0 : i32
    %dma_start3A_294 = tpu.memref_slice %arg3[%dma_start3A_289, %dma_start3A_293, %mul3A_2] : memref<64x200x4096xf32, #tpu.memory_space<hbm>> -> memref<1x200x128xf32, #tpu.memory_space<hbm>>
    %dma_start3A_295 = tpu.memref_squeeze %dma_start3A_294 : memref<1x200x128xf32, #tpu.memory_space<hbm>> -> memref<200x128xf32, #tpu.memory_space<hbm>>
    tpu.enqueue_dma source(%arg5 : memref<200x128xf32, #tpu.memory_space<vmem>>) target(%dma_start3A_295 : memref<200x128xf32, #tpu.memory_space<hbm>>) target_semaphore(%arg7 : memref<!tpu.dma_semaphore, #tpu.memory_space<semaphore_mem>>)
    %dma_wait3A_296 = arith.constant 19 : i32
    %dma_wait3A_297 = arith.constant 0 : i32
    %dma_wait3A_298 = tpu.memref_slice %arg3[%dma_wait3A_296, %dma_wait3A_297, %mul3A_2] : memref<64x200x4096xf32, #tpu.memory_space<hbm>> -> memref<1x200x128xf32, #tpu.memory_space<hbm>>
    %dma_wait3A_299 = tpu.memref_squeeze %dma_wait3A_298 : memref<1x200x128xf32, #tpu.memory_space<hbm>> -> memref<200x128xf32, #tpu.memory_space<hbm>>
    %dma_wait3A_300 = arith.constant 0 : i32
    %dma_wait3A_301 = tpu.memref_slice %arg3[%dma_wait3A_296, %dma_wait3A_300, %mul3A_2] : memref<64x200x4096xf32, #tpu.memory_space<hbm>> -> memref<1x200x128xf32, #tpu.memory_space<hbm>>
    %dma_wait3A_302 = tpu.memref_squeeze %dma_wait3A_301 : memref<1x200x128xf32, #tpu.memory_space<hbm>> -> memref<200x128xf32, #tpu.memory_space<hbm>>
    tpu.wait_dma2 semaphore(%arg8 : memref<!tpu.dma_semaphore, #tpu.memory_space<semaphore_mem>>) src(%arg6 : memref<200x128xf32, #tpu.memory_space<vmem>>) dst(%dma_wait3A_302 : memref<200x128xf32, #tpu.memory_space<hbm>>)
    %dma_start3A_303 = arith.constant 21 : i32
    %dma_start3A_304 = arith.constant 0 : i32
    %dma_start3A_305 = tpu.memref_slice %arg3[%dma_start3A_303, %dma_start3A_304, %mul3A_2] : memref<64x200x4096xf32, #tpu.memory_space<hbm>> -> memref<1x200x128xf32, #tpu.memory_space<hbm>>
    %dma_start3A_306 = tpu.memref_squeeze %dma_start3A_305 : memref<1x200x128xf32, #tpu.memory_space<hbm>> -> memref<200x128xf32, #tpu.memory_space<hbm>>
    %dma_start3A_307 = arith.constant 0 : i32
    %dma_start3A_308 = tpu.memref_slice %arg3[%dma_start3A_303, %dma_start3A_307, %mul3A_2] : memref<64x200x4096xf32, #tpu.memory_space<hbm>> -> memref<1x200x128xf32, #tpu.memory_space<hbm>>
    %dma_start3A_309 = tpu.memref_squeeze %dma_start3A_308 : memref<1x200x128xf32, #tpu.memory_space<hbm>> -> memref<200x128xf32, #tpu.memory_space<hbm>>
    tpu.enqueue_dma source(%arg6 : memref<200x128xf32, #tpu.memory_space<vmem>>) target(%dma_start3A_309 : memref<200x128xf32, #tpu.memory_space<hbm>>) target_semaphore(%arg8 : memref<!tpu.dma_semaphore, #tpu.memory_space<semaphore_mem>>)
    %dma_wait3A_310 = arith.constant 20 : i32
    %dma_wait3A_311 = arith.constant 0 : i32
    %dma_wait3A_312 = tpu.memref_slice %arg3[%dma_wait3A_310, %dma_wait3A_311, %mul3A_2] : memref<64x200x4096xf32, #tpu.memory_space<hbm>> -> memref<1x200x128xf32, #tpu.memory_space<hbm>>
    %dma_wait3A_313 = tpu.memref_squeeze %dma_wait3A_312 : memref<1x200x128xf32, #tpu.memory_space<hbm>> -> memref<200x128xf32, #tpu.memory_space<hbm>>
    %dma_wait3A_314 = arith.constant 0 : i32
    %dma_wait3A_315 = tpu.memref_slice %arg3[%dma_wait3A_310, %dma_wait3A_314, %mul3A_2] : memref<64x200x4096xf32, #tpu.memory_space<hbm>> -> memref<1x200x128xf32, #tpu.memory_space<hbm>>
    %dma_wait3A_316 = tpu.memref_squeeze %dma_wait3A_315 : memref<1x200x128xf32, #tpu.memory_space<hbm>> -> memref<200x128xf32, #tpu.memory_space<hbm>>
    tpu.wait_dma2 semaphore(%arg7 : memref<!tpu.dma_semaphore, #tpu.memory_space<semaphore_mem>>) src(%arg5 : memref<200x128xf32, #tpu.memory_space<vmem>>) dst(%dma_wait3A_316 : memref<200x128xf32, #tpu.memory_space<hbm>>)
    %dma_start3A_317 = arith.constant 22 : i32
    %dma_start3A_318 = arith.constant 0 : i32
    %dma_start3A_319 = tpu.memref_slice %arg3[%dma_start3A_317, %dma_start3A_318, %mul3A_2] : memref<64x200x4096xf32, #tpu.memory_space<hbm>> -> memref<1x200x128xf32, #tpu.memory_space<hbm>>
    %dma_start3A_320 = tpu.memref_squeeze %dma_start3A_319 : memref<1x200x128xf32, #tpu.memory_space<hbm>> -> memref<200x128xf32, #tpu.memory_space<hbm>>
    %dma_start3A_321 = arith.constant 0 : i32
    %dma_start3A_322 = tpu.memref_slice %arg3[%dma_start3A_317, %dma_start3A_321, %mul3A_2] : memref<64x200x4096xf32, #tpu.memory_space<hbm>> -> memref<1x200x128xf32, #tpu.memory_space<hbm>>
    %dma_start3A_323 = tpu.memref_squeeze %dma_start3A_322 : memref<1x200x128xf32, #tpu.memory_space<hbm>> -> memref<200x128xf32, #tpu.memory_space<hbm>>
    tpu.enqueue_dma source(%arg5 : memref<200x128xf32, #tpu.memory_space<vmem>>) target(%dma_start3A_323 : memref<200x128xf32, #tpu.memory_space<hbm>>) target_semaphore(%arg7 : memref<!tpu.dma_semaphore, #tpu.memory_space<semaphore_mem>>)
    %dma_wait3A_324 = arith.constant 21 : i32
    %dma_wait3A_325 = arith.constant 0 : i32
    %dma_wait3A_326 = tpu.memref_slice %arg3[%dma_wait3A_324, %dma_wait3A_325, %mul3A_2] : memref<64x200x4096xf32, #tpu.memory_space<hbm>> -> memref<1x200x128xf32, #tpu.memory_space<hbm>>
    %dma_wait3A_327 = tpu.memref_squeeze %dma_wait3A_326 : memref<1x200x128xf32, #tpu.memory_space<hbm>> -> memref<200x128xf32, #tpu.memory_space<hbm>>
    %dma_wait3A_328 = arith.constant 0 : i32
    %dma_wait3A_329 = tpu.memref_slice %arg3[%dma_wait3A_324, %dma_wait3A_328, %mul3A_2] : memref<64x200x4096xf32, #tpu.memory_space<hbm>> -> memref<1x200x128xf32, #tpu.memory_space<hbm>>
    %dma_wait3A_330 = tpu.memref_squeeze %dma_wait3A_329 : memref<1x200x128xf32, #tpu.memory_space<hbm>> -> memref<200x128xf32, #tpu.memory_space<hbm>>
    tpu.wait_dma2 semaphore(%arg8 : memref<!tpu.dma_semaphore, #tpu.memory_space<semaphore_mem>>) src(%arg6 : memref<200x128xf32, #tpu.memory_space<vmem>>) dst(%dma_wait3A_330 : memref<200x128xf32, #tpu.memory_space<hbm>>)
    %dma_start3A_331 = arith.constant 23 : i32
    %dma_start3A_332 = arith.constant 0 : i32
    %dma_start3A_333 = tpu.memref_slice %arg3[%dma_start3A_331, %dma_start3A_332, %mul3A_2] : memref<64x200x4096xf32, #tpu.memory_space<hbm>> -> memref<1x200x128xf32, #tpu.memory_space<hbm>>
    %dma_start3A_334 = tpu.memref_squeeze %dma_start3A_333 : memref<1x200x128xf32, #tpu.memory_space<hbm>> -> memref<200x128xf32, #tpu.memory_space<hbm>>
    %dma_start3A_335 = arith.constant 0 : i32
    %dma_start3A_336 = tpu.memref_slice %arg3[%dma_start3A_331, %dma_start3A_335, %mul3A_2] : memref<64x200x4096xf32, #tpu.memory_space<hbm>> -> memref<1x200x128xf32, #tpu.memory_space<hbm>>
    %dma_start3A_337 = tpu.memref_squeeze %dma_start3A_336 : memref<1x200x128xf32, #tpu.memory_space<hbm>> -> memref<200x128xf32, #tpu.memory_space<hbm>>
    tpu.enqueue_dma source(%arg6 : memref<200x128xf32, #tpu.memory_space<vmem>>) target(%dma_start3A_337 : memref<200x128xf32, #tpu.memory_space<hbm>>) target_semaphore(%arg8 : memref<!tpu.dma_semaphore, #tpu.memory_space<semaphore_mem>>)
    %dma_wait3A_338 = arith.constant 22 : i32
    %dma_wait3A_339 = arith.constant 0 : i32
    %dma_wait3A_340 = tpu.memref_slice %arg3[%dma_wait3A_338, %dma_wait3A_339, %mul3A_2] : memref<64x200x4096xf32, #tpu.memory_space<hbm>> -> memref<1x200x128xf32, #tpu.memory_space<hbm>>
    %dma_wait3A_341 = tpu.memref_squeeze %dma_wait3A_340 : memref<1x200x128xf32, #tpu.memory_space<hbm>> -> memref<200x128xf32, #tpu.memory_space<hbm>>
    %dma_wait3A_342 = arith.constant 0 : i32
    %dma_wait3A_343 = tpu.memref_slice %arg3[%dma_wait3A_338, %dma_wait3A_342, %mul3A_2] : memref<64x200x4096xf32, #tpu.memory_space<hbm>> -> memref<1x200x128xf32, #tpu.memory_space<hbm>>
    %dma_wait3A_344 = tpu.memref_squeeze %dma_wait3A_343 : memref<1x200x128xf32, #tpu.memory_space<hbm>> -> memref<200x128xf32, #tpu.memory_space<hbm>>
    tpu.wait_dma2 semaphore(%arg7 : memref<!tpu.dma_semaphore, #tpu.memory_space<semaphore_mem>>) src(%arg5 : memref<200x128xf32, #tpu.memory_space<vmem>>) dst(%dma_wait3A_344 : memref<200x128xf32, #tpu.memory_space<hbm>>)
    %dma_start3A_345 = arith.constant 24 : i32
    %dma_start3A_346 = arith.constant 0 : i32
    %dma_start3A_347 = tpu.memref_slice %arg3[%dma_start3A_345, %dma_start3A_346, %mul3A_2] : memref<64x200x4096xf32, #tpu.memory_space<hbm>> -> memref<1x200x128xf32, #tpu.memory_space<hbm>>
    %dma_start3A_348 = tpu.memref_squeeze %dma_start3A_347 : memref<1x200x128xf32, #tpu.memory_space<hbm>> -> memref<200x128xf32, #tpu.memory_space<hbm>>
    %dma_start3A_349 = arith.constant 0 : i32
    %dma_start3A_350 = tpu.memref_slice %arg3[%dma_start3A_345, %dma_start3A_349, %mul3A_2] : memref<64x200x4096xf32, #tpu.memory_space<hbm>> -> memref<1x200x128xf32, #tpu.memory_space<hbm>>
    %dma_start3A_351 = tpu.memref_squeeze %dma_start3A_350 : memref<1x200x128xf32, #tpu.memory_space<hbm>> -> memref<200x128xf32, #tpu.memory_space<hbm>>
    tpu.enqueue_dma source(%arg5 : memref<200x128xf32, #tpu.memory_space<vmem>>) target(%dma_start3A_351 : memref<200x128xf32, #tpu.memory_space<hbm>>) target_semaphore(%arg7 : memref<!tpu.dma_semaphore, #tpu.memory_space<semaphore_mem>>)
    %dma_wait3A_352 = arith.constant 23 : i32
    %dma_wait3A_353 = arith.constant 0 : i32
    %dma_wait3A_354 = tpu.memref_slice %arg3[%dma_wait3A_352, %dma_wait3A_353, %mul3A_2] : memref<64x200x4096xf32, #tpu.memory_space<hbm>> -> memref<1x200x128xf32, #tpu.memory_space<hbm>>
    %dma_wait3A_355 = tpu.memref_squeeze %dma_wait3A_354 : memref<1x200x128xf32, #tpu.memory_space<hbm>> -> memref<200x128xf32, #tpu.memory_space<hbm>>
    %dma_wait3A_356 = arith.constant 0 : i32
    %dma_wait3A_357 = tpu.memref_slice %arg3[%dma_wait3A_352, %dma_wait3A_356, %mul3A_2] : memref<64x200x4096xf32, #tpu.memory_space<hbm>> -> memref<1x200x128xf32, #tpu.memory_space<hbm>>
    %dma_wait3A_358 = tpu.memref_squeeze %dma_wait3A_357 : memref<1x200x128xf32, #tpu.memory_space<hbm>> -> memref<200x128xf32, #tpu.memory_space<hbm>>
    tpu.wait_dma2 semaphore(%arg8 : memref<!tpu.dma_semaphore, #tpu.memory_space<semaphore_mem>>) src(%arg6 : memref<200x128xf32, #tpu.memory_space<vmem>>) dst(%dma_wait3A_358 : memref<200x128xf32, #tpu.memory_space<hbm>>)
    %dma_start3A_359 = arith.constant 25 : i32
    %dma_start3A_360 = arith.constant 0 : i32
    %dma_start3A_361 = tpu.memref_slice %arg3[%dma_start3A_359, %dma_start3A_360, %mul3A_2] : memref<64x200x4096xf32, #tpu.memory_space<hbm>> -> memref<1x200x128xf32, #tpu.memory_space<hbm>>
    %dma_start3A_362 = tpu.memref_squeeze %dma_start3A_361 : memref<1x200x128xf32, #tpu.memory_space<hbm>> -> memref<200x128xf32, #tpu.memory_space<hbm>>
    %dma_start3A_363 = arith.constant 0 : i32
    %dma_start3A_364 = tpu.memref_slice %arg3[%dma_start3A_359, %dma_start3A_363, %mul3A_2] : memref<64x200x4096xf32, #tpu.memory_space<hbm>> -> memref<1x200x128xf32, #tpu.memory_space<hbm>>
    %dma_start3A_365 = tpu.memref_squeeze %dma_start3A_364 : memref<1x200x128xf32, #tpu.memory_space<hbm>> -> memref<200x128xf32, #tpu.memory_space<hbm>>
    tpu.enqueue_dma source(%arg6 : memref<200x128xf32, #tpu.memory_space<vmem>>) target(%dma_start3A_365 : memref<200x128xf32, #tpu.memory_space<hbm>>) target_semaphore(%arg8 : memref<!tpu.dma_semaphore, #tpu.memory_space<semaphore_mem>>)
    %dma_wait3A_366 = arith.constant 24 : i32
    %dma_wait3A_367 = arith.constant 0 : i32
    %dma_wait3A_368 = tpu.memref_slice %arg3[%dma_wait3A_366, %dma_wait3A_367, %mul3A_2] : memref<64x200x4096xf32, #tpu.memory_space<hbm>> -> memref<1x200x128xf32, #tpu.memory_space<hbm>>
    %dma_wait3A_369 = tpu.memref_squeeze %dma_wait3A_368 : memref<1x200x128xf32, #tpu.memory_space<hbm>> -> memref<200x128xf32, #tpu.memory_space<hbm>>
    %dma_wait3A_370 = arith.constant 0 : i32
    %dma_wait3A_371 = tpu.memref_slice %arg3[%dma_wait3A_366, %dma_wait3A_370, %mul3A_2] : memref<64x200x4096xf32, #tpu.memory_space<hbm>> -> memref<1x200x128xf32, #tpu.memory_space<hbm>>
    %dma_wait3A_372 = tpu.memref_squeeze %dma_wait3A_371 : memref<1x200x128xf32, #tpu.memory_space<hbm>> -> memref<200x128xf32, #tpu.memory_space<hbm>>
    tpu.wait_dma2 semaphore(%arg7 : memref<!tpu.dma_semaphore, #tpu.memory_space<semaphore_mem>>) src(%arg5 : memref<200x128xf32, #tpu.memory_space<vmem>>) dst(%dma_wait3A_372 : memref<200x128xf32, #tpu.memory_space<hbm>>)
    %dma_start3A_373 = arith.constant 26 : i32
    %dma_start3A_374 = arith.constant 0 : i32
    %dma_start3A_375 = tpu.memref_slice %arg3[%dma_start3A_373, %dma_start3A_374, %mul3A_2] : memref<64x200x4096xf32, #tpu.memory_space<hbm>> -> memref<1x200x128xf32, #tpu.memory_space<hbm>>
    %dma_start3A_376 = tpu.memref_squeeze %dma_start3A_375 : memref<1x200x128xf32, #tpu.memory_space<hbm>> -> memref<200x128xf32, #tpu.memory_space<hbm>>
    %dma_start3A_377 = arith.constant 0 : i32
    %dma_start3A_378 = tpu.memref_slice %arg3[%dma_start3A_373, %dma_start3A_377, %mul3A_2] : memref<64x200x4096xf32, #tpu.memory_space<hbm>> -> memref<1x200x128xf32, #tpu.memory_space<hbm>>
    %dma_start3A_379 = tpu.memref_squeeze %dma_start3A_378 : memref<1x200x128xf32, #tpu.memory_space<hbm>> -> memref<200x128xf32, #tpu.memory_space<hbm>>
    tpu.enqueue_dma source(%arg5 : memref<200x128xf32, #tpu.memory_space<vmem>>) target(%dma_start3A_379 : memref<200x128xf32, #tpu.memory_space<hbm>>) target_semaphore(%arg7 : memref<!tpu.dma_semaphore, #tpu.memory_space<semaphore_mem>>)
    %dma_wait3A_380 = arith.constant 25 : i32
    %dma_wait3A_381 = arith.constant 0 : i32
    %dma_wait3A_382 = tpu.memref_slice %arg3[%dma_wait3A_380, %dma_wait3A_381, %mul3A_2] : memref<64x200x4096xf32, #tpu.memory_space<hbm>> -> memref<1x200x128xf32, #tpu.memory_space<hbm>>
    %dma_wait3A_383 = tpu.memref_squeeze %dma_wait3A_382 : memref<1x200x128xf32, #tpu.memory_space<hbm>> -> memref<200x128xf32, #tpu.memory_space<hbm>>
    %dma_wait3A_384 = arith.constant 0 : i32
    %dma_wait3A_385 = tpu.memref_slice %arg3[%dma_wait3A_380, %dma_wait3A_384, %mul3A_2] : memref<64x200x4096xf32, #tpu.memory_space<hbm>> -> memref<1x200x128xf32, #tpu.memory_space<hbm>>
    %dma_wait3A_386 = tpu.memref_squeeze %dma_wait3A_385 : memref<1x200x128xf32, #tpu.memory_space<hbm>> -> memref<200x128xf32, #tpu.memory_space<hbm>>
    tpu.wait_dma2 semaphore(%arg8 : memref<!tpu.dma_semaphore, #tpu.memory_space<semaphore_mem>>) src(%arg6 : memref<200x128xf32, #tpu.memory_space<vmem>>) dst(%dma_wait3A_386 : memref<200x128xf32, #tpu.memory_space<hbm>>)
    %dma_start3A_387 = arith.constant 27 : i32
    %dma_start3A_388 = arith.constant 0 : i32
    %dma_start3A_389 = tpu.memref_slice %arg3[%dma_start3A_387, %dma_start3A_388, %mul3A_2] : memref<64x200x4096xf32, #tpu.memory_space<hbm>> -> memref<1x200x128xf32, #tpu.memory_space<hbm>>
    %dma_start3A_390 = tpu.memref_squeeze %dma_start3A_389 : memref<1x200x128xf32, #tpu.memory_space<hbm>> -> memref<200x128xf32, #tpu.memory_space<hbm>>
    %dma_start3A_391 = arith.constant 0 : i32
    %dma_start3A_392 = tpu.memref_slice %arg3[%dma_start3A_387, %dma_start3A_391, %mul3A_2] : memref<64x200x4096xf32, #tpu.memory_space<hbm>> -> memref<1x200x128xf32, #tpu.memory_space<hbm>>
    %dma_start3A_393 = tpu.memref_squeeze %dma_start3A_392 : memref<1x200x128xf32, #tpu.memory_space<hbm>> -> memref<200x128xf32, #tpu.memory_space<hbm>>
    tpu.enqueue_dma source(%arg6 : memref<200x128xf32, #tpu.memory_space<vmem>>) target(%dma_start3A_393 : memref<200x128xf32, #tpu.memory_space<hbm>>) target_semaphore(%arg8 : memref<!tpu.dma_semaphore, #tpu.memory_space<semaphore_mem>>)
    %dma_wait3A_394 = arith.constant 26 : i32
    %dma_wait3A_395 = arith.constant 0 : i32
    %dma_wait3A_396 = tpu.memref_slice %arg3[%dma_wait3A_394, %dma_wait3A_395, %mul3A_2] : memref<64x200x4096xf32, #tpu.memory_space<hbm>> -> memref<1x200x128xf32, #tpu.memory_space<hbm>>
    %dma_wait3A_397 = tpu.memref_squeeze %dma_wait3A_396 : memref<1x200x128xf32, #tpu.memory_space<hbm>> -> memref<200x128xf32, #tpu.memory_space<hbm>>
    %dma_wait3A_398 = arith.constant 0 : i32
    %dma_wait3A_399 = tpu.memref_slice %arg3[%dma_wait3A_394, %dma_wait3A_398, %mul3A_2] : memref<64x200x4096xf32, #tpu.memory_space<hbm>> -> memref<1x200x128xf32, #tpu.memory_space<hbm>>
    %dma_wait3A_400 = tpu.memref_squeeze %dma_wait3A_399 : memref<1x200x128xf32, #tpu.memory_space<hbm>> -> memref<200x128xf32, #tpu.memory_space<hbm>>
    tpu.wait_dma2 semaphore(%arg7 : memref<!tpu.dma_semaphore, #tpu.memory_space<semaphore_mem>>) src(%arg5 : memref<200x128xf32, #tpu.memory_space<vmem>>) dst(%dma_wait3A_400 : memref<200x128xf32, #tpu.memory_space<hbm>>)
    %dma_start3A_401 = arith.constant 28 : i32
    %dma_start3A_402 = arith.constant 0 : i32
    %dma_start3A_403 = tpu.memref_slice %arg3[%dma_start3A_401, %dma_start3A_402, %mul3A_2] : memref<64x200x4096xf32, #tpu.memory_space<hbm>> -> memref<1x200x128xf32, #tpu.memory_space<hbm>>
    %dma_start3A_404 = tpu.memref_squeeze %dma_start3A_403 : memref<1x200x128xf32, #tpu.memory_space<hbm>> -> memref<200x128xf32, #tpu.memory_space<hbm>>
    %dma_start3A_405 = arith.constant 0 : i32
    %dma_start3A_406 = tpu.memref_slice %arg3[%dma_start3A_401, %dma_start3A_405, %mul3A_2] : memref<64x200x4096xf32, #tpu.memory_space<hbm>> -> memref<1x200x128xf32, #tpu.memory_space<hbm>>
    %dma_start3A_407 = tpu.memref_squeeze %dma_start3A_406 : memref<1x200x128xf32, #tpu.memory_space<hbm>> -> memref<200x128xf32, #tpu.memory_space<hbm>>
    tpu.enqueue_dma source(%arg5 : memref<200x128xf32, #tpu.memory_space<vmem>>) target(%dma_start3A_407 : memref<200x128xf32, #tpu.memory_space<hbm>>) target_semaphore(%arg7 : memref<!tpu.dma_semaphore, #tpu.memory_space<semaphore_mem>>)
    %dma_wait3A_408 = arith.constant 27 : i32
    %dma_wait3A_409 = arith.constant 0 : i32
    %dma_wait3A_410 = tpu.memref_slice %arg3[%dma_wait3A_408, %dma_wait3A_409, %mul3A_2] : memref<64x200x4096xf32, #tpu.memory_space<hbm>> -> memref<1x200x128xf32, #tpu.memory_space<hbm>>
    %dma_wait3A_411 = tpu.memref_squeeze %dma_wait3A_410 : memref<1x200x128xf32, #tpu.memory_space<hbm>> -> memref<200x128xf32, #tpu.memory_space<hbm>>
    %dma_wait3A_412 = arith.constant 0 : i32
    %dma_wait3A_413 = tpu.memref_slice %arg3[%dma_wait3A_408, %dma_wait3A_412, %mul3A_2] : memref<64x200x4096xf32, #tpu.memory_space<hbm>> -> memref<1x200x128xf32, #tpu.memory_space<hbm>>
    %dma_wait3A_414 = tpu.memref_squeeze %dma_wait3A_413 : memref<1x200x128xf32, #tpu.memory_space<hbm>> -> memref<200x128xf32, #tpu.memory_space<hbm>>
    tpu.wait_dma2 semaphore(%arg8 : memref<!tpu.dma_semaphore, #tpu.memory_space<semaphore_mem>>) src(%arg6 : memref<200x128xf32, #tpu.memory_space<vmem>>) dst(%dma_wait3A_414 : memref<200x128xf32, #tpu.memory_space<hbm>>)
    %dma_start3A_415 = arith.constant 29 : i32
    %dma_start3A_416 = arith.constant 0 : i32
    %dma_start3A_417 = tpu.memref_slice %arg3[%dma_start3A_415, %dma_start3A_416, %mul3A_2] : memref<64x200x4096xf32, #tpu.memory_space<hbm>> -> memref<1x200x128xf32, #tpu.memory_space<hbm>>
    %dma_start3A_418 = tpu.memref_squeeze %dma_start3A_417 : memref<1x200x128xf32, #tpu.memory_space<hbm>> -> memref<200x128xf32, #tpu.memory_space<hbm>>
    %dma_start3A_419 = arith.constant 0 : i32
    %dma_start3A_420 = tpu.memref_slice %arg3[%dma_start3A_415, %dma_start3A_419, %mul3A_2] : memref<64x200x4096xf32, #tpu.memory_space<hbm>> -> memref<1x200x128xf32, #tpu.memory_space<hbm>>
    %dma_start3A_421 = tpu.memref_squeeze %dma_start3A_420 : memref<1x200x128xf32, #tpu.memory_space<hbm>> -> memref<200x128xf32, #tpu.memory_space<hbm>>
    tpu.enqueue_dma source(%arg6 : memref<200x128xf32, #tpu.memory_space<vmem>>) target(%dma_start3A_421 : memref<200x128xf32, #tpu.memory_space<hbm>>) target_semaphore(%arg8 : memref<!tpu.dma_semaphore, #tpu.memory_space<semaphore_mem>>)
    %dma_wait3A_422 = arith.constant 28 : i32
    %dma_wait3A_423 = arith.constant 0 : i32
    %dma_wait3A_424 = tpu.memref_slice %arg3[%dma_wait3A_422, %dma_wait3A_423, %mul3A_2] : memref<64x200x4096xf32, #tpu.memory_space<hbm>> -> memref<1x200x128xf32, #tpu.memory_space<hbm>>
    %dma_wait3A_425 = tpu.memref_squeeze %dma_wait3A_424 : memref<1x200x128xf32, #tpu.memory_space<hbm>> -> memref<200x128xf32, #tpu.memory_space<hbm>>
    %dma_wait3A_426 = arith.constant 0 : i32
    %dma_wait3A_427 = tpu.memref_slice %arg3[%dma_wait3A_422, %dma_wait3A_426, %mul3A_2] : memref<64x200x4096xf32, #tpu.memory_space<hbm>> -> memref<1x200x128xf32, #tpu.memory_space<hbm>>
    %dma_wait3A_428 = tpu.memref_squeeze %dma_wait3A_427 : memref<1x200x128xf32, #tpu.memory_space<hbm>> -> memref<200x128xf32, #tpu.memory_space<hbm>>
    tpu.wait_dma2 semaphore(%arg7 : memref<!tpu.dma_semaphore, #tpu.memory_space<semaphore_mem>>) src(%arg5 : memref<200x128xf32, #tpu.memory_space<vmem>>) dst(%dma_wait3A_428 : memref<200x128xf32, #tpu.memory_space<hbm>>)
    %dma_start3A_429 = arith.constant 30 : i32
    %dma_start3A_430 = arith.constant 0 : i32
    %dma_start3A_431 = tpu.memref_slice %arg3[%dma_start3A_429, %dma_start3A_430, %mul3A_2] : memref<64x200x4096xf32, #tpu.memory_space<hbm>> -> memref<1x200x128xf32, #tpu.memory_space<hbm>>
    %dma_start3A_432 = tpu.memref_squeeze %dma_start3A_431 : memref<1x200x128xf32, #tpu.memory_space<hbm>> -> memref<200x128xf32, #tpu.memory_space<hbm>>
    %dma_start3A_433 = arith.constant 0 : i32
    %dma_start3A_434 = tpu.memref_slice %arg3[%dma_start3A_429, %dma_start3A_433, %mul3A_2] : memref<64x200x4096xf32, #tpu.memory_space<hbm>> -> memref<1x200x128xf32, #tpu.memory_space<hbm>>
    %dma_start3A_435 = tpu.memref_squeeze %dma_start3A_434 : memref<1x200x128xf32, #tpu.memory_space<hbm>> -> memref<200x128xf32, #tpu.memory_space<hbm>>
    tpu.enqueue_dma source(%arg5 : memref<200x128xf32, #tpu.memory_space<vmem>>) target(%dma_start3A_435 : memref<200x128xf32, #tpu.memory_space<hbm>>) target_semaphore(%arg7 : memref<!tpu.dma_semaphore, #tpu.memory_space<semaphore_mem>>)
    %dma_wait3A_436 = arith.constant 29 : i32
    %dma_wait3A_437 = arith.constant 0 : i32
    %dma_wait3A_438 = tpu.memref_slice %arg3[%dma_wait3A_436, %dma_wait3A_437, %mul3A_2] : memref<64x200x4096xf32, #tpu.memory_space<hbm>> -> memref<1x200x128xf32, #tpu.memory_space<hbm>>
    %dma_wait3A_439 = tpu.memref_squeeze %dma_wait3A_438 : memref<1x200x128xf32, #tpu.memory_space<hbm>> -> memref<200x128xf32, #tpu.memory_space<hbm>>
    %dma_wait3A_440 = arith.constant 0 : i32
    %dma_wait3A_441 = tpu.memref_slice %arg3[%dma_wait3A_436, %dma_wait3A_440, %mul3A_2] : memref<64x200x4096xf32, #tpu.memory_space<hbm>> -> memref<1x200x128xf32, #tpu.memory_space<hbm>>
    %dma_wait3A_442 = tpu.memref_squeeze %dma_wait3A_441 : memref<1x200x128xf32, #tpu.memory_space<hbm>> -> memref<200x128xf32, #tpu.memory_space<hbm>>
    tpu.wait_dma2 semaphore(%arg8 : memref<!tpu.dma_semaphore, #tpu.memory_space<semaphore_mem>>) src(%arg6 : memref<200x128xf32, #tpu.memory_space<vmem>>) dst(%dma_wait3A_442 : memref<200x128xf32, #tpu.memory_space<hbm>>)
    %dma_start3A_443 = arith.constant 31 : i32
    %dma_start3A_444 = arith.constant 0 : i32
    %dma_start3A_445 = tpu.memref_slice %arg3[%dma_start3A_443, %dma_start3A_444, %mul3A_2] : memref<64x200x4096xf32, #tpu.memory_space<hbm>> -> memref<1x200x128xf32, #tpu.memory_space<hbm>>
    %dma_start3A_446 = tpu.memref_squeeze %dma_start3A_445 : memref<1x200x128xf32, #tpu.memory_space<hbm>> -> memref<200x128xf32, #tpu.memory_space<hbm>>
    %dma_start3A_447 = arith.constant 0 : i32
    %dma_start3A_448 = tpu.memref_slice %arg3[%dma_start3A_443, %dma_start3A_447, %mul3A_2] : memref<64x200x4096xf32, #tpu.memory_space<hbm>> -> memref<1x200x128xf32, #tpu.memory_space<hbm>>
    %dma_start3A_449 = tpu.memref_squeeze %dma_start3A_448 : memref<1x200x128xf32, #tpu.memory_space<hbm>> -> memref<200x128xf32, #tpu.memory_space<hbm>>
    tpu.enqueue_dma source(%arg6 : memref<200x128xf32, #tpu.memory_space<vmem>>) target(%dma_start3A_449 : memref<200x128xf32, #tpu.memory_space<hbm>>) target_semaphore(%arg8 : memref<!tpu.dma_semaphore, #tpu.memory_space<semaphore_mem>>)
    %dma_wait3A_450 = arith.constant 30 : i32
    %dma_wait3A_451 = arith.constant 0 : i32
    %dma_wait3A_452 = tpu.memref_slice %arg3[%dma_wait3A_450, %dma_wait3A_451, %mul3A_2] : memref<64x200x4096xf32, #tpu.memory_space<hbm>> -> memref<1x200x128xf32, #tpu.memory_space<hbm>>
    %dma_wait3A_453 = tpu.memref_squeeze %dma_wait3A_452 : memref<1x200x128xf32, #tpu.memory_space<hbm>> -> memref<200x128xf32, #tpu.memory_space<hbm>>
    %dma_wait3A_454 = arith.constant 0 : i32
    %dma_wait3A_455 = tpu.memref_slice %arg3[%dma_wait3A_450, %dma_wait3A_454, %mul3A_2] : memref<64x200x4096xf32, #tpu.memory_space<hbm>> -> memref<1x200x128xf32, #tpu.memory_space<hbm>>
    %dma_wait3A_456 = tpu.memref_squeeze %dma_wait3A_455 : memref<1x200x128xf32, #tpu.memory_space<hbm>> -> memref<200x128xf32, #tpu.memory_space<hbm>>
    tpu.wait_dma2 semaphore(%arg7 : memref<!tpu.dma_semaphore, #tpu.memory_space<semaphore_mem>>) src(%arg5 : memref<200x128xf32, #tpu.memory_space<vmem>>) dst(%dma_wait3A_456 : memref<200x128xf32, #tpu.memory_space<hbm>>)
    %dma_start3A_457 = arith.constant 32 : i32
    %dma_start3A_458 = arith.constant 0 : i32
    %dma_start3A_459 = tpu.memref_slice %arg3[%dma_start3A_457, %dma_start3A_458, %mul3A_2] : memref<64x200x4096xf32, #tpu.memory_space<hbm>> -> memref<1x200x128xf32, #tpu.memory_space<hbm>>
    %dma_start3A_460 = tpu.memref_squeeze %dma_start3A_459 : memref<1x200x128xf32, #tpu.memory_space<hbm>> -> memref<200x128xf32, #tpu.memory_space<hbm>>
    %dma_start3A_461 = arith.constant 0 : i32
    %dma_start3A_462 = tpu.memref_slice %arg3[%dma_start3A_457, %dma_start3A_461, %mul3A_2] : memref<64x200x4096xf32, #tpu.memory_space<hbm>> -> memref<1x200x128xf32, #tpu.memory_space<hbm>>
    %dma_start3A_463 = tpu.memref_squeeze %dma_start3A_462 : memref<1x200x128xf32, #tpu.memory_space<hbm>> -> memref<200x128xf32, #tpu.memory_space<hbm>>
    tpu.enqueue_dma source(%arg5 : memref<200x128xf32, #tpu.memory_space<vmem>>) target(%dma_start3A_463 : memref<200x128xf32, #tpu.memory_space<hbm>>) target_semaphore(%arg7 : memref<!tpu.dma_semaphore, #tpu.memory_space<semaphore_mem>>)
    %dma_wait3A_464 = arith.constant 31 : i32
    %dma_wait3A_465 = arith.constant 0 : i32
    %dma_wait3A_466 = tpu.memref_slice %arg3[%dma_wait3A_464, %dma_wait3A_465, %mul3A_2] : memref<64x200x4096xf32, #tpu.memory_space<hbm>> -> memref<1x200x128xf32, #tpu.memory_space<hbm>>
    %dma_wait3A_467 = tpu.memref_squeeze %dma_wait3A_466 : memref<1x200x128xf32, #tpu.memory_space<hbm>> -> memref<200x128xf32, #tpu.memory_space<hbm>>
    %dma_wait3A_468 = arith.constant 0 : i32
    %dma_wait3A_469 = tpu.memref_slice %arg3[%dma_wait3A_464, %dma_wait3A_468, %mul3A_2] : memref<64x200x4096xf32, #tpu.memory_space<hbm>> -> memref<1x200x128xf32, #tpu.memory_space<hbm>>
    %dma_wait3A_470 = tpu.memref_squeeze %dma_wait3A_469 : memref<1x200x128xf32, #tpu.memory_space<hbm>> -> memref<200x128xf32, #tpu.memory_space<hbm>>
    tpu.wait_dma2 semaphore(%arg8 : memref<!tpu.dma_semaphore, #tpu.memory_space<semaphore_mem>>) src(%arg6 : memref<200x128xf32, #tpu.memory_space<vmem>>) dst(%dma_wait3A_470 : memref<200x128xf32, #tpu.memory_space<hbm>>)
    %dma_start3A_471 = arith.constant 33 : i32
    %dma_start3A_472 = arith.constant 0 : i32
    %dma_start3A_473 = tpu.memref_slice %arg3[%dma_start3A_471, %dma_start3A_472, %mul3A_2] : memref<64x200x4096xf32, #tpu.memory_space<hbm>> -> memref<1x200x128xf32, #tpu.memory_space<hbm>>
    %dma_start3A_474 = tpu.memref_squeeze %dma_start3A_473 : memref<1x200x128xf32, #tpu.memory_space<hbm>> -> memref<200x128xf32, #tpu.memory_space<hbm>>
    %dma_start3A_475 = arith.constant 0 : i32
    %dma_start3A_476 = tpu.memref_slice %arg3[%dma_start3A_471, %dma_start3A_475, %mul3A_2] : memref<64x200x4096xf32, #tpu.memory_space<hbm>> -> memref<1x200x128xf32, #tpu.memory_space<hbm>>
    %dma_start3A_477 = tpu.memref_squeeze %dma_start3A_476 : memref<1x200x128xf32, #tpu.memory_space<hbm>> -> memref<200x128xf32, #tpu.memory_space<hbm>>
    tpu.enqueue_dma source(%arg6 : memref<200x128xf32, #tpu.memory_space<vmem>>) target(%dma_start3A_477 : memref<200x128xf32, #tpu.memory_space<hbm>>) target_semaphore(%arg8 : memref<!tpu.dma_semaphore, #tpu.memory_space<semaphore_mem>>)
    %dma_wait3A_478 = arith.constant 32 : i32
    %dma_wait3A_479 = arith.constant 0 : i32
    %dma_wait3A_480 = tpu.memref_slice %arg3[%dma_wait3A_478, %dma_wait3A_479, %mul3A_2] : memref<64x200x4096xf32, #tpu.memory_space<hbm>> -> memref<1x200x128xf32, #tpu.memory_space<hbm>>
    %dma_wait3A_481 = tpu.memref_squeeze %dma_wait3A_480 : memref<1x200x128xf32, #tpu.memory_space<hbm>> -> memref<200x128xf32, #tpu.memory_space<hbm>>
    %dma_wait3A_482 = arith.constant 0 : i32
    %dma_wait3A_483 = tpu.memref_slice %arg3[%dma_wait3A_478, %dma_wait3A_482, %mul3A_2] : memref<64x200x4096xf32, #tpu.memory_space<hbm>> -> memref<1x200x128xf32, #tpu.memory_space<hbm>>
    %dma_wait3A_484 = tpu.memref_squeeze %dma_wait3A_483 : memref<1x200x128xf32, #tpu.memory_space<hbm>> -> memref<200x128xf32, #tpu.memory_space<hbm>>
    tpu.wait_dma2 semaphore(%arg7 : memref<!tpu.dma_semaphore, #tpu.memory_space<semaphore_mem>>) src(%arg5 : memref<200x128xf32, #tpu.memory_space<vmem>>) dst(%dma_wait3A_484 : memref<200x128xf32, #tpu.memory_space<hbm>>)
    %dma_start3A_485 = arith.constant 34 : i32
    %dma_start3A_486 = arith.constant 0 : i32
    %dma_start3A_487 = tpu.memref_slice %arg3[%dma_start3A_485, %dma_start3A_486, %mul3A_2] : memref<64x200x4096xf32, #tpu.memory_space<hbm>> -> memref<1x200x128xf32, #tpu.memory_space<hbm>>
    %dma_start3A_488 = tpu.memref_squeeze %dma_start3A_487 : memref<1x200x128xf32, #tpu.memory_space<hbm>> -> memref<200x128xf32, #tpu.memory_space<hbm>>
    %dma_start3A_489 = arith.constant 0 : i32
    %dma_start3A_490 = tpu.memref_slice %arg3[%dma_start3A_485, %dma_start3A_489, %mul3A_2] : memref<64x200x4096xf32, #tpu.memory_space<hbm>> -> memref<1x200x128xf32, #tpu.memory_space<hbm>>
    %dma_start3A_491 = tpu.memref_squeeze %dma_start3A_490 : memref<1x200x128xf32, #tpu.memory_space<hbm>> -> memref<200x128xf32, #tpu.memory_space<hbm>>
    tpu.enqueue_dma source(%arg5 : memref<200x128xf32, #tpu.memory_space<vmem>>) target(%dma_start3A_491 : memref<200x128xf32, #tpu.memory_space<hbm>>) target_semaphore(%arg7 : memref<!tpu.dma_semaphore, #tpu.memory_space<semaphore_mem>>)
    %dma_wait3A_492 = arith.constant 33 : i32
    %dma_wait3A_493 = arith.constant 0 : i32
    %dma_wait3A_494 = tpu.memref_slice %arg3[%dma_wait3A_492, %dma_wait3A_493, %mul3A_2] : memref<64x200x4096xf32, #tpu.memory_space<hbm>> -> memref<1x200x128xf32, #tpu.memory_space<hbm>>
    %dma_wait3A_495 = tpu.memref_squeeze %dma_wait3A_494 : memref<1x200x128xf32, #tpu.memory_space<hbm>> -> memref<200x128xf32, #tpu.memory_space<hbm>>
    %dma_wait3A_496 = arith.constant 0 : i32
    %dma_wait3A_497 = tpu.memref_slice %arg3[%dma_wait3A_492, %dma_wait3A_496, %mul3A_2] : memref<64x200x4096xf32, #tpu.memory_space<hbm>> -> memref<1x200x128xf32, #tpu.memory_space<hbm>>
    %dma_wait3A_498 = tpu.memref_squeeze %dma_wait3A_497 : memref<1x200x128xf32, #tpu.memory_space<hbm>> -> memref<200x128xf32, #tpu.memory_space<hbm>>
    tpu.wait_dma2 semaphore(%arg8 : memref<!tpu.dma_semaphore, #tpu.memory_space<semaphore_mem>>) src(%arg6 : memref<200x128xf32, #tpu.memory_space<vmem>>) dst(%dma_wait3A_498 : memref<200x128xf32, #tpu.memory_space<hbm>>)
    %dma_start3A_499 = arith.constant 35 : i32
    %dma_start3A_500 = arith.constant 0 : i32
    %dma_start3A_501 = tpu.memref_slice %arg3[%dma_start3A_499, %dma_start3A_500, %mul3A_2] : memref<64x200x4096xf32, #tpu.memory_space<hbm>> -> memref<1x200x128xf32, #tpu.memory_space<hbm>>
    %dma_start3A_502 = tpu.memref_squeeze %dma_start3A_501 : memref<1x200x128xf32, #tpu.memory_space<hbm>> -> memref<200x128xf32, #tpu.memory_space<hbm>>
    %dma_start3A_503 = arith.constant 0 : i32
    %dma_start3A_504 = tpu.memref_slice %arg3[%dma_start3A_499, %dma_start3A_503, %mul3A_2] : memref<64x200x4096xf32, #tpu.memory_space<hbm>> -> memref<1x200x128xf32, #tpu.memory_space<hbm>>
    %dma_start3A_505 = tpu.memref_squeeze %dma_start3A_504 : memref<1x200x128xf32, #tpu.memory_space<hbm>> -> memref<200x128xf32, #tpu.memory_space<hbm>>
    tpu.enqueue_dma source(%arg6 : memref<200x128xf32, #tpu.memory_space<vmem>>) target(%dma_start3A_505 : memref<200x128xf32, #tpu.memory_space<hbm>>) target_semaphore(%arg8 : memref<!tpu.dma_semaphore, #tpu.memory_space<semaphore_mem>>)
    %dma_wait3A_506 = arith.constant 34 : i32
    %dma_wait3A_507 = arith.constant 0 : i32
    %dma_wait3A_508 = tpu.memref_slice %arg3[%dma_wait3A_506, %dma_wait3A_507, %mul3A_2] : memref<64x200x4096xf32, #tpu.memory_space<hbm>> -> memref<1x200x128xf32, #tpu.memory_space<hbm>>
    %dma_wait3A_509 = tpu.memref_squeeze %dma_wait3A_508 : memref<1x200x128xf32, #tpu.memory_space<hbm>> -> memref<200x128xf32, #tpu.memory_space<hbm>>
    %dma_wait3A_510 = arith.constant 0 : i32
    %dma_wait3A_511 = tpu.memref_slice %arg3[%dma_wait3A_506, %dma_wait3A_510, %mul3A_2] : memref<64x200x4096xf32, #tpu.memory_space<hbm>> -> memref<1x200x128xf32, #tpu.memory_space<hbm>>
    %dma_wait3A_512 = tpu.memref_squeeze %dma_wait3A_511 : memref<1x200x128xf32, #tpu.memory_space<hbm>> -> memref<200x128xf32, #tpu.memory_space<hbm>>
    tpu.wait_dma2 semaphore(%arg7 : memref<!tpu.dma_semaphore, #tpu.memory_space<semaphore_mem>>) src(%arg5 : memref<200x128xf32, #tpu.memory_space<vmem>>) dst(%dma_wait3A_512 : memref<200x128xf32, #tpu.memory_space<hbm>>)
    %dma_start3A_513 = arith.constant 36 : i32
    %dma_start3A_514 = arith.constant 0 : i32
    %dma_start3A_515 = tpu.memref_slice %arg3[%dma_start3A_513, %dma_start3A_514, %mul3A_2] : memref<64x200x4096xf32, #tpu.memory_space<hbm>> -> memref<1x200x128xf32, #tpu.memory_space<hbm>>
    %dma_start3A_516 = tpu.memref_squeeze %dma_start3A_515 : memref<1x200x128xf32, #tpu.memory_space<hbm>> -> memref<200x128xf32, #tpu.memory_space<hbm>>
    %dma_start3A_517 = arith.constant 0 : i32
    %dma_start3A_518 = tpu.memref_slice %arg3[%dma_start3A_513, %dma_start3A_517, %mul3A_2] : memref<64x200x4096xf32, #tpu.memory_space<hbm>> -> memref<1x200x128xf32, #tpu.memory_space<hbm>>
    %dma_start3A_519 = tpu.memref_squeeze %dma_start3A_518 : memref<1x200x128xf32, #tpu.memory_space<hbm>> -> memref<200x128xf32, #tpu.memory_space<hbm>>
    tpu.enqueue_dma source(%arg5 : memref<200x128xf32, #tpu.memory_space<vmem>>) target(%dma_start3A_519 : memref<200x128xf32, #tpu.memory_space<hbm>>) target_semaphore(%arg7 : memref<!tpu.dma_semaphore, #tpu.memory_space<semaphore_mem>>)
    %dma_wait3A_520 = arith.constant 35 : i32
    %dma_wait3A_521 = arith.constant 0 : i32
    %dma_wait3A_522 = tpu.memref_slice %arg3[%dma_wait3A_520, %dma_wait3A_521, %mul3A_2] : memref<64x200x4096xf32, #tpu.memory_space<hbm>> -> memref<1x200x128xf32, #tpu.memory_space<hbm>>
    %dma_wait3A_523 = tpu.memref_squeeze %dma_wait3A_522 : memref<1x200x128xf32, #tpu.memory_space<hbm>> -> memref<200x128xf32, #tpu.memory_space<hbm>>
    %dma_wait3A_524 = arith.constant 0 : i32
    %dma_wait3A_525 = tpu.memref_slice %arg3[%dma_wait3A_520, %dma_wait3A_524, %mul3A_2] : memref<64x200x4096xf32, #tpu.memory_space<hbm>> -> memref<1x200x128xf32, #tpu.memory_space<hbm>>
    %dma_wait3A_526 = tpu.memref_squeeze %dma_wait3A_525 : memref<1x200x128xf32, #tpu.memory_space<hbm>> -> memref<200x128xf32, #tpu.memory_space<hbm>>
    tpu.wait_dma2 semaphore(%arg8 : memref<!tpu.dma_semaphore, #tpu.memory_space<semaphore_mem>>) src(%arg6 : memref<200x128xf32, #tpu.memory_space<vmem>>) dst(%dma_wait3A_526 : memref<200x128xf32, #tpu.memory_space<hbm>>)
    %dma_start3A_527 = arith.constant 37 : i32
    %dma_start3A_528 = arith.constant 0 : i32
    %dma_start3A_529 = tpu.memref_slice %arg3[%dma_start3A_527, %dma_start3A_528, %mul3A_2] : memref<64x200x4096xf32, #tpu.memory_space<hbm>> -> memref<1x200x128xf32, #tpu.memory_space<hbm>>
    %dma_start3A_530 = tpu.memref_squeeze %dma_start3A_529 : memref<1x200x128xf32, #tpu.memory_space<hbm>> -> memref<200x128xf32, #tpu.memory_space<hbm>>
    %dma_start3A_531 = arith.constant 0 : i32
    %dma_start3A_532 = tpu.memref_slice %arg3[%dma_start3A_527, %dma_start3A_531, %mul3A_2] : memref<64x200x4096xf32, #tpu.memory_space<hbm>> -> memref<1x200x128xf32, #tpu.memory_space<hbm>>
    %dma_start3A_533 = tpu.memref_squeeze %dma_start3A_532 : memref<1x200x128xf32, #tpu.memory_space<hbm>> -> memref<200x128xf32, #tpu.memory_space<hbm>>
    tpu.enqueue_dma source(%arg6 : memref<200x128xf32, #tpu.memory_space<vmem>>) target(%dma_start3A_533 : memref<200x128xf32, #tpu.memory_space<hbm>>) target_semaphore(%arg8 : memref<!tpu.dma_semaphore, #tpu.memory_space<semaphore_mem>>)
    %dma_wait3A_534 = arith.constant 36 : i32
    %dma_wait3A_535 = arith.constant 0 : i32
    %dma_wait3A_536 = tpu.memref_slice %arg3[%dma_wait3A_534, %dma_wait3A_535, %mul3A_2] : memref<64x200x4096xf32, #tpu.memory_space<hbm>> -> memref<1x200x128xf32, #tpu.memory_space<hbm>>
    %dma_wait3A_537 = tpu.memref_squeeze %dma_wait3A_536 : memref<1x200x128xf32, #tpu.memory_space<hbm>> -> memref<200x128xf32, #tpu.memory_space<hbm>>
    %dma_wait3A_538 = arith.constant 0 : i32
    %dma_wait3A_539 = tpu.memref_slice %arg3[%dma_wait3A_534, %dma_wait3A_538, %mul3A_2] : memref<64x200x4096xf32, #tpu.memory_space<hbm>> -> memref<1x200x128xf32, #tpu.memory_space<hbm>>
    %dma_wait3A_540 = tpu.memref_squeeze %dma_wait3A_539 : memref<1x200x128xf32, #tpu.memory_space<hbm>> -> memref<200x128xf32, #tpu.memory_space<hbm>>
    tpu.wait_dma2 semaphore(%arg7 : memref<!tpu.dma_semaphore, #tpu.memory_space<semaphore_mem>>) src(%arg5 : memref<200x128xf32, #tpu.memory_space<vmem>>) dst(%dma_wait3A_540 : memref<200x128xf32, #tpu.memory_space<hbm>>)
    %dma_start3A_541 = arith.constant 38 : i32
    %dma_start3A_542 = arith.constant 0 : i32
    %dma_start3A_543 = tpu.memref_slice %arg3[%dma_start3A_541, %dma_start3A_542, %mul3A_2] : memref<64x200x4096xf32, #tpu.memory_space<hbm>> -> memref<1x200x128xf32, #tpu.memory_space<hbm>>
    %dma_start3A_544 = tpu.memref_squeeze %dma_start3A_543 : memref<1x200x128xf32, #tpu.memory_space<hbm>> -> memref<200x128xf32, #tpu.memory_space<hbm>>
    %dma_start3A_545 = arith.constant 0 : i32
    %dma_start3A_546 = tpu.memref_slice %arg3[%dma_start3A_541, %dma_start3A_545, %mul3A_2] : memref<64x200x4096xf32, #tpu.memory_space<hbm>> -> memref<1x200x128xf32, #tpu.memory_space<hbm>>
    %dma_start3A_547 = tpu.memref_squeeze %dma_start3A_546 : memref<1x200x128xf32, #tpu.memory_space<hbm>> -> memref<200x128xf32, #tpu.memory_space<hbm>>
    tpu.enqueue_dma source(%arg5 : memref<200x128xf32, #tpu.memory_space<vmem>>) target(%dma_start3A_547 : memref<200x128xf32, #tpu.memory_space<hbm>>) target_semaphore(%arg7 : memref<!tpu.dma_semaphore, #tpu.memory_space<semaphore_mem>>)
    %dma_wait3A_548 = arith.constant 37 : i32
    %dma_wait3A_549 = arith.constant 0 : i32
    %dma_wait3A_550 = tpu.memref_slice %arg3[%dma_wait3A_548, %dma_wait3A_549, %mul3A_2] : memref<64x200x4096xf32, #tpu.memory_space<hbm>> -> memref<1x200x128xf32, #tpu.memory_space<hbm>>
    %dma_wait3A_551 = tpu.memref_squeeze %dma_wait3A_550 : memref<1x200x128xf32, #tpu.memory_space<hbm>> -> memref<200x128xf32, #tpu.memory_space<hbm>>
    %dma_wait3A_552 = arith.constant 0 : i32
    %dma_wait3A_553 = tpu.memref_slice %arg3[%dma_wait3A_548, %dma_wait3A_552, %mul3A_2] : memref<64x200x4096xf32, #tpu.memory_space<hbm>> -> memref<1x200x128xf32, #tpu.memory_space<hbm>>
    %dma_wait3A_554 = tpu.memref_squeeze %dma_wait3A_553 : memref<1x200x128xf32, #tpu.memory_space<hbm>> -> memref<200x128xf32, #tpu.memory_space<hbm>>
    tpu.wait_dma2 semaphore(%arg8 : memref<!tpu.dma_semaphore, #tpu.memory_space<semaphore_mem>>) src(%arg6 : memref<200x128xf32, #tpu.memory_space<vmem>>) dst(%dma_wait3A_554 : memref<200x128xf32, #tpu.memory_space<hbm>>)
    %dma_start3A_555 = arith.constant 39 : i32
    %dma_start3A_556 = arith.constant 0 : i32
    %dma_start3A_557 = tpu.memref_slice %arg3[%dma_start3A_555, %dma_start3A_556, %mul3A_2] : memref<64x200x4096xf32, #tpu.memory_space<hbm>> -> memref<1x200x128xf32, #tpu.memory_space<hbm>>
    %dma_start3A_558 = tpu.memref_squeeze %dma_start3A_557 : memref<1x200x128xf32, #tpu.memory_space<hbm>> -> memref<200x128xf32, #tpu.memory_space<hbm>>
    %dma_start3A_559 = arith.constant 0 : i32
    %dma_start3A_560 = tpu.memref_slice %arg3[%dma_start3A_555, %dma_start3A_559, %mul3A_2] : memref<64x200x4096xf32, #tpu.memory_space<hbm>> -> memref<1x200x128xf32, #tpu.memory_space<hbm>>
    %dma_start3A_561 = tpu.memref_squeeze %dma_start3A_560 : memref<1x200x128xf32, #tpu.memory_space<hbm>> -> memref<200x128xf32, #tpu.memory_space<hbm>>
    tpu.enqueue_dma source(%arg6 : memref<200x128xf32, #tpu.memory_space<vmem>>) target(%dma_start3A_561 : memref<200x128xf32, #tpu.memory_space<hbm>>) target_semaphore(%arg8 : memref<!tpu.dma_semaphore, #tpu.memory_space<semaphore_mem>>)
    %dma_wait3A_562 = arith.constant 38 : i32
    %dma_wait3A_563 = arith.constant 0 : i32
    %dma_wait3A_564 = tpu.memref_slice %arg3[%dma_wait3A_562, %dma_wait3A_563, %mul3A_2] : memref<64x200x4096xf32, #tpu.memory_space<hbm>> -> memref<1x200x128xf32, #tpu.memory_space<hbm>>
    %dma_wait3A_565 = tpu.memref_squeeze %dma_wait3A_564 : memref<1x200x128xf32, #tpu.memory_space<hbm>> -> memref<200x128xf32, #tpu.memory_space<hbm>>
    %dma_wait3A_566 = arith.constant 0 : i32
    %dma_wait3A_567 = tpu.memref_slice %arg3[%dma_wait3A_562, %dma_wait3A_566, %mul3A_2] : memref<64x200x4096xf32, #tpu.memory_space<hbm>> -> memref<1x200x128xf32, #tpu.memory_space<hbm>>
    %dma_wait3A_568 = tpu.memref_squeeze %dma_wait3A_567 : memref<1x200x128xf32, #tpu.memory_space<hbm>> -> memref<200x128xf32, #tpu.memory_space<hbm>>
    tpu.wait_dma2 semaphore(%arg7 : memref<!tpu.dma_semaphore, #tpu.memory_space<semaphore_mem>>) src(%arg5 : memref<200x128xf32, #tpu.memory_space<vmem>>) dst(%dma_wait3A_568 : memref<200x128xf32, #tpu.memory_space<hbm>>)
    %dma_start3A_569 = arith.constant 40 : i32
    %dma_start3A_570 = arith.constant 0 : i32
    %dma_start3A_571 = tpu.memref_slice %arg3[%dma_start3A_569, %dma_start3A_570, %mul3A_2] : memref<64x200x4096xf32, #tpu.memory_space<hbm>> -> memref<1x200x128xf32, #tpu.memory_space<hbm>>
    %dma_start3A_572 = tpu.memref_squeeze %dma_start3A_571 : memref<1x200x128xf32, #tpu.memory_space<hbm>> -> memref<200x128xf32, #tpu.memory_space<hbm>>
    %dma_start3A_573 = arith.constant 0 : i32
    %dma_start3A_574 = tpu.memref_slice %arg3[%dma_start3A_569, %dma_start3A_573, %mul3A_2] : memref<64x200x4096xf32, #tpu.memory_space<hbm>> -> memref<1x200x128xf32, #tpu.memory_space<hbm>>
    %dma_start3A_575 = tpu.memref_squeeze %dma_start3A_574 : memref<1x200x128xf32, #tpu.memory_space<hbm>> -> memref<200x128xf32, #tpu.memory_space<hbm>>
    tpu.enqueue_dma source(%arg5 : memref<200x128xf32, #tpu.memory_space<vmem>>) target(%dma_start3A_575 : memref<200x128xf32, #tpu.memory_space<hbm>>) target_semaphore(%arg7 : memref<!tpu.dma_semaphore, #tpu.memory_space<semaphore_mem>>)
    %dma_wait3A_576 = arith.constant 39 : i32
    %dma_wait3A_577 = arith.constant 0 : i32
    %dma_wait3A_578 = tpu.memref_slice %arg3[%dma_wait3A_576, %dma_wait3A_577, %mul3A_2] : memref<64x200x4096xf32, #tpu.memory_space<hbm>> -> memref<1x200x128xf32, #tpu.memory_space<hbm>>
    %dma_wait3A_579 = tpu.memref_squeeze %dma_wait3A_578 : memref<1x200x128xf32, #tpu.memory_space<hbm>> -> memref<200x128xf32, #tpu.memory_space<hbm>>
    %dma_wait3A_580 = arith.constant 0 : i32
    %dma_wait3A_581 = tpu.memref_slice %arg3[%dma_wait3A_576, %dma_wait3A_580, %mul3A_2] : memref<64x200x4096xf32, #tpu.memory_space<hbm>> -> memref<1x200x128xf32, #tpu.memory_space<hbm>>
    %dma_wait3A_582 = tpu.memref_squeeze %dma_wait3A_581 : memref<1x200x128xf32, #tpu.memory_space<hbm>> -> memref<200x128xf32, #tpu.memory_space<hbm>>
    tpu.wait_dma2 semaphore(%arg8 : memref<!tpu.dma_semaphore, #tpu.memory_space<semaphore_mem>>) src(%arg6 : memref<200x128xf32, #tpu.memory_space<vmem>>) dst(%dma_wait3A_582 : memref<200x128xf32, #tpu.memory_space<hbm>>)
    %dma_start3A_583 = arith.constant 41 : i32
    %dma_start3A_584 = arith.constant 0 : i32
    %dma_start3A_585 = tpu.memref_slice %arg3[%dma_start3A_583, %dma_start3A_584, %mul3A_2] : memref<64x200x4096xf32, #tpu.memory_space<hbm>> -> memref<1x200x128xf32, #tpu.memory_space<hbm>>
    %dma_start3A_586 = tpu.memref_squeeze %dma_start3A_585 : memref<1x200x128xf32, #tpu.memory_space<hbm>> -> memref<200x128xf32, #tpu.memory_space<hbm>>
    %dma_start3A_587 = arith.constant 0 : i32
    %dma_start3A_588 = tpu.memref_slice %arg3[%dma_start3A_583, %dma_start3A_587, %mul3A_2] : memref<64x200x4096xf32, #tpu.memory_space<hbm>> -> memref<1x200x128xf32, #tpu.memory_space<hbm>>
    %dma_start3A_589 = tpu.memref_squeeze %dma_start3A_588 : memref<1x200x128xf32, #tpu.memory_space<hbm>> -> memref<200x128xf32, #tpu.memory_space<hbm>>
    tpu.enqueue_dma source(%arg6 : memref<200x128xf32, #tpu.memory_space<vmem>>) target(%dma_start3A_589 : memref<200x128xf32, #tpu.memory_space<hbm>>) target_semaphore(%arg8 : memref<!tpu.dma_semaphore, #tpu.memory_space<semaphore_mem>>)
    %dma_wait3A_590 = arith.constant 40 : i32
    %dma_wait3A_591 = arith.constant 0 : i32
    %dma_wait3A_592 = tpu.memref_slice %arg3[%dma_wait3A_590, %dma_wait3A_591, %mul3A_2] : memref<64x200x4096xf32, #tpu.memory_space<hbm>> -> memref<1x200x128xf32, #tpu.memory_space<hbm>>
    %dma_wait3A_593 = tpu.memref_squeeze %dma_wait3A_592 : memref<1x200x128xf32, #tpu.memory_space<hbm>> -> memref<200x128xf32, #tpu.memory_space<hbm>>
    %dma_wait3A_594 = arith.constant 0 : i32
    %dma_wait3A_595 = tpu.memref_slice %arg3[%dma_wait3A_590, %dma_wait3A_594, %mul3A_2] : memref<64x200x4096xf32, #tpu.memory_space<hbm>> -> memref<1x200x128xf32, #tpu.memory_space<hbm>>
    %dma_wait3A_596 = tpu.memref_squeeze %dma_wait3A_595 : memref<1x200x128xf32, #tpu.memory_space<hbm>> -> memref<200x128xf32, #tpu.memory_space<hbm>>
    tpu.wait_dma2 semaphore(%arg7 : memref<!tpu.dma_semaphore, #tpu.memory_space<semaphore_mem>>) src(%arg5 : memref<200x128xf32, #tpu.memory_space<vmem>>) dst(%dma_wait3A_596 : memref<200x128xf32, #tpu.memory_space<hbm>>)
    %dma_start3A_597 = arith.constant 42 : i32
    %dma_start3A_598 = arith.constant 0 : i32
    %dma_start3A_599 = tpu.memref_slice %arg3[%dma_start3A_597, %dma_start3A_598, %mul3A_2] : memref<64x200x4096xf32, #tpu.memory_space<hbm>> -> memref<1x200x128xf32, #tpu.memory_space<hbm>>
    %dma_start3A_600 = tpu.memref_squeeze %dma_start3A_599 : memref<1x200x128xf32, #tpu.memory_space<hbm>> -> memref<200x128xf32, #tpu.memory_space<hbm>>
    %dma_start3A_601 = arith.constant 0 : i32
    %dma_start3A_602 = tpu.memref_slice %arg3[%dma_start3A_597, %dma_start3A_601, %mul3A_2] : memref<64x200x4096xf32, #tpu.memory_space<hbm>> -> memref<1x200x128xf32, #tpu.memory_space<hbm>>
    %dma_start3A_603 = tpu.memref_squeeze %dma_start3A_602 : memref<1x200x128xf32, #tpu.memory_space<hbm>> -> memref<200x128xf32, #tpu.memory_space<hbm>>
    tpu.enqueue_dma source(%arg5 : memref<200x128xf32, #tpu.memory_space<vmem>>) target(%dma_start3A_603 : memref<200x128xf32, #tpu.memory_space<hbm>>) target_semaphore(%arg7 : memref<!tpu.dma_semaphore, #tpu.memory_space<semaphore_mem>>)
    %dma_wait3A_604 = arith.constant 41 : i32
    %dma_wait3A_605 = arith.constant 0 : i32
    %dma_wait3A_606 = tpu.memref_slice %arg3[%dma_wait3A_604, %dma_wait3A_605, %mul3A_2] : memref<64x200x4096xf32, #tpu.memory_space<hbm>> -> memref<1x200x128xf32, #tpu.memory_space<hbm>>
    %dma_wait3A_607 = tpu.memref_squeeze %dma_wait3A_606 : memref<1x200x128xf32, #tpu.memory_space<hbm>> -> memref<200x128xf32, #tpu.memory_space<hbm>>
    %dma_wait3A_608 = arith.constant 0 : i32
    %dma_wait3A_609 = tpu.memref_slice %arg3[%dma_wait3A_604, %dma_wait3A_608, %mul3A_2] : memref<64x200x4096xf32, #tpu.memory_space<hbm>> -> memref<1x200x128xf32, #tpu.memory_space<hbm>>
    %dma_wait3A_610 = tpu.memref_squeeze %dma_wait3A_609 : memref<1x200x128xf32, #tpu.memory_space<hbm>> -> memref<200x128xf32, #tpu.memory_space<hbm>>
    tpu.wait_dma2 semaphore(%arg8 : memref<!tpu.dma_semaphore, #tpu.memory_space<semaphore_mem>>) src(%arg6 : memref<200x128xf32, #tpu.memory_space<vmem>>) dst(%dma_wait3A_610 : memref<200x128xf32, #tpu.memory_space<hbm>>)
    %dma_start3A_611 = arith.constant 43 : i32
    %dma_start3A_612 = arith.constant 0 : i32
    %dma_start3A_613 = tpu.memref_slice %arg3[%dma_start3A_611, %dma_start3A_612, %mul3A_2] : memref<64x200x4096xf32, #tpu.memory_space<hbm>> -> memref<1x200x128xf32, #tpu.memory_space<hbm>>
    %dma_start3A_614 = tpu.memref_squeeze %dma_start3A_613 : memref<1x200x128xf32, #tpu.memory_space<hbm>> -> memref<200x128xf32, #tpu.memory_space<hbm>>
    %dma_start3A_615 = arith.constant 0 : i32
    %dma_start3A_616 = tpu.memref_slice %arg3[%dma_start3A_611, %dma_start3A_615, %mul3A_2] : memref<64x200x4096xf32, #tpu.memory_space<hbm>> -> memref<1x200x128xf32, #tpu.memory_space<hbm>>
    %dma_start3A_617 = tpu.memref_squeeze %dma_start3A_616 : memref<1x200x128xf32, #tpu.memory_space<hbm>> -> memref<200x128xf32, #tpu.memory_space<hbm>>
    tpu.enqueue_dma source(%arg6 : memref<200x128xf32, #tpu.memory_space<vmem>>) target(%dma_start3A_617 : memref<200x128xf32, #tpu.memory_space<hbm>>) target_semaphore(%arg8 : memref<!tpu.dma_semaphore, #tpu.memory_space<semaphore_mem>>)
    %dma_wait3A_618 = arith.constant 42 : i32
    %dma_wait3A_619 = arith.constant 0 : i32
    %dma_wait3A_620 = tpu.memref_slice %arg3[%dma_wait3A_618, %dma_wait3A_619, %mul3A_2] : memref<64x200x4096xf32, #tpu.memory_space<hbm>> -> memref<1x200x128xf32, #tpu.memory_space<hbm>>
    %dma_wait3A_621 = tpu.memref_squeeze %dma_wait3A_620 : memref<1x200x128xf32, #tpu.memory_space<hbm>> -> memref<200x128xf32, #tpu.memory_space<hbm>>
    %dma_wait3A_622 = arith.constant 0 : i32
    %dma_wait3A_623 = tpu.memref_slice %arg3[%dma_wait3A_618, %dma_wait3A_622, %mul3A_2] : memref<64x200x4096xf32, #tpu.memory_space<hbm>> -> memref<1x200x128xf32, #tpu.memory_space<hbm>>
    %dma_wait3A_624 = tpu.memref_squeeze %dma_wait3A_623 : memref<1x200x128xf32, #tpu.memory_space<hbm>> -> memref<200x128xf32, #tpu.memory_space<hbm>>
    tpu.wait_dma2 semaphore(%arg7 : memref<!tpu.dma_semaphore, #tpu.memory_space<semaphore_mem>>) src(%arg5 : memref<200x128xf32, #tpu.memory_space<vmem>>) dst(%dma_wait3A_624 : memref<200x128xf32, #tpu.memory_space<hbm>>)
    %dma_start3A_625 = arith.constant 44 : i32
    %dma_start3A_626 = arith.constant 0 : i32
    %dma_start3A_627 = tpu.memref_slice %arg3[%dma_start3A_625, %dma_start3A_626, %mul3A_2] : memref<64x200x4096xf32, #tpu.memory_space<hbm>> -> memref<1x200x128xf32, #tpu.memory_space<hbm>>
    %dma_start3A_628 = tpu.memref_squeeze %dma_start3A_627 : memref<1x200x128xf32, #tpu.memory_space<hbm>> -> memref<200x128xf32, #tpu.memory_space<hbm>>
    %dma_start3A_629 = arith.constant 0 : i32
    %dma_start3A_630 = tpu.memref_slice %arg3[%dma_start3A_625, %dma_start3A_629, %mul3A_2] : memref<64x200x4096xf32, #tpu.memory_space<hbm>> -> memref<1x200x128xf32, #tpu.memory_space<hbm>>
    %dma_start3A_631 = tpu.memref_squeeze %dma_start3A_630 : memref<1x200x128xf32, #tpu.memory_space<hbm>> -> memref<200x128xf32, #tpu.memory_space<hbm>>
    tpu.enqueue_dma source(%arg5 : memref<200x128xf32, #tpu.memory_space<vmem>>) target(%dma_start3A_631 : memref<200x128xf32, #tpu.memory_space<hbm>>) target_semaphore(%arg7 : memref<!tpu.dma_semaphore, #tpu.memory_space<semaphore_mem>>)
    %dma_wait3A_632 = arith.constant 43 : i32
    %dma_wait3A_633 = arith.constant 0 : i32
    %dma_wait3A_634 = tpu.memref_slice %arg3[%dma_wait3A_632, %dma_wait3A_633, %mul3A_2] : memref<64x200x4096xf32, #tpu.memory_space<hbm>> -> memref<1x200x128xf32, #tpu.memory_space<hbm>>
    %dma_wait3A_635 = tpu.memref_squeeze %dma_wait3A_634 : memref<1x200x128xf32, #tpu.memory_space<hbm>> -> memref<200x128xf32, #tpu.memory_space<hbm>>
    %dma_wait3A_636 = arith.constant 0 : i32
    %dma_wait3A_637 = tpu.memref_slice %arg3[%dma_wait3A_632, %dma_wait3A_636, %mul3A_2] : memref<64x200x4096xf32, #tpu.memory_space<hbm>> -> memref<1x200x128xf32, #tpu.memory_space<hbm>>
    %dma_wait3A_638 = tpu.memref_squeeze %dma_wait3A_637 : memref<1x200x128xf32, #tpu.memory_space<hbm>> -> memref<200x128xf32, #tpu.memory_space<hbm>>
    tpu.wait_dma2 semaphore(%arg8 : memref<!tpu.dma_semaphore, #tpu.memory_space<semaphore_mem>>) src(%arg6 : memref<200x128xf32, #tpu.memory_space<vmem>>) dst(%dma_wait3A_638 : memref<200x128xf32, #tpu.memory_space<hbm>>)
    %dma_start3A_639 = arith.constant 45 : i32
    %dma_start3A_640 = arith.constant 0 : i32
    %dma_start3A_641 = tpu.memref_slice %arg3[%dma_start3A_639, %dma_start3A_640, %mul3A_2] : memref<64x200x4096xf32, #tpu.memory_space<hbm>> -> memref<1x200x128xf32, #tpu.memory_space<hbm>>
    %dma_start3A_642 = tpu.memref_squeeze %dma_start3A_641 : memref<1x200x128xf32, #tpu.memory_space<hbm>> -> memref<200x128xf32, #tpu.memory_space<hbm>>
    %dma_start3A_643 = arith.constant 0 : i32
    %dma_start3A_644 = tpu.memref_slice %arg3[%dma_start3A_639, %dma_start3A_643, %mul3A_2] : memref<64x200x4096xf32, #tpu.memory_space<hbm>> -> memref<1x200x128xf32, #tpu.memory_space<hbm>>
    %dma_start3A_645 = tpu.memref_squeeze %dma_start3A_644 : memref<1x200x128xf32, #tpu.memory_space<hbm>> -> memref<200x128xf32, #tpu.memory_space<hbm>>
    tpu.enqueue_dma source(%arg6 : memref<200x128xf32, #tpu.memory_space<vmem>>) target(%dma_start3A_645 : memref<200x128xf32, #tpu.memory_space<hbm>>) target_semaphore(%arg8 : memref<!tpu.dma_semaphore, #tpu.memory_space<semaphore_mem>>)
    %dma_wait3A_646 = arith.constant 44 : i32
    %dma_wait3A_647 = arith.constant 0 : i32
    %dma_wait3A_648 = tpu.memref_slice %arg3[%dma_wait3A_646, %dma_wait3A_647, %mul3A_2] : memref<64x200x4096xf32, #tpu.memory_space<hbm>> -> memref<1x200x128xf32, #tpu.memory_space<hbm>>
    %dma_wait3A_649 = tpu.memref_squeeze %dma_wait3A_648 : memref<1x200x128xf32, #tpu.memory_space<hbm>> -> memref<200x128xf32, #tpu.memory_space<hbm>>
    %dma_wait3A_650 = arith.constant 0 : i32
    %dma_wait3A_651 = tpu.memref_slice %arg3[%dma_wait3A_646, %dma_wait3A_650, %mul3A_2] : memref<64x200x4096xf32, #tpu.memory_space<hbm>> -> memref<1x200x128xf32, #tpu.memory_space<hbm>>
    %dma_wait3A_652 = tpu.memref_squeeze %dma_wait3A_651 : memref<1x200x128xf32, #tpu.memory_space<hbm>> -> memref<200x128xf32, #tpu.memory_space<hbm>>
    tpu.wait_dma2 semaphore(%arg7 : memref<!tpu.dma_semaphore, #tpu.memory_space<semaphore_mem>>) src(%arg5 : memref<200x128xf32, #tpu.memory_space<vmem>>) dst(%dma_wait3A_652 : memref<200x128xf32, #tpu.memory_space<hbm>>)
    %dma_start3A_653 = arith.constant 46 : i32
    %dma_start3A_654 = arith.constant 0 : i32
    %dma_start3A_655 = tpu.memref_slice %arg3[%dma_start3A_653, %dma_start3A_654, %mul3A_2] : memref<64x200x4096xf32, #tpu.memory_space<hbm>> -> memref<1x200x128xf32, #tpu.memory_space<hbm>>
    %dma_start3A_656 = tpu.memref_squeeze %dma_start3A_655 : memref<1x200x128xf32, #tpu.memory_space<hbm>> -> memref<200x128xf32, #tpu.memory_space<hbm>>
    %dma_start3A_657 = arith.constant 0 : i32
    %dma_start3A_658 = tpu.memref_slice %arg3[%dma_start3A_653, %dma_start3A_657, %mul3A_2] : memref<64x200x4096xf32, #tpu.memory_space<hbm>> -> memref<1x200x128xf32, #tpu.memory_space<hbm>>
    %dma_start3A_659 = tpu.memref_squeeze %dma_start3A_658 : memref<1x200x128xf32, #tpu.memory_space<hbm>> -> memref<200x128xf32, #tpu.memory_space<hbm>>
    tpu.enqueue_dma source(%arg5 : memref<200x128xf32, #tpu.memory_space<vmem>>) target(%dma_start3A_659 : memref<200x128xf32, #tpu.memory_space<hbm>>) target_semaphore(%arg7 : memref<!tpu.dma_semaphore, #tpu.memory_space<semaphore_mem>>)
    %dma_wait3A_660 = arith.constant 45 : i32
    %dma_wait3A_661 = arith.constant 0 : i32
    %dma_wait3A_662 = tpu.memref_slice %arg3[%dma_wait3A_660, %dma_wait3A_661, %mul3A_2] : memref<64x200x4096xf32, #tpu.memory_space<hbm>> -> memref<1x200x128xf32, #tpu.memory_space<hbm>>
    %dma_wait3A_663 = tpu.memref_squeeze %dma_wait3A_662 : memref<1x200x128xf32, #tpu.memory_space<hbm>> -> memref<200x128xf32, #tpu.memory_space<hbm>>
    %dma_wait3A_664 = arith.constant 0 : i32
    %dma_wait3A_665 = tpu.memref_slice %arg3[%dma_wait3A_660, %dma_wait3A_664, %mul3A_2] : memref<64x200x4096xf32, #tpu.memory_space<hbm>> -> memref<1x200x128xf32, #tpu.memory_space<hbm>>
    %dma_wait3A_666 = tpu.memref_squeeze %dma_wait3A_665 : memref<1x200x128xf32, #tpu.memory_space<hbm>> -> memref<200x128xf32, #tpu.memory_space<hbm>>
    tpu.wait_dma2 semaphore(%arg8 : memref<!tpu.dma_semaphore, #tpu.memory_space<semaphore_mem>>) src(%arg6 : memref<200x128xf32, #tpu.memory_space<vmem>>) dst(%dma_wait3A_666 : memref<200x128xf32, #tpu.memory_space<hbm>>)
    %dma_start3A_667 = arith.constant 47 : i32
    %dma_start3A_668 = arith.constant 0 : i32
    %dma_start3A_669 = tpu.memref_slice %arg3[%dma_start3A_667, %dma_start3A_668, %mul3A_2] : memref<64x200x4096xf32, #tpu.memory_space<hbm>> -> memref<1x200x128xf32, #tpu.memory_space<hbm>>
    %dma_start3A_670 = tpu.memref_squeeze %dma_start3A_669 : memref<1x200x128xf32, #tpu.memory_space<hbm>> -> memref<200x128xf32, #tpu.memory_space<hbm>>
    %dma_start3A_671 = arith.constant 0 : i32
    %dma_start3A_672 = tpu.memref_slice %arg3[%dma_start3A_667, %dma_start3A_671, %mul3A_2] : memref<64x200x4096xf32, #tpu.memory_space<hbm>> -> memref<1x200x128xf32, #tpu.memory_space<hbm>>
    %dma_start3A_673 = tpu.memref_squeeze %dma_start3A_672 : memref<1x200x128xf32, #tpu.memory_space<hbm>> -> memref<200x128xf32, #tpu.memory_space<hbm>>
    tpu.enqueue_dma source(%arg6 : memref<200x128xf32, #tpu.memory_space<vmem>>) target(%dma_start3A_673 : memref<200x128xf32, #tpu.memory_space<hbm>>) target_semaphore(%arg8 : memref<!tpu.dma_semaphore, #tpu.memory_space<semaphore_mem>>)
    %dma_wait3A_674 = arith.constant 46 : i32
    %dma_wait3A_675 = arith.constant 0 : i32
    %dma_wait3A_676 = tpu.memref_slice %arg3[%dma_wait3A_674, %dma_wait3A_675, %mul3A_2] : memref<64x200x4096xf32, #tpu.memory_space<hbm>> -> memref<1x200x128xf32, #tpu.memory_space<hbm>>
    %dma_wait3A_677 = tpu.memref_squeeze %dma_wait3A_676 : memref<1x200x128xf32, #tpu.memory_space<hbm>> -> memref<200x128xf32, #tpu.memory_space<hbm>>
    %dma_wait3A_678 = arith.constant 0 : i32
    %dma_wait3A_679 = tpu.memref_slice %arg3[%dma_wait3A_674, %dma_wait3A_678, %mul3A_2] : memref<64x200x4096xf32, #tpu.memory_space<hbm>> -> memref<1x200x128xf32, #tpu.memory_space<hbm>>
    %dma_wait3A_680 = tpu.memref_squeeze %dma_wait3A_679 : memref<1x200x128xf32, #tpu.memory_space<hbm>> -> memref<200x128xf32, #tpu.memory_space<hbm>>
    tpu.wait_dma2 semaphore(%arg7 : memref<!tpu.dma_semaphore, #tpu.memory_space<semaphore_mem>>) src(%arg5 : memref<200x128xf32, #tpu.memory_space<vmem>>) dst(%dma_wait3A_680 : memref<200x128xf32, #tpu.memory_space<hbm>>)
    %dma_start3A_681 = arith.constant 48 : i32
    %dma_start3A_682 = arith.constant 0 : i32
    %dma_start3A_683 = tpu.memref_slice %arg3[%dma_start3A_681, %dma_start3A_682, %mul3A_2] : memref<64x200x4096xf32, #tpu.memory_space<hbm>> -> memref<1x200x128xf32, #tpu.memory_space<hbm>>
    %dma_start3A_684 = tpu.memref_squeeze %dma_start3A_683 : memref<1x200x128xf32, #tpu.memory_space<hbm>> -> memref<200x128xf32, #tpu.memory_space<hbm>>
    %dma_start3A_685 = arith.constant 0 : i32
    %dma_start3A_686 = tpu.memref_slice %arg3[%dma_start3A_681, %dma_start3A_685, %mul3A_2] : memref<64x200x4096xf32, #tpu.memory_space<hbm>> -> memref<1x200x128xf32, #tpu.memory_space<hbm>>
    %dma_start3A_687 = tpu.memref_squeeze %dma_start3A_686 : memref<1x200x128xf32, #tpu.memory_space<hbm>> -> memref<200x128xf32, #tpu.memory_space<hbm>>
    tpu.enqueue_dma source(%arg5 : memref<200x128xf32, #tpu.memory_space<vmem>>) target(%dma_start3A_687 : memref<200x128xf32, #tpu.memory_space<hbm>>) target_semaphore(%arg7 : memref<!tpu.dma_semaphore, #tpu.memory_space<semaphore_mem>>)
    %dma_wait3A_688 = arith.constant 47 : i32
    %dma_wait3A_689 = arith.constant 0 : i32
    %dma_wait3A_690 = tpu.memref_slice %arg3[%dma_wait3A_688, %dma_wait3A_689, %mul3A_2] : memref<64x200x4096xf32, #tpu.memory_space<hbm>> -> memref<1x200x128xf32, #tpu.memory_space<hbm>>
    %dma_wait3A_691 = tpu.memref_squeeze %dma_wait3A_690 : memref<1x200x128xf32, #tpu.memory_space<hbm>> -> memref<200x128xf32, #tpu.memory_space<hbm>>
    %dma_wait3A_692 = arith.constant 0 : i32
    %dma_wait3A_693 = tpu.memref_slice %arg3[%dma_wait3A_688, %dma_wait3A_692, %mul3A_2] : memref<64x200x4096xf32, #tpu.memory_space<hbm>> -> memref<1x200x128xf32, #tpu.memory_space<hbm>>
    %dma_wait3A_694 = tpu.memref_squeeze %dma_wait3A_693 : memref<1x200x128xf32, #tpu.memory_space<hbm>> -> memref<200x128xf32, #tpu.memory_space<hbm>>
    tpu.wait_dma2 semaphore(%arg8 : memref<!tpu.dma_semaphore, #tpu.memory_space<semaphore_mem>>) src(%arg6 : memref<200x128xf32, #tpu.memory_space<vmem>>) dst(%dma_wait3A_694 : memref<200x128xf32, #tpu.memory_space<hbm>>)
    %dma_start3A_695 = arith.constant 49 : i32
    %dma_start3A_696 = arith.constant 0 : i32
    %dma_start3A_697 = tpu.memref_slice %arg3[%dma_start3A_695, %dma_start3A_696, %mul3A_2] : memref<64x200x4096xf32, #tpu.memory_space<hbm>> -> memref<1x200x128xf32, #tpu.memory_space<hbm>>
    %dma_start3A_698 = tpu.memref_squeeze %dma_start3A_697 : memref<1x200x128xf32, #tpu.memory_space<hbm>> -> memref<200x128xf32, #tpu.memory_space<hbm>>
    %dma_start3A_699 = arith.constant 0 : i32
    %dma_start3A_700 = tpu.memref_slice %arg3[%dma_start3A_695, %dma_start3A_699, %mul3A_2] : memref<64x200x4096xf32, #tpu.memory_space<hbm>> -> memref<1x200x128xf32, #tpu.memory_space<hbm>>
    %dma_start3A_701 = tpu.memref_squeeze %dma_start3A_700 : memref<1x200x128xf32, #tpu.memory_space<hbm>> -> memref<200x128xf32, #tpu.memory_space<hbm>>
    tpu.enqueue_dma source(%arg6 : memref<200x128xf32, #tpu.memory_space<vmem>>) target(%dma_start3A_701 : memref<200x128xf32, #tpu.memory_space<hbm>>) target_semaphore(%arg8 : memref<!tpu.dma_semaphore, #tpu.memory_space<semaphore_mem>>)
    %dma_wait3A_702 = arith.constant 48 : i32
    %dma_wait3A_703 = arith.constant 0 : i32
    %dma_wait3A_704 = tpu.memref_slice %arg3[%dma_wait3A_702, %dma_wait3A_703, %mul3A_2] : memref<64x200x4096xf32, #tpu.memory_space<hbm>> -> memref<1x200x128xf32, #tpu.memory_space<hbm>>
    %dma_wait3A_705 = tpu.memref_squeeze %dma_wait3A_704 : memref<1x200x128xf32, #tpu.memory_space<hbm>> -> memref<200x128xf32, #tpu.memory_space<hbm>>
    %dma_wait3A_706 = arith.constant 0 : i32
    %dma_wait3A_707 = tpu.memref_slice %arg3[%dma_wait3A_702, %dma_wait3A_706, %mul3A_2] : memref<64x200x4096xf32, #tpu.memory_space<hbm>> -> memref<1x200x128xf32, #tpu.memory_space<hbm>>
    %dma_wait3A_708 = tpu.memref_squeeze %dma_wait3A_707 : memref<1x200x128xf32, #tpu.memory_space<hbm>> -> memref<200x128xf32, #tpu.memory_space<hbm>>
    tpu.wait_dma2 semaphore(%arg7 : memref<!tpu.dma_semaphore, #tpu.memory_space<semaphore_mem>>) src(%arg5 : memref<200x128xf32, #tpu.memory_space<vmem>>) dst(%dma_wait3A_708 : memref<200x128xf32, #tpu.memory_space<hbm>>)
    %dma_start3A_709 = arith.constant 50 : i32
    %dma_start3A_710 = arith.constant 0 : i32
    %dma_start3A_711 = tpu.memref_slice %arg3[%dma_start3A_709, %dma_start3A_710, %mul3A_2] : memref<64x200x4096xf32, #tpu.memory_space<hbm>> -> memref<1x200x128xf32, #tpu.memory_space<hbm>>
    %dma_start3A_712 = tpu.memref_squeeze %dma_start3A_711 : memref<1x200x128xf32, #tpu.memory_space<hbm>> -> memref<200x128xf32, #tpu.memory_space<hbm>>
    %dma_start3A_713 = arith.constant 0 : i32
    %dma_start3A_714 = tpu.memref_slice %arg3[%dma_start3A_709, %dma_start3A_713, %mul3A_2] : memref<64x200x4096xf32, #tpu.memory_space<hbm>> -> memref<1x200x128xf32, #tpu.memory_space<hbm>>
    %dma_start3A_715 = tpu.memref_squeeze %dma_start3A_714 : memref<1x200x128xf32, #tpu.memory_space<hbm>> -> memref<200x128xf32, #tpu.memory_space<hbm>>
    tpu.enqueue_dma source(%arg5 : memref<200x128xf32, #tpu.memory_space<vmem>>) target(%dma_start3A_715 : memref<200x128xf32, #tpu.memory_space<hbm>>) target_semaphore(%arg7 : memref<!tpu.dma_semaphore, #tpu.memory_space<semaphore_mem>>)
    %dma_wait3A_716 = arith.constant 49 : i32
    %dma_wait3A_717 = arith.constant 0 : i32
    %dma_wait3A_718 = tpu.memref_slice %arg3[%dma_wait3A_716, %dma_wait3A_717, %mul3A_2] : memref<64x200x4096xf32, #tpu.memory_space<hbm>> -> memref<1x200x128xf32, #tpu.memory_space<hbm>>
    %dma_wait3A_719 = tpu.memref_squeeze %dma_wait3A_718 : memref<1x200x128xf32, #tpu.memory_space<hbm>> -> memref<200x128xf32, #tpu.memory_space<hbm>>
    %dma_wait3A_720 = arith.constant 0 : i32
    %dma_wait3A_721 = tpu.memref_slice %arg3[%dma_wait3A_716, %dma_wait3A_720, %mul3A_2] : memref<64x200x4096xf32, #tpu.memory_space<hbm>> -> memref<1x200x128xf32, #tpu.memory_space<hbm>>
    %dma_wait3A_722 = tpu.memref_squeeze %dma_wait3A_721 : memref<1x200x128xf32, #tpu.memory_space<hbm>> -> memref<200x128xf32, #tpu.memory_space<hbm>>
    tpu.wait_dma2 semaphore(%arg8 : memref<!tpu.dma_semaphore, #tpu.memory_space<semaphore_mem>>) src(%arg6 : memref<200x128xf32, #tpu.memory_space<vmem>>) dst(%dma_wait3A_722 : memref<200x128xf32, #tpu.memory_space<hbm>>)
    %dma_start3A_723 = arith.constant 51 : i32
    %dma_start3A_724 = arith.constant 0 : i32
    %dma_start3A_725 = tpu.memref_slice %arg3[%dma_start3A_723, %dma_start3A_724, %mul3A_2] : memref<64x200x4096xf32, #tpu.memory_space<hbm>> -> memref<1x200x128xf32, #tpu.memory_space<hbm>>
    %dma_start3A_726 = tpu.memref_squeeze %dma_start3A_725 : memref<1x200x128xf32, #tpu.memory_space<hbm>> -> memref<200x128xf32, #tpu.memory_space<hbm>>
    %dma_start3A_727 = arith.constant 0 : i32
    %dma_start3A_728 = tpu.memref_slice %arg3[%dma_start3A_723, %dma_start3A_727, %mul3A_2] : memref<64x200x4096xf32, #tpu.memory_space<hbm>> -> memref<1x200x128xf32, #tpu.memory_space<hbm>>
    %dma_start3A_729 = tpu.memref_squeeze %dma_start3A_728 : memref<1x200x128xf32, #tpu.memory_space<hbm>> -> memref<200x128xf32, #tpu.memory_space<hbm>>
    tpu.enqueue_dma source(%arg6 : memref<200x128xf32, #tpu.memory_space<vmem>>) target(%dma_start3A_729 : memref<200x128xf32, #tpu.memory_space<hbm>>) target_semaphore(%arg8 : memref<!tpu.dma_semaphore, #tpu.memory_space<semaphore_mem>>)
    %dma_wait3A_730 = arith.constant 50 : i32
    %dma_wait3A_731 = arith.constant 0 : i32
    %dma_wait3A_732 = tpu.memref_slice %arg3[%dma_wait3A_730, %dma_wait3A_731, %mul3A_2] : memref<64x200x4096xf32, #tpu.memory_space<hbm>> -> memref<1x200x128xf32, #tpu.memory_space<hbm>>
    %dma_wait3A_733 = tpu.memref_squeeze %dma_wait3A_732 : memref<1x200x128xf32, #tpu.memory_space<hbm>> -> memref<200x128xf32, #tpu.memory_space<hbm>>
    %dma_wait3A_734 = arith.constant 0 : i32
    %dma_wait3A_735 = tpu.memref_slice %arg3[%dma_wait3A_730, %dma_wait3A_734, %mul3A_2] : memref<64x200x4096xf32, #tpu.memory_space<hbm>> -> memref<1x200x128xf32, #tpu.memory_space<hbm>>
    %dma_wait3A_736 = tpu.memref_squeeze %dma_wait3A_735 : memref<1x200x128xf32, #tpu.memory_space<hbm>> -> memref<200x128xf32, #tpu.memory_space<hbm>>
    tpu.wait_dma2 semaphore(%arg7 : memref<!tpu.dma_semaphore, #tpu.memory_space<semaphore_mem>>) src(%arg5 : memref<200x128xf32, #tpu.memory_space<vmem>>) dst(%dma_wait3A_736 : memref<200x128xf32, #tpu.memory_space<hbm>>)
    %dma_start3A_737 = arith.constant 52 : i32
    %dma_start3A_738 = arith.constant 0 : i32
    %dma_start3A_739 = tpu.memref_slice %arg3[%dma_start3A_737, %dma_start3A_738, %mul3A_2] : memref<64x200x4096xf32, #tpu.memory_space<hbm>> -> memref<1x200x128xf32, #tpu.memory_space<hbm>>
    %dma_start3A_740 = tpu.memref_squeeze %dma_start3A_739 : memref<1x200x128xf32, #tpu.memory_space<hbm>> -> memref<200x128xf32, #tpu.memory_space<hbm>>
    %dma_start3A_741 = arith.constant 0 : i32
    %dma_start3A_742 = tpu.memref_slice %arg3[%dma_start3A_737, %dma_start3A_741, %mul3A_2] : memref<64x200x4096xf32, #tpu.memory_space<hbm>> -> memref<1x200x128xf32, #tpu.memory_space<hbm>>
    %dma_start3A_743 = tpu.memref_squeeze %dma_start3A_742 : memref<1x200x128xf32, #tpu.memory_space<hbm>> -> memref<200x128xf32, #tpu.memory_space<hbm>>
    tpu.enqueue_dma source(%arg5 : memref<200x128xf32, #tpu.memory_space<vmem>>) target(%dma_start3A_743 : memref<200x128xf32, #tpu.memory_space<hbm>>) target_semaphore(%arg7 : memref<!tpu.dma_semaphore, #tpu.memory_space<semaphore_mem>>)
    %dma_wait3A_744 = arith.constant 51 : i32
    %dma_wait3A_745 = arith.constant 0 : i32
    %dma_wait3A_746 = tpu.memref_slice %arg3[%dma_wait3A_744, %dma_wait3A_745, %mul3A_2] : memref<64x200x4096xf32, #tpu.memory_space<hbm>> -> memref<1x200x128xf32, #tpu.memory_space<hbm>>
    %dma_wait3A_747 = tpu.memref_squeeze %dma_wait3A_746 : memref<1x200x128xf32, #tpu.memory_space<hbm>> -> memref<200x128xf32, #tpu.memory_space<hbm>>
    %dma_wait3A_748 = arith.constant 0 : i32
    %dma_wait3A_749 = tpu.memref_slice %arg3[%dma_wait3A_744, %dma_wait3A_748, %mul3A_2] : memref<64x200x4096xf32, #tpu.memory_space<hbm>> -> memref<1x200x128xf32, #tpu.memory_space<hbm>>
    %dma_wait3A_750 = tpu.memref_squeeze %dma_wait3A_749 : memref<1x200x128xf32, #tpu.memory_space<hbm>> -> memref<200x128xf32, #tpu.memory_space<hbm>>
    tpu.wait_dma2 semaphore(%arg8 : memref<!tpu.dma_semaphore, #tpu.memory_space<semaphore_mem>>) src(%arg6 : memref<200x128xf32, #tpu.memory_space<vmem>>) dst(%dma_wait3A_750 : memref<200x128xf32, #tpu.memory_space<hbm>>)
    %dma_start3A_751 = arith.constant 53 : i32
    %dma_start3A_752 = arith.constant 0 : i32
    %dma_start3A_753 = tpu.memref_slice %arg3[%dma_start3A_751, %dma_start3A_752, %mul3A_2] : memref<64x200x4096xf32, #tpu.memory_space<hbm>> -> memref<1x200x128xf32, #tpu.memory_space<hbm>>
    %dma_start3A_754 = tpu.memref_squeeze %dma_start3A_753 : memref<1x200x128xf32, #tpu.memory_space<hbm>> -> memref<200x128xf32, #tpu.memory_space<hbm>>
    %dma_start3A_755 = arith.constant 0 : i32
    %dma_start3A_756 = tpu.memref_slice %arg3[%dma_start3A_751, %dma_start3A_755, %mul3A_2] : memref<64x200x4096xf32, #tpu.memory_space<hbm>> -> memref<1x200x128xf32, #tpu.memory_space<hbm>>
    %dma_start3A_757 = tpu.memref_squeeze %dma_start3A_756 : memref<1x200x128xf32, #tpu.memory_space<hbm>> -> memref<200x128xf32, #tpu.memory_space<hbm>>
    tpu.enqueue_dma source(%arg6 : memref<200x128xf32, #tpu.memory_space<vmem>>) target(%dma_start3A_757 : memref<200x128xf32, #tpu.memory_space<hbm>>) target_semaphore(%arg8 : memref<!tpu.dma_semaphore, #tpu.memory_space<semaphore_mem>>)
    %dma_wait3A_758 = arith.constant 52 : i32
    %dma_wait3A_759 = arith.constant 0 : i32
    %dma_wait3A_760 = tpu.memref_slice %arg3[%dma_wait3A_758, %dma_wait3A_759, %mul3A_2] : memref<64x200x4096xf32, #tpu.memory_space<hbm>> -> memref<1x200x128xf32, #tpu.memory_space<hbm>>
    %dma_wait3A_761 = tpu.memref_squeeze %dma_wait3A_760 : memref<1x200x128xf32, #tpu.memory_space<hbm>> -> memref<200x128xf32, #tpu.memory_space<hbm>>
    %dma_wait3A_762 = arith.constant 0 : i32
    %dma_wait3A_763 = tpu.memref_slice %arg3[%dma_wait3A_758, %dma_wait3A_762, %mul3A_2] : memref<64x200x4096xf32, #tpu.memory_space<hbm>> -> memref<1x200x128xf32, #tpu.memory_space<hbm>>
    %dma_wait3A_764 = tpu.memref_squeeze %dma_wait3A_763 : memref<1x200x128xf32, #tpu.memory_space<hbm>> -> memref<200x128xf32, #tpu.memory_space<hbm>>
    tpu.wait_dma2 semaphore(%arg7 : memref<!tpu.dma_semaphore, #tpu.memory_space<semaphore_mem>>) src(%arg5 : memref<200x128xf32, #tpu.memory_space<vmem>>) dst(%dma_wait3A_764 : memref<200x128xf32, #tpu.memory_space<hbm>>)
    %dma_start3A_765 = arith.constant 54 : i32
    %dma_start3A_766 = arith.constant 0 : i32
    %dma_start3A_767 = tpu.memref_slice %arg3[%dma_start3A_765, %dma_start3A_766, %mul3A_2] : memref<64x200x4096xf32, #tpu.memory_space<hbm>> -> memref<1x200x128xf32, #tpu.memory_space<hbm>>
    %dma_start3A_768 = tpu.memref_squeeze %dma_start3A_767 : memref<1x200x128xf32, #tpu.memory_space<hbm>> -> memref<200x128xf32, #tpu.memory_space<hbm>>
    %dma_start3A_769 = arith.constant 0 : i32
    %dma_start3A_770 = tpu.memref_slice %arg3[%dma_start3A_765, %dma_start3A_769, %mul3A_2] : memref<64x200x4096xf32, #tpu.memory_space<hbm>> -> memref<1x200x128xf32, #tpu.memory_space<hbm>>
    %dma_start3A_771 = tpu.memref_squeeze %dma_start3A_770 : memref<1x200x128xf32, #tpu.memory_space<hbm>> -> memref<200x128xf32, #tpu.memory_space<hbm>>
    tpu.enqueue_dma source(%arg5 : memref<200x128xf32, #tpu.memory_space<vmem>>) target(%dma_start3A_771 : memref<200x128xf32, #tpu.memory_space<hbm>>) target_semaphore(%arg7 : memref<!tpu.dma_semaphore, #tpu.memory_space<semaphore_mem>>)
    %dma_wait3A_772 = arith.constant 53 : i32
    %dma_wait3A_773 = arith.constant 0 : i32
    %dma_wait3A_774 = tpu.memref_slice %arg3[%dma_wait3A_772, %dma_wait3A_773, %mul3A_2] : memref<64x200x4096xf32, #tpu.memory_space<hbm>> -> memref<1x200x128xf32, #tpu.memory_space<hbm>>
    %dma_wait3A_775 = tpu.memref_squeeze %dma_wait3A_774 : memref<1x200x128xf32, #tpu.memory_space<hbm>> -> memref<200x128xf32, #tpu.memory_space<hbm>>
    %dma_wait3A_776 = arith.constant 0 : i32
    %dma_wait3A_777 = tpu.memref_slice %arg3[%dma_wait3A_772, %dma_wait3A_776, %mul3A_2] : memref<64x200x4096xf32, #tpu.memory_space<hbm>> -> memref<1x200x128xf32, #tpu.memory_space<hbm>>
    %dma_wait3A_778 = tpu.memref_squeeze %dma_wait3A_777 : memref<1x200x128xf32, #tpu.memory_space<hbm>> -> memref<200x128xf32, #tpu.memory_space<hbm>>
    tpu.wait_dma2 semaphore(%arg8 : memref<!tpu.dma_semaphore, #tpu.memory_space<semaphore_mem>>) src(%arg6 : memref<200x128xf32, #tpu.memory_space<vmem>>) dst(%dma_wait3A_778 : memref<200x128xf32, #tpu.memory_space<hbm>>)
    %dma_start3A_779 = arith.constant 55 : i32
    %dma_start3A_780 = arith.constant 0 : i32
    %dma_start3A_781 = tpu.memref_slice %arg3[%dma_start3A_779, %dma_start3A_780, %mul3A_2] : memref<64x200x4096xf32, #tpu.memory_space<hbm>> -> memref<1x200x128xf32, #tpu.memory_space<hbm>>
    %dma_start3A_782 = tpu.memref_squeeze %dma_start3A_781 : memref<1x200x128xf32, #tpu.memory_space<hbm>> -> memref<200x128xf32, #tpu.memory_space<hbm>>
    %dma_start3A_783 = arith.constant 0 : i32
    %dma_start3A_784 = tpu.memref_slice %arg3[%dma_start3A_779, %dma_start3A_783, %mul3A_2] : memref<64x200x4096xf32, #tpu.memory_space<hbm>> -> memref<1x200x128xf32, #tpu.memory_space<hbm>>
    %dma_start3A_785 = tpu.memref_squeeze %dma_start3A_784 : memref<1x200x128xf32, #tpu.memory_space<hbm>> -> memref<200x128xf32, #tpu.memory_space<hbm>>
    tpu.enqueue_dma source(%arg6 : memref<200x128xf32, #tpu.memory_space<vmem>>) target(%dma_start3A_785 : memref<200x128xf32, #tpu.memory_space<hbm>>) target_semaphore(%arg8 : memref<!tpu.dma_semaphore, #tpu.memory_space<semaphore_mem>>)
    %dma_wait3A_786 = arith.constant 54 : i32
    %dma_wait3A_787 = arith.constant 0 : i32
    %dma_wait3A_788 = tpu.memref_slice %arg3[%dma_wait3A_786, %dma_wait3A_787, %mul3A_2] : memref<64x200x4096xf32, #tpu.memory_space<hbm>> -> memref<1x200x128xf32, #tpu.memory_space<hbm>>
    %dma_wait3A_789 = tpu.memref_squeeze %dma_wait3A_788 : memref<1x200x128xf32, #tpu.memory_space<hbm>> -> memref<200x128xf32, #tpu.memory_space<hbm>>
    %dma_wait3A_790 = arith.constant 0 : i32
    %dma_wait3A_791 = tpu.memref_slice %arg3[%dma_wait3A_786, %dma_wait3A_790, %mul3A_2] : memref<64x200x4096xf32, #tpu.memory_space<hbm>> -> memref<1x200x128xf32, #tpu.memory_space<hbm>>
    %dma_wait3A_792 = tpu.memref_squeeze %dma_wait3A_791 : memref<1x200x128xf32, #tpu.memory_space<hbm>> -> memref<200x128xf32, #tpu.memory_space<hbm>>
    tpu.wait_dma2 semaphore(%arg7 : memref<!tpu.dma_semaphore, #tpu.memory_space<semaphore_mem>>) src(%arg5 : memref<200x128xf32, #tpu.memory_space<vmem>>) dst(%dma_wait3A_792 : memref<200x128xf32, #tpu.memory_space<hbm>>)
    %dma_start3A_793 = arith.constant 56 : i32
    %dma_start3A_794 = arith.constant 0 : i32
    %dma_start3A_795 = tpu.memref_slice %arg3[%dma_start3A_793, %dma_start3A_794, %mul3A_2] : memref<64x200x4096xf32, #tpu.memory_space<hbm>> -> memref<1x200x128xf32, #tpu.memory_space<hbm>>
    %dma_start3A_796 = tpu.memref_squeeze %dma_start3A_795 : memref<1x200x128xf32, #tpu.memory_space<hbm>> -> memref<200x128xf32, #tpu.memory_space<hbm>>
    %dma_start3A_797 = arith.constant 0 : i32
    %dma_start3A_798 = tpu.memref_slice %arg3[%dma_start3A_793, %dma_start3A_797, %mul3A_2] : memref<64x200x4096xf32, #tpu.memory_space<hbm>> -> memref<1x200x128xf32, #tpu.memory_space<hbm>>
    %dma_start3A_799 = tpu.memref_squeeze %dma_start3A_798 : memref<1x200x128xf32, #tpu.memory_space<hbm>> -> memref<200x128xf32, #tpu.memory_space<hbm>>
    tpu.enqueue_dma source(%arg5 : memref<200x128xf32, #tpu.memory_space<vmem>>) target(%dma_start3A_799 : memref<200x128xf32, #tpu.memory_space<hbm>>) target_semaphore(%arg7 : memref<!tpu.dma_semaphore, #tpu.memory_space<semaphore_mem>>)
    %dma_wait3A_800 = arith.constant 55 : i32
    %dma_wait3A_801 = arith.constant 0 : i32
    %dma_wait3A_802 = tpu.memref_slice %arg3[%dma_wait3A_800, %dma_wait3A_801, %mul3A_2] : memref<64x200x4096xf32, #tpu.memory_space<hbm>> -> memref<1x200x128xf32, #tpu.memory_space<hbm>>
    %dma_wait3A_803 = tpu.memref_squeeze %dma_wait3A_802 : memref<1x200x128xf32, #tpu.memory_space<hbm>> -> memref<200x128xf32, #tpu.memory_space<hbm>>
    %dma_wait3A_804 = arith.constant 0 : i32
    %dma_wait3A_805 = tpu.memref_slice %arg3[%dma_wait3A_800, %dma_wait3A_804, %mul3A_2] : memref<64x200x4096xf32, #tpu.memory_space<hbm>> -> memref<1x200x128xf32, #tpu.memory_space<hbm>>
    %dma_wait3A_806 = tpu.memref_squeeze %dma_wait3A_805 : memref<1x200x128xf32, #tpu.memory_space<hbm>> -> memref<200x128xf32, #tpu.memory_space<hbm>>
    tpu.wait_dma2 semaphore(%arg8 : memref<!tpu.dma_semaphore, #tpu.memory_space<semaphore_mem>>) src(%arg6 : memref<200x128xf32, #tpu.memory_space<vmem>>) dst(%dma_wait3A_806 : memref<200x128xf32, #tpu.memory_space<hbm>>)
    %dma_start3A_807 = arith.constant 57 : i32
    %dma_start3A_808 = arith.constant 0 : i32
    %dma_start3A_809 = tpu.memref_slice %arg3[%dma_start3A_807, %dma_start3A_808, %mul3A_2] : memref<64x200x4096xf32, #tpu.memory_space<hbm>> -> memref<1x200x128xf32, #tpu.memory_space<hbm>>
    %dma_start3A_810 = tpu.memref_squeeze %dma_start3A_809 : memref<1x200x128xf32, #tpu.memory_space<hbm>> -> memref<200x128xf32, #tpu.memory_space<hbm>>
    %dma_start3A_811 = arith.constant 0 : i32
    %dma_start3A_812 = tpu.memref_slice %arg3[%dma_start3A_807, %dma_start3A_811, %mul3A_2] : memref<64x200x4096xf32, #tpu.memory_space<hbm>> -> memref<1x200x128xf32, #tpu.memory_space<hbm>>
    %dma_start3A_813 = tpu.memref_squeeze %dma_start3A_812 : memref<1x200x128xf32, #tpu.memory_space<hbm>> -> memref<200x128xf32, #tpu.memory_space<hbm>>
    tpu.enqueue_dma source(%arg6 : memref<200x128xf32, #tpu.memory_space<vmem>>) target(%dma_start3A_813 : memref<200x128xf32, #tpu.memory_space<hbm>>) target_semaphore(%arg8 : memref<!tpu.dma_semaphore, #tpu.memory_space<semaphore_mem>>)
    %dma_wait3A_814 = arith.constant 56 : i32
    %dma_wait3A_815 = arith.constant 0 : i32
    %dma_wait3A_816 = tpu.memref_slice %arg3[%dma_wait3A_814, %dma_wait3A_815, %mul3A_2] : memref<64x200x4096xf32, #tpu.memory_space<hbm>> -> memref<1x200x128xf32, #tpu.memory_space<hbm>>
    %dma_wait3A_817 = tpu.memref_squeeze %dma_wait3A_816 : memref<1x200x128xf32, #tpu.memory_space<hbm>> -> memref<200x128xf32, #tpu.memory_space<hbm>>
    %dma_wait3A_818 = arith.constant 0 : i32
    %dma_wait3A_819 = tpu.memref_slice %arg3[%dma_wait3A_814, %dma_wait3A_818, %mul3A_2] : memref<64x200x4096xf32, #tpu.memory_space<hbm>> -> memref<1x200x128xf32, #tpu.memory_space<hbm>>
    %dma_wait3A_820 = tpu.memref_squeeze %dma_wait3A_819 : memref<1x200x128xf32, #tpu.memory_space<hbm>> -> memref<200x128xf32, #tpu.memory_space<hbm>>
    tpu.wait_dma2 semaphore(%arg7 : memref<!tpu.dma_semaphore, #tpu.memory_space<semaphore_mem>>) src(%arg5 : memref<200x128xf32, #tpu.memory_space<vmem>>) dst(%dma_wait3A_820 : memref<200x128xf32, #tpu.memory_space<hbm>>)
    %dma_start3A_821 = arith.constant 58 : i32
    %dma_start3A_822 = arith.constant 0 : i32
    %dma_start3A_823 = tpu.memref_slice %arg3[%dma_start3A_821, %dma_start3A_822, %mul3A_2] : memref<64x200x4096xf32, #tpu.memory_space<hbm>> -> memref<1x200x128xf32, #tpu.memory_space<hbm>>
    %dma_start3A_824 = tpu.memref_squeeze %dma_start3A_823 : memref<1x200x128xf32, #tpu.memory_space<hbm>> -> memref<200x128xf32, #tpu.memory_space<hbm>>
    %dma_start3A_825 = arith.constant 0 : i32
    %dma_start3A_826 = tpu.memref_slice %arg3[%dma_start3A_821, %dma_start3A_825, %mul3A_2] : memref<64x200x4096xf32, #tpu.memory_space<hbm>> -> memref<1x200x128xf32, #tpu.memory_space<hbm>>
    %dma_start3A_827 = tpu.memref_squeeze %dma_start3A_826 : memref<1x200x128xf32, #tpu.memory_space<hbm>> -> memref<200x128xf32, #tpu.memory_space<hbm>>
    tpu.enqueue_dma source(%arg5 : memref<200x128xf32, #tpu.memory_space<vmem>>) target(%dma_start3A_827 : memref<200x128xf32, #tpu.memory_space<hbm>>) target_semaphore(%arg7 : memref<!tpu.dma_semaphore, #tpu.memory_space<semaphore_mem>>)
    %dma_wait3A_828 = arith.constant 57 : i32
    %dma_wait3A_829 = arith.constant 0 : i32
    %dma_wait3A_830 = tpu.memref_slice %arg3[%dma_wait3A_828, %dma_wait3A_829, %mul3A_2] : memref<64x200x4096xf32, #tpu.memory_space<hbm>> -> memref<1x200x128xf32, #tpu.memory_space<hbm>>
    %dma_wait3A_831 = tpu.memref_squeeze %dma_wait3A_830 : memref<1x200x128xf32, #tpu.memory_space<hbm>> -> memref<200x128xf32, #tpu.memory_space<hbm>>
    %dma_wait3A_832 = arith.constant 0 : i32
    %dma_wait3A_833 = tpu.memref_slice %arg3[%dma_wait3A_828, %dma_wait3A_832, %mul3A_2] : memref<64x200x4096xf32, #tpu.memory_space<hbm>> -> memref<1x200x128xf32, #tpu.memory_space<hbm>>
    %dma_wait3A_834 = tpu.memref_squeeze %dma_wait3A_833 : memref<1x200x128xf32, #tpu.memory_space<hbm>> -> memref<200x128xf32, #tpu.memory_space<hbm>>
    tpu.wait_dma2 semaphore(%arg8 : memref<!tpu.dma_semaphore, #tpu.memory_space<semaphore_mem>>) src(%arg6 : memref<200x128xf32, #tpu.memory_space<vmem>>) dst(%dma_wait3A_834 : memref<200x128xf32, #tpu.memory_space<hbm>>)
    %dma_start3A_835 = arith.constant 59 : i32
    %dma_start3A_836 = arith.constant 0 : i32
    %dma_start3A_837 = tpu.memref_slice %arg3[%dma_start3A_835, %dma_start3A_836, %mul3A_2] : memref<64x200x4096xf32, #tpu.memory_space<hbm>> -> memref<1x200x128xf32, #tpu.memory_space<hbm>>
    %dma_start3A_838 = tpu.memref_squeeze %dma_start3A_837 : memref<1x200x128xf32, #tpu.memory_space<hbm>> -> memref<200x128xf32, #tpu.memory_space<hbm>>
    %dma_start3A_839 = arith.constant 0 : i32
    %dma_start3A_840 = tpu.memref_slice %arg3[%dma_start3A_835, %dma_start3A_839, %mul3A_2] : memref<64x200x4096xf32, #tpu.memory_space<hbm>> -> memref<1x200x128xf32, #tpu.memory_space<hbm>>
    %dma_start3A_841 = tpu.memref_squeeze %dma_start3A_840 : memref<1x200x128xf32, #tpu.memory_space<hbm>> -> memref<200x128xf32, #tpu.memory_space<hbm>>
    tpu.enqueue_dma source(%arg6 : memref<200x128xf32, #tpu.memory_space<vmem>>) target(%dma_start3A_841 : memref<200x128xf32, #tpu.memory_space<hbm>>) target_semaphore(%arg8 : memref<!tpu.dma_semaphore, #tpu.memory_space<semaphore_mem>>)
    %dma_wait3A_842 = arith.constant 58 : i32
    %dma_wait3A_843 = arith.constant 0 : i32
    %dma_wait3A_844 = tpu.memref_slice %arg3[%dma_wait3A_842, %dma_wait3A_843, %mul3A_2] : memref<64x200x4096xf32, #tpu.memory_space<hbm>> -> memref<1x200x128xf32, #tpu.memory_space<hbm>>
    %dma_wait3A_845 = tpu.memref_squeeze %dma_wait3A_844 : memref<1x200x128xf32, #tpu.memory_space<hbm>> -> memref<200x128xf32, #tpu.memory_space<hbm>>
    %dma_wait3A_846 = arith.constant 0 : i32
    %dma_wait3A_847 = tpu.memref_slice %arg3[%dma_wait3A_842, %dma_wait3A_846, %mul3A_2] : memref<64x200x4096xf32, #tpu.memory_space<hbm>> -> memref<1x200x128xf32, #tpu.memory_space<hbm>>
    %dma_wait3A_848 = tpu.memref_squeeze %dma_wait3A_847 : memref<1x200x128xf32, #tpu.memory_space<hbm>> -> memref<200x128xf32, #tpu.memory_space<hbm>>
    tpu.wait_dma2 semaphore(%arg7 : memref<!tpu.dma_semaphore, #tpu.memory_space<semaphore_mem>>) src(%arg5 : memref<200x128xf32, #tpu.memory_space<vmem>>) dst(%dma_wait3A_848 : memref<200x128xf32, #tpu.memory_space<hbm>>)
    %dma_start3A_849 = arith.constant 60 : i32
    %dma_start3A_850 = arith.constant 0 : i32
    %dma_start3A_851 = tpu.memref_slice %arg3[%dma_start3A_849, %dma_start3A_850, %mul3A_2] : memref<64x200x4096xf32, #tpu.memory_space<hbm>> -> memref<1x200x128xf32, #tpu.memory_space<hbm>>
    %dma_start3A_852 = tpu.memref_squeeze %dma_start3A_851 : memref<1x200x128xf32, #tpu.memory_space<hbm>> -> memref<200x128xf32, #tpu.memory_space<hbm>>
    %dma_start3A_853 = arith.constant 0 : i32
    %dma_start3A_854 = tpu.memref_slice %arg3[%dma_start3A_849, %dma_start3A_853, %mul3A_2] : memref<64x200x4096xf32, #tpu.memory_space<hbm>> -> memref<1x200x128xf32, #tpu.memory_space<hbm>>
    %dma_start3A_855 = tpu.memref_squeeze %dma_start3A_854 : memref<1x200x128xf32, #tpu.memory_space<hbm>> -> memref<200x128xf32, #tpu.memory_space<hbm>>
    tpu.enqueue_dma source(%arg5 : memref<200x128xf32, #tpu.memory_space<vmem>>) target(%dma_start3A_855 : memref<200x128xf32, #tpu.memory_space<hbm>>) target_semaphore(%arg7 : memref<!tpu.dma_semaphore, #tpu.memory_space<semaphore_mem>>)
    %dma_wait3A_856 = arith.constant 59 : i32
    %dma_wait3A_857 = arith.constant 0 : i32
    %dma_wait3A_858 = tpu.memref_slice %arg3[%dma_wait3A_856, %dma_wait3A_857, %mul3A_2] : memref<64x200x4096xf32, #tpu.memory_space<hbm>> -> memref<1x200x128xf32, #tpu.memory_space<hbm>>
    %dma_wait3A_859 = tpu.memref_squeeze %dma_wait3A_858 : memref<1x200x128xf32, #tpu.memory_space<hbm>> -> memref<200x128xf32, #tpu.memory_space<hbm>>
    %dma_wait3A_860 = arith.constant 0 : i32
    %dma_wait3A_861 = tpu.memref_slice %arg3[%dma_wait3A_856, %dma_wait3A_860, %mul3A_2] : memref<64x200x4096xf32, #tpu.memory_space<hbm>> -> memref<1x200x128xf32, #tpu.memory_space<hbm>>
    %dma_wait3A_862 = tpu.memref_squeeze %dma_wait3A_861 : memref<1x200x128xf32, #tpu.memory_space<hbm>> -> memref<200x128xf32, #tpu.memory_space<hbm>>
    tpu.wait_dma2 semaphore(%arg8 : memref<!tpu.dma_semaphore, #tpu.memory_space<semaphore_mem>>) src(%arg6 : memref<200x128xf32, #tpu.memory_space<vmem>>) dst(%dma_wait3A_862 : memref<200x128xf32, #tpu.memory_space<hbm>>)
    %dma_start3A_863 = arith.constant 61 : i32
    %dma_start3A_864 = arith.constant 0 : i32
    %dma_start3A_865 = tpu.memref_slice %arg3[%dma_start3A_863, %dma_start3A_864, %mul3A_2] : memref<64x200x4096xf32, #tpu.memory_space<hbm>> -> memref<1x200x128xf32, #tpu.memory_space<hbm>>
    %dma_start3A_866 = tpu.memref_squeeze %dma_start3A_865 : memref<1x200x128xf32, #tpu.memory_space<hbm>> -> memref<200x128xf32, #tpu.memory_space<hbm>>
    %dma_start3A_867 = arith.constant 0 : i32
    %dma_start3A_868 = tpu.memref_slice %arg3[%dma_start3A_863, %dma_start3A_867, %mul3A_2] : memref<64x200x4096xf32, #tpu.memory_space<hbm>> -> memref<1x200x128xf32, #tpu.memory_space<hbm>>
    %dma_start3A_869 = tpu.memref_squeeze %dma_start3A_868 : memref<1x200x128xf32, #tpu.memory_space<hbm>> -> memref<200x128xf32, #tpu.memory_space<hbm>>
    tpu.enqueue_dma source(%arg6 : memref<200x128xf32, #tpu.memory_space<vmem>>) target(%dma_start3A_869 : memref<200x128xf32, #tpu.memory_space<hbm>>) target_semaphore(%arg8 : memref<!tpu.dma_semaphore, #tpu.memory_space<semaphore_mem>>)
    %dma_wait3A_870 = arith.constant 60 : i32
    %dma_wait3A_871 = arith.constant 0 : i32
    %dma_wait3A_872 = tpu.memref_slice %arg3[%dma_wait3A_870, %dma_wait3A_871, %mul3A_2] : memref<64x200x4096xf32, #tpu.memory_space<hbm>> -> memref<1x200x128xf32, #tpu.memory_space<hbm>>
    %dma_wait3A_873 = tpu.memref_squeeze %dma_wait3A_872 : memref<1x200x128xf32, #tpu.memory_space<hbm>> -> memref<200x128xf32, #tpu.memory_space<hbm>>
    %dma_wait3A_874 = arith.constant 0 : i32
    %dma_wait3A_875 = tpu.memref_slice %arg3[%dma_wait3A_870, %dma_wait3A_874, %mul3A_2] : memref<64x200x4096xf32, #tpu.memory_space<hbm>> -> memref<1x200x128xf32, #tpu.memory_space<hbm>>
    %dma_wait3A_876 = tpu.memref_squeeze %dma_wait3A_875 : memref<1x200x128xf32, #tpu.memory_space<hbm>> -> memref<200x128xf32, #tpu.memory_space<hbm>>
    tpu.wait_dma2 semaphore(%arg7 : memref<!tpu.dma_semaphore, #tpu.memory_space<semaphore_mem>>) src(%arg5 : memref<200x128xf32, #tpu.memory_space<vmem>>) dst(%dma_wait3A_876 : memref<200x128xf32, #tpu.memory_space<hbm>>)
    %dma_start3A_877 = arith.constant 62 : i32
    %dma_start3A_878 = arith.constant 0 : i32
    %dma_start3A_879 = tpu.memref_slice %arg3[%dma_start3A_877, %dma_start3A_878, %mul3A_2] : memref<64x200x4096xf32, #tpu.memory_space<hbm>> -> memref<1x200x128xf32, #tpu.memory_space<hbm>>
    %dma_start3A_880 = tpu.memref_squeeze %dma_start3A_879 : memref<1x200x128xf32, #tpu.memory_space<hbm>> -> memref<200x128xf32, #tpu.memory_space<hbm>>
    %dma_start3A_881 = arith.constant 0 : i32
    %dma_start3A_882 = tpu.memref_slice %arg3[%dma_start3A_877, %dma_start3A_881, %mul3A_2] : memref<64x200x4096xf32, #tpu.memory_space<hbm>> -> memref<1x200x128xf32, #tpu.memory_space<hbm>>
    %dma_start3A_883 = tpu.memref_squeeze %dma_start3A_882 : memref<1x200x128xf32, #tpu.memory_space<hbm>> -> memref<200x128xf32, #tpu.memory_space<hbm>>
    tpu.enqueue_dma source(%arg5 : memref<200x128xf32, #tpu.memory_space<vmem>>) target(%dma_start3A_883 : memref<200x128xf32, #tpu.memory_space<hbm>>) target_semaphore(%arg7 : memref<!tpu.dma_semaphore, #tpu.memory_space<semaphore_mem>>)
    %dma_wait3A_884 = arith.constant 61 : i32
    %dma_wait3A_885 = arith.constant 0 : i32
    %dma_wait3A_886 = tpu.memref_slice %arg3[%dma_wait3A_884, %dma_wait3A_885, %mul3A_2] : memref<64x200x4096xf32, #tpu.memory_space<hbm>> -> memref<1x200x128xf32, #tpu.memory_space<hbm>>
    %dma_wait3A_887 = tpu.memref_squeeze %dma_wait3A_886 : memref<1x200x128xf32, #tpu.memory_space<hbm>> -> memref<200x128xf32, #tpu.memory_space<hbm>>
    %dma_wait3A_888 = arith.constant 0 : i32
    %dma_wait3A_889 = tpu.memref_slice %arg3[%dma_wait3A_884, %dma_wait3A_888, %mul3A_2] : memref<64x200x4096xf32, #tpu.memory_space<hbm>> -> memref<1x200x128xf32, #tpu.memory_space<hbm>>
    %dma_wait3A_890 = tpu.memref_squeeze %dma_wait3A_889 : memref<1x200x128xf32, #tpu.memory_space<hbm>> -> memref<200x128xf32, #tpu.memory_space<hbm>>
    tpu.wait_dma2 semaphore(%arg8 : memref<!tpu.dma_semaphore, #tpu.memory_space<semaphore_mem>>) src(%arg6 : memref<200x128xf32, #tpu.memory_space<vmem>>) dst(%dma_wait3A_890 : memref<200x128xf32, #tpu.memory_space<hbm>>)
    %dma_start3A_891 = arith.constant 63 : i32
    %dma_start3A_892 = arith.constant 0 : i32
    %dma_start3A_893 = tpu.memref_slice %arg3[%dma_start3A_891, %dma_start3A_892, %mul3A_2] : memref<64x200x4096xf32, #tpu.memory_space<hbm>> -> memref<1x200x128xf32, #tpu.memory_space<hbm>>
    %dma_start3A_894 = tpu.memref_squeeze %dma_start3A_893 : memref<1x200x128xf32, #tpu.memory_space<hbm>> -> memref<200x128xf32, #tpu.memory_space<hbm>>
    %dma_start3A_895 = arith.constant 0 : i32
    %dma_start3A_896 = tpu.memref_slice %arg3[%dma_start3A_891, %dma_start3A_895, %mul3A_2] : memref<64x200x4096xf32, #tpu.memory_space<hbm>> -> memref<1x200x128xf32, #tpu.memory_space<hbm>>
    %dma_start3A_897 = tpu.memref_squeeze %dma_start3A_896 : memref<1x200x128xf32, #tpu.memory_space<hbm>> -> memref<200x128xf32, #tpu.memory_space<hbm>>
    tpu.enqueue_dma source(%arg6 : memref<200x128xf32, #tpu.memory_space<vmem>>) target(%dma_start3A_897 : memref<200x128xf32, #tpu.memory_space<hbm>>) target_semaphore(%arg8 : memref<!tpu.dma_semaphore, #tpu.memory_space<semaphore_mem>>)
    %dma_wait3A_898 = arith.constant 62 : i32
    %dma_wait3A_899 = arith.constant 0 : i32
    %dma_wait3A_900 = tpu.memref_slice %arg3[%dma_wait3A_898, %dma_wait3A_899, %mul3A_2] : memref<64x200x4096xf32, #tpu.memory_space<hbm>> -> memref<1x200x128xf32, #tpu.memory_space<hbm>>
    %dma_wait3A_901 = tpu.memref_squeeze %dma_wait3A_900 : memref<1x200x128xf32, #tpu.memory_space<hbm>> -> memref<200x128xf32, #tpu.memory_space<hbm>>
    %dma_wait3A_902 = arith.constant 0 : i32
    %dma_wait3A_903 = tpu.memref_slice %arg3[%dma_wait3A_898, %dma_wait3A_902, %mul3A_2] : memref<64x200x4096xf32, #tpu.memory_space<hbm>> -> memref<1x200x128xf32, #tpu.memory_space<hbm>>
    %dma_wait3A_904 = tpu.memref_squeeze %dma_wait3A_903 : memref<1x200x128xf32, #tpu.memory_space<hbm>> -> memref<200x128xf32, #tpu.memory_space<hbm>>
    tpu.wait_dma2 semaphore(%arg7 : memref<!tpu.dma_semaphore, #tpu.memory_space<semaphore_mem>>) src(%arg5 : memref<200x128xf32, #tpu.memory_space<vmem>>) dst(%dma_wait3A_904 : memref<200x128xf32, #tpu.memory_space<hbm>>)
    %dma_wait3A_905 = arith.constant 63 : i32
    %dma_wait3A_906 = arith.constant 0 : i32
    %dma_wait3A_907 = tpu.memref_slice %arg3[%dma_wait3A_905, %dma_wait3A_906, %mul3A_2] : memref<64x200x4096xf32, #tpu.memory_space<hbm>> -> memref<1x200x128xf32, #tpu.memory_space<hbm>>
    %dma_wait3A_908 = tpu.memref_squeeze %dma_wait3A_907 : memref<1x200x128xf32, #tpu.memory_space<hbm>> -> memref<200x128xf32, #tpu.memory_space<hbm>>
    %dma_wait3A_909 = arith.constant 0 : i32
    %dma_wait3A_910 = tpu.memref_slice %arg3[%dma_wait3A_905, %dma_wait3A_909, %mul3A_2] : memref<64x200x4096xf32, #tpu.memory_space<hbm>> -> memref<1x200x128xf32, #tpu.memory_space<hbm>>
    %dma_wait3A_911 = tpu.memref_squeeze %dma_wait3A_910 : memref<1x200x128xf32, #tpu.memory_space<hbm>> -> memref<200x128xf32, #tpu.memory_space<hbm>>
    tpu.wait_dma2 semaphore(%arg8 : memref<!tpu.dma_semaphore, #tpu.memory_space<semaphore_mem>>) src(%arg6 : memref<200x128xf32, #tpu.memory_space<vmem>>) dst(%dma_wait3A_911 : memref<200x128xf32, #tpu.memory_space<hbm>>)
    return
  }
}

</mosaic_0001>

<sc_bundles>
// kernel: kernel.3.cloned.1.call-start
scs
__scs_entry_jumppad:
0x0: {  	(pc) =	sbr.rel $0x88, $3  }
0x1: {  	(tag) =	ssettag $0x0;
	lr =	simm.s32 $0x1  }
0x2: {  	[smem:$0x3FA0] =	sst lr;
	_ =	strace $0xD0000000  }
0x3: {  	_ = 	snop  }
0x4: {  	_ = 	snop  }
0x5: {  	_ = 	snop  }
0x6: {  	_ = 	snop  }
0x7: {  	_ = 	snop  }
__scs_overlays_trampoline_lowered:
0x8: {  	[smem:$0x3FAF] =	sst s0  }
0x9: {  	[smem:$0x3FB0] =	sst s1  }
0xa: {  	[smem:$0x3FB1] =	sst s2  }
0xb: {  	[smem:$0x3FB2] =	sst s3  }
0xc: {  	[smem:$0x3FB3] =	sst s4  }
0xd: {  	[smem:$0x3FB4] =	sst s5  }
0xe: {  	[smem:$0x3FB5] =	sst s6  }
0xf: {  	[smem:$0x3FB6] =	sst s7  }
0x10: {  	[smem:$0x3FB7] =	sst s8  }
0x11: {  	[smem:$0x3FB8] =	sst s9;
	s0 =	simm.s32 @!p0 $0x0  }
0x12: {  	s1 =	sld [smem:$0x3F9E];
	s0 =	simm.s32 @p0 $0x1  }
0x13: {  	[smem:$0x3FB9] =	sst s0;
	s0 =	simm.s32 @!p1 $0x0  }
0x14: {  	s2 =	sld [smem:$0x3F9D];
	s0 =	simm.s32 @p1 $0x1  }
0x15: {  	[smem:$0x3FBA] =	sst s0;
	s0 =	simm.s32 @!p2 $0x0  }
0x16: {  	s3 =	sld [smem:$0x3FDB];
	s0 =	simm.s32 @p2 $0x1  }
0x17: {  	s4 =	simm.s32 $0x1BF5;
	[smem:$0x3FBC] =	sst s0  }
0x18: {  	s0 =	sld [smem:$0x3F9F];
	_ =	swait.ge [sflag:s4], $0x0  }
0x19: {  	s7 =	sld [smem:$0x3FA0]  }
0x1a: {  	s8 =	sadd.s32 $0xFFFFE003, lr  }
0x1b: {  	s9 =	sadd.s32 $0xFFFFFEF7, lr;
	s5 =	simm.s32 $0xFFFFFFFF;
	p2 =	slt.u32 s8, $0xFFFFF086  }
0x1c: {  	p1 =	slt.u32 s9, $0xF7A;
	s5 =	simm.s32 @!p2 $0x0  }
0x1d: {  	s5 =	simm.s32 @p1 $0x1;
	p0 =	seq.s32 s7, s2  }
0x1e: {  	s7 =	smul.u32 @!p0 $0xF7A, s2;
	p2 =	seq.s32 @!p0 s5, $0x0  }
0x1f: {  	s9 =	smul.u32 $0xF7A, s1;
	s8 =	simm.s32 @!p0 $0x1BF5;
	p2 =	por !p2, p0  }
0x20: {  	[sflag:s8] =	ssyncset.s32 @!p0 $0xFFFFF086;
	s6 =	sadd.s32 @!p0 s3, s7;
	s7 =	simm.s32 @!p0 $0x108  }
0x21: {  	s3 =	sadd.s32 s3, s9;
	s6 =	sadd.s32 @!p0 $0x88, s6;
	s7 =	simm.s32 @p2 $0x1082  }
0x22: {  	[simem:s7], [sflag:s8] =	dma.local @!p0 [hbm:s6], $0xF7A  }
0x23: {  	s9 =	sor.u32 $0xD0000000, s2;
	s6 =	simm.s32 $0x108;
	_ =	swait.ge @!p0 [sflag:s8], $0x0  }
0x24: {  	s3 =	sadd.s32 $0x88, s3;
	s6 =	simm.s32 @!p1 $0x1082;
	[sflag:s4] =	ssyncset.s32 $0xFFFFF086  }
0x25: {  	[simem:s6], [sflag:s4] =	dma.local [hbm:s3], $0xF7A  }
0x26: {  	[smem:$0x3FA0] =	sst s1;
	(tag) =	ssettag s2;
	_ =	strace s9  }
0x27: {  	s1 =	sld [smem:$0x3FB0]  }
0x28: {  	s2 =	sld [smem:$0x3FB1]  }
0x29: {  	s4 =	sld [smem:$0x3FB3]  }
0x2a: {  	p0 =	seq.s32 s5, $0x0;
	s5 =	sld [smem:$0x3FB4]  }
0x2b: {  	s6 =	sld [smem:$0x3FB5]  }
0x2c: {  	s7 =	sld [smem:$0x3FB6]  }
0x2d: {  	s3 =	simm.s32 $0x108;
	s8 =	sld [smem:$0x3FB7]  }
0x2e: {  	s3 =	simm.s32 @!p0 $0x1082;
	s9 =	sld [smem:$0x3FB8]  }
0x2f: {  	lr =	sadd.s32 s0, s3;
	s0 =	sld [smem:$0x3FAF]  }
0x30: {  	s3 =	sld [smem:$0x3FB2]  }
0x31: {  	[smem:$0x3FBB] =	sst s10  }
0x32: {  	s10 =	sld [smem:$0x3FB9];
	_ =	sdelay $0x3  }
0x33: {  	p0 =	seq.s32 s10, $0x1;
	s10 =	sld [smem:$0x3FBB];
	_ =	sdelay $0x3  }
0x34: {  	[smem:$0x3FBB] =	sst s10  }
0x35: {  	s10 =	sld [smem:$0x3FBA];
	_ =	sdelay $0x3  }
0x36: {  	p1 =	seq.s32 s10, $0x1;
	s10 =	sld [smem:$0x3FBB];
	_ =	sdelay $0x3  }
0x37: {  	[smem:$0x3FBB] =	sst s10  }
0x38: {  	s10 =	sld [smem:$0x3FBC]  }
0x39: {  	_ = 	snop;
	(pc) =	sbr.ind lr, $3  }
0x3a: {  	_ = 	snop  }
0x3b: {  	_ = 	snop  }
0x3c: {  	p2 =	seq.s32 s10, $0x1;
	s10 =	sld [smem:$0x3FBB]  }
0x3d: {  	_ =	shalt  }
0x3e: {  	_ =	shalt  }
0x3f: {  	_ =	shalt  }
0x40: {  	_ =	shalt  }
0x41: {  	_ =	shalt  }
0x42: {  	_ =	shalt  }
0x43: {  	_ =	shalt  }
0x44: {  	_ =	shalt  }
0x45: {  	_ =	shalt  }
0x46: {  	_ =	shalt  }
0x47: {  	_ =	shalt  }
0x48: {  	_ =	shalt  }
0x49: {  	_ =	shalt  }
0x4a: {  	_ =	shalt  }
0x4b: {  	_ =	shalt  }
0x4c: {  	_ =	shalt  }
0x4d: {  	_ =	shalt  }
0x4e: {  	_ =	shalt  }
0x4f: {  	_ =	shalt  }
0x50: {  	_ =	shalt  }
0x51: {  	_ =	shalt  }
0x52: {  	_ =	shalt  }
0x53: {  	_ =	shalt  }
0x54: {  	_ =	shalt  }
0x55: {  	_ =	shalt  }
0x56: {  	_ =	shalt  }
0x57: {  	_ =	shalt  }
0x58: {  	_ =	shalt  }
0x59: {  	_ =	shalt  }
0x5a: {  	_ =	shalt  }
0x5b: {  	_ =	shalt  }
0x5c: {  	_ =	shalt  }
0x5d: {  	_ =	shalt  }
0x5e: {  	_ =	shalt  }
0x5f: {  	_ =	shalt  }
0x60: {  	_ =	shalt  }
0x61: {  	_ =	shalt  }
0x62: {  	_ =	shalt  }
0x63: {  	_ =	shalt  }
0x64: {  	_ =	shalt  }
0x65: {  	_ =	shalt  }
0x66: {  	_ =	shalt  }
0x67: {  	_ =	shalt  }
0x68: {  	_ =	shalt  }
0x69: {  	_ =	shalt  }
0x6a: {  	_ =	shalt  }
0x6b: {  	_ =	shalt  }
0x6c: {  	_ =	shalt  }
0x6d: {  	_ =	shalt  }
0x6e: {  	_ =	shalt  }
0x6f: {  	_ =	shalt  }
0x70: {  	_ =	shalt  }
0x71: {  	_ =	shalt  }
0x72: {  	_ =	shalt  }
0x73: {  	_ =	shalt  }
0x74: {  	_ =	shalt  }
0x75: {  	_ =	shalt  }
0x76: {  	_ =	shalt  }
0x77: {  	_ =	shalt  }
0x78: {  	_ =	shalt  }
0x79: {  	_ =	shalt  }
0x7a: {  	_ =	shalt  }
0x7b: {  	_ =	shalt  }
0x7c: {  	_ =	shalt  }
0x7d: {  	_ =	shalt  }
0x7e: {  	_ =	shalt  }
0x7f: {  	_ =	shalt  }
0x80: {  	_ =	shalt  }
0x81: {  	_ =	shalt  }
0x82: {  	_ =	shalt  }
0x83: {  	_ =	shalt  }
0x84: {  	_ =	shalt  }
0x85: {  	_ =	shalt  }
0x86: {  	_ =	shalt  }
0x87: {  	_ =	shalt  }
.Lfunc_end0:
.L_simem_size_0:
called_computation_lowered:
.L_overlay_start_0:
0x88: {  	s2 =	sld [smem:$0x3FD9]  }
0x89: {  	s3 =	sld [smem:$0x3FFE];
	_ =	sdelay $0x1  }
0x8a: {  	s1 =	srdreg.scid  }
0x8b: {  	s0 =	sand.u32 $0x1, s1  }
0x8c: {  	s18 =	sshll.u32 s0, $0xA;
	s2 =	sadd.s32 s3, s2  }
0x8d: {  	s2 =	sadd.s32 s2, s18  }
0x8e: {  	[smem:$0x3FC7] =	sst s2  }
0x8f: {  	_ = 	snop  }
0x90: {  	s2 =	sld [smem:$0x3FC9]  }
0x91: {  	s19 =	sld [smem:$0x3FD0];
	(tm) =	ssettm $0x1  }
0x92: {  	s4 =	sld [smem:$0x3FFB];
	_ =	sdelay $0x3  }
0x93: {  	_ =	strace s4  }
0x94: {  	s4 =	sld [smem:$0x3FFC];
	_ =	sdelay $0x3  }
0x95: {  	_ =	strace s4  }
0x96: {  	s4 =	sld [smem:$0x3FFD];
	_ =	sdelay $0x3  }
0x97: {  	_ =	strace s4  }
0x98: {  	_ =	strace $0x8FFFFFFF  }
0x99: {  	s20 =	sld [smem:$0x3FDB];
	_ =	sdelay $0x1  }
0x9a: {  	s5 =	simm.s32 $_scs_section_size  }
0x9b: {  	s6 =	simm.s32 $_size__tile_overlayer_lowered;
	s7 =	simm.s32 $_tile_overlayer_lowered  }
0x9c: {  	s23 =	simm.s32 $0x1BFF;
	s22 =	sshll.u32 s7, $0x1;
	s4 =	sadd.s32 s5, s20  }
0x9d: {  	s8 =	simm.s32 $0x0;
	s21 =	sshll.u32 s6, $0x1;
	s6 =	sadd.s32 s22, s4  }
0x9e: {  	[timem:s8], [sflag:s23] =	dma.local [hbm:s6], s21  }
0x9f: {  	_ =	swait.ge [sflag:s23], s21  }
0xa0: {  	s5 =	ssub.s32 $0x0, s21;
	[sflag:s23] =	ssyncset.done $0x0  }
0xa1: {  	[sflag:s23] =	ssyncadd.s32 s5;
	_ =	sdelay $0x1  }
0xa2: {  	s24 =	simm.s32 $0x1B8B  }
0xa3: {  	_ =	swait.ge [sflag:s24], $0x1  }
0xa4: {  	[sflag:s24] =	ssyncset.done $0x0  }
0xa5: {  	s25 =	simm.s32 $0x1B8E;
	[sflag:s24] =	ssyncadd.s32 $0xFFFFFFFF  }
0xa6: {  	s26 =	simm.s32 $execute0_lowered;
	[smem:$0x3FD2] =	sst s25  }
0xa7: {  	s5 =	sshll.u32 s26, $0x1;
	_ =	strace $0x80000046;
	[dreg:$0x1] =	wrdreg $0xFFFFFFFF  }
0xa8: {  	s28 =	simm.s32 $_size_execute0_lowered;
	s4 =	sadd.s32 s4, s5;
	[dreg:$0x0] =	wrdreg $0x0  }
0xa9: {  	s5 =	sshll.u32 s28, $0x1;
	[dreg:$0x2] =	wrdreg s4  }
0xaa: {  	[dreg:$0x3] =	wrdreg s5  }
0xab: {  	[dreg:$0x4] =	wrdreg $0xC0  }
0xac: {  	_ =	task [dreg:s8], $0x5FFFF  }
0xad: {  	[dreg:$0x1] =	wrdreg $0xFFFFFFFF  }
0xae: {  	[dreg:$0x0] =	wrdreg $0x60  }
0xaf: {  	[dreg:$0x2] =	wrdreg s2  }
0xb0: {  	[dreg:$0x3] =	wrdreg s19  }
0xb1: {  	[dreg:$0x4] =	wrdreg $0x9  }
0xb2: {  	_ =	task.clear_ibuf [dreg:s8], $0x5FFFF;
	_ =	strace $0x90000046  }
0xb3: {  	s29 =	simm.s32 $0x9;
	_ =	strace $0x80000048  }
0xb4: {  	_ =	swait.ge [sflag:s29], $0x1  }
0xb5: {  	[sflag:s29] =	ssyncadd.s32 $0xFFFFFFFF  }
0xb6: {  	_ =	strace $0x90000048  }
0xb7: {  	_ =	sfence  }
0xb8: {  	s30 =	sld [smem:$0x0];
	_ =	sdelay $0x2  }
0xb9: {  	s31 =	sshll.u32 s1, $0xD;
	s1 =	sshrl.u32 s1, $0x2  }
0xba: {  	s3 =	sand.u32 $0x4000, s31;
	s1 =	sadd.s32 s1, s30  }
0xbb: {  	s0 =	sor.u32 s3, s0;
	s1 =	sshll.u32 s1, $0x11  }
0xbc: {  	s0 =	sor.u32 s1, s0  }
0xbd: {  	s0 =	sadd.s32 $0x8F2B, s0  }
0xbe: {  	[sflag:s0] =	ssyncadd.remote.s32 $0x1  }
0xbf: {  	_ =	sfence.sel $0xFFFF  }
0xc0: {  	[dreg:$0x0] =	wrdreg $0xFFFFFFFF;
	(pc) =	sbr.abs _section_cstart, $3  }
0xc1: {  	[dreg:$0x1] =	wrdreg $0xFFFFFFFF  }
0xc2: {  	_ =	task.clear_ibuf [dreg:s8], $0x2FFFF;
	_ =	strace $0x9FFFFFFF  }
0xc3: {  	(tm) =	ssettm $0x7FFFFFFF  }
tec
execute0_lowered:
.L_overlay_start_1:
0x0: {  	(tag) =	ssettag $0x1  }
0x1: {  	s2 =	srdreg.scid  }
0x2: {  	s0 =	rddreg [dreg:$0x0];
	s4 =	stileid.u32;
	s2 =	sand.u32 $0x1, s2  }
0x3: {  	s4 =	sshll.u32 s4, $0x8;
	s6 =	ssub.s32 $0x2, s2;
	s2 =	sshll.u32 s2, $0x7  }
0x4: {  	s1 =	rddreg [dreg:$0x1];
	s3 =	simm.s32 $0x0;
	s2 =	sor.u32 s2, s4  }
0x5: {  	[smem:$0x7FF] =	sst s3;
	s0 =	sadd.s32 s0, s2;
	s4 =	sadd.s32 s1, s2  }
0x6: {  	_ =	strace $0x80000047;
	[dreg:$0x3] =	wrdreg s0;
	s7 =	sadd.s32 $0x19000, s4  }
0x7: {  	s8 =	sadd.s32 $0x32000, s4;
	[dreg:$0x4] =	wrdreg s7  }
0x8: {  	s9 =	sadd.s32 $0x4B000, s4;
	[dreg:$0x5] =	wrdreg s8  }
0x9: {  	s10 =	sadd.s32 $0x64000, s4;
	[dreg:$0x6] =	wrdreg s9  }
0xa: {  	s11 =	sadd.s32 $0x7D000, s4;
	[dreg:$0x7] =	wrdreg s10  }
0xb: {  	s12 =	sadd.s32 $0x96000, s4;
	[dreg:$0x8] =	wrdreg s11  }
0xc: {  	s13 =	sadd.s32 $0xAF000, s4;
	[dreg:$0x9] =	wrdreg s12  }
0xd: {  	s14 =	sadd.s32 $0xC8000, s4;
	[dreg:$0xa] =	wrdreg s13  }
0xe: {  	s15 =	sadd.s32 $0xE1000, s4;
	[dreg:$0xb] =	wrdreg s14  }
0xf: {  	s16 =	sadd.s32 $0xFA000, s4;
	[dreg:$0xc] =	wrdreg s15  }
0x10: {  	s17 =	sadd.s32 $0x113000, s4;
	[dreg:$0xd] =	wrdreg s16  }
0x11: {  	s18 =	sadd.s32 $0x12C000, s4;
	[dreg:$0xe] =	wrdreg s17  }
0x12: {  	s19 =	sadd.s32 $0x145000, s4;
	[dreg:$0xf] =	wrdreg s18  }
0x13: {  	s20 =	sadd.s32 $0x15E000, s4;
	[dreg:$0x10] =	wrdreg s19  }
0x14: {  	s21 =	sadd.s32 $0x177000, s4;
	[dreg:$0x11] =	wrdreg s20  }
0x15: {  	s22 =	sadd.s32 $0x190000, s4;
	[dreg:$0x12] =	wrdreg s21  }
0x16: {  	s23 =	sadd.s32 $0x1A9000, s4;
	[dreg:$0x13] =	wrdreg s22  }
0x17: {  	s24 =	sadd.s32 $0x1C2000, s4;
	[dreg:$0x14] =	wrdreg s23  }
0x18: {  	s5 =	sshrl.u32 s6, $0x1;
	s25 =	sadd.s32 $0x1DB000, s4;
	[dreg:$0x15] =	wrdreg s24  }
0x19: {  	s3 =	ssub.s32 s6, s5;
	s26 =	sadd.s32 $0x1F4000, s4;
	[dreg:$0x16] =	wrdreg s25  }
0x1a: {  	s1 =	smax.u32 s3, $0x1;
	[dreg:$0x17] =	wrdreg s26  }
0x1b: {  	s2 =	sadd.s32 $0x20D000, s4;
	[dreg:$0x18] =	wrdreg s1  }
0x1c: {  	s3 =	sadd.s32 $0x226000, s4;
	[dreg:$0x19] =	wrdreg s2  }
0x1d: {  	s5 =	sadd.s32 $0x23F000, s4;
	[dreg:$0x1a] =	wrdreg s3  }
0x1e: {  	s6 =	sadd.s32 $0x258000, s4;
	[dreg:$0x1b] =	wrdreg s5  }
0x1f: {  	[dreg:$0x1c] =	wrdreg s6;
	s7 =	sadd.s32 $0x271000, s4  }
0x20: {  	s8 =	sadd.s32 $0x28A000, s4;
	[dreg:$0x1d] =	wrdreg s7  }
0x21: {  	s9 =	sadd.s32 $0x2A3000, s4;
	[dreg:$0x1e] =	wrdreg s8  }
0x22: {  	s10 =	sadd.s32 $0x2BC000, s4;
	[dreg:$0x1f] =	wrdreg s9  }
0x23: {  	s11 =	sadd.s32 $0x2D5000, s4;
	[smem:$0x7ED] =	sst s10  }
0x24: {  	s12 =	sadd.s32 $0x2EE000, s4;
	[smem:$0x7EE] =	sst s11  }
0x25: {  	s13 =	sadd.s32 $0x307000, s4;
	[smem:$0x7EF] =	sst s12  }
0x26: {  	s14 =	sadd.s32 $0x320000, s4;
	[smem:$0x7F0] =	sst s13  }
0x27: {  	s15 =	sadd.s32 $0x339000, s4;
	[smem:$0x7F1] =	sst s14  }
0x28: {  	s16 =	sadd.s32 $0x352000, s4;
	[smem:$0x7F2] =	sst s15  }
0x29: {  	s28 =	sadd.s32 $0x514000, s4;
	s17 =	sadd.s32 $0x36B000, s4;
	[smem:$0x7F3] =	sst s16  }
0x2a: {  	s29 =	sadd.s32 $0x52D000, s4;
	s18 =	sadd.s32 $0x384000, s4;
	[smem:$0x7F4] =	sst s17  }
0x2b: {  	s30 =	sadd.s32 $0x546000, s4;
	s19 =	sadd.s32 $0x39D000, s4;
	[smem:$0x7F5] =	sst s18  }
0x2c: {  	s31 =	sadd.s32 $0x55F000, s4;
	s20 =	sadd.s32 $0x3B6000, s4;
	[smem:$0x7F6] =	sst s19  }
0x2d: {  	s0 =	sadd.s32 $0x578000, s4;
	s21 =	sadd.s32 $0x3CF000, s4;
	[smem:$0x7F7] =	sst s20  }
0x2e: {  	s22 =	sadd.s32 $0x3E8000, s4;
	s23 =	sadd.s32 $0x401000, s4;
	[smem:$0x7F8] =	sst s21  }
0x2f: {  	s24 =	sadd.s32 $0x41A000, s4;
	s25 =	sadd.s32 $0x433000, s4;
	[smem:$0x7F9] =	sst s22  }
0x30: {  	s26 =	sadd.s32 $0x44C000, s4;
	s1 =	sadd.s32 $0x591000, s4;
	[smem:$0x7FA] =	sst s23  }
0x31: {  	s2 =	sadd.s32 $0x5AA000, s4;
	s3 =	sadd.s32 $0x5C3000, s4;
	[smem:$0x7FB] =	sst s24  }
0x32: {  	s5 =	sadd.s32 $0x5DC000, s4;
	s6 =	sadd.s32 $0x5F5000, s4;
	[smem:$0x7FC] =	sst s25  }
0x33: {  	[smem:$0x7FD] =	sst s26;
	s20 =	sadd.s32 $0x465000, s4;
	s21 =	sadd.s32 $0x47E000, s4  }
0x34: {  	s22 =	sadd.s32 $0x497000, s4;
	s23 =	sadd.s32 $0x4B0000, s4;
	s24 =	sadd.s32 $0x4C9000, s4  }
0x35: {  	s25 =	sadd.s32 $0x4E2000, s4;
	s26 =	sadd.s32 $0x4FB000, s4;
	s7 =	sadd.s32 $0x60E000, s4  }
0x36: {  	s8 =	sadd.s32 $0x627000, s4;
	s9 =	simm.s32 $0x400;
	s10 =	simm.s32 $0x8000  }
0x37: {  	s11 =	simm.s32 $0x3;
	s12 =	simm.s32 $0x6400;
	s13 =	simm.s32 $0xC800  }
0x38: {  	v0 =	vimm.f32 $-Inf;
	s14 =	simm.s32 $0x1;
	s15 =	simm.s32 $0x2;
	s16 =	simm.s32 $0x0  }
.LBB2_1:
0x39: {  	s17 =	simm.s32 $0x0;
	s18 =	rddreg [dreg:$0x3]  }
0x3a: {  	[tilespmem:s17], [sflag:$0x3] =	stream.strided.gather [hbm4b:s18+s9], $0x6400, s10, s9, $0x38;
	[tilespmem:$0x12C00] =	vst v63  }
0x3b: {  	_ =	swait.ge [sflag:s11], $0x6400  }
0x3c: {  	[sflag:s11] =	ssyncset.done $0x0  }
0x3d: {  	s18 =	simm.s32 $0x0;
	[sflag:s11] =	ssyncadd.s32 $0xFFFF9C00  }
0x3e: {  	v1 =	vld [tilespmem:s18+$0x70]  }
0x3f: {  	v3 =	vld [tilespmem:s18+$0x0]  }
0x40: {  	v6 =	vld [tilespmem:s18+$0x10]  }
0x41: {  	v5 =	vld [tilespmem:s18+$0x20]  }
0x42: {  	v4 =	vld [tilespmem:s18+$0x30]  }
0x43: {  	v2 =	vld [tilespmem:s18+$0x40];
	vm0 =	veq.f32 v1, $0.0e+00  }
0x44: {  	v1 =	vld [tilespmem:s18+$0x50];
	vm1 =	veq.f32 v3, $0.0e+00;
	v7 =	vsel vm0, $0x0, v0  }
0x45: {  	s19 =	simm.s32 $0x400;
	s17 =	simm.s32 $0x80;
	v3 =	vld [tilespmem:s18+$0x60];
	vm0 =	veq.f32 v6, $0.0e+00;
	v6 =	vsel vm1, $0x0, v0;
	[tilespmem:s18+$0x6470] =	vst v7  }
.LBB2_2:
0x46: {  	p0 =	sne.s32 s19, $0x18E00;
	v7 =	vld [tilespmem:s17+$0x70];
	[tilespmem:s18+$0x6400] =	vst v6;
	v6 =	vsel vm0, $0x0, v0;
	vm0 =	veq.f32 v5, $0.0e+00  }
0x47: {  	v8 =	vld [tilespmem:s17+$0x0];
	[tilespmem:s18+$0x6410] =	vst v6;
	v5 =	vsel vm0, $0x0, v0;
	vm0 =	veq.f32 v4, $0.0e+00  }
0x48: {  	v9 =	vld [tilespmem:s17+$0x10];
	[tilespmem:s18+$0x6420] =	vst v5;
	v4 =	vsel vm0, $0x0, v0;
	vm0 =	veq.f32 v2, $0.0e+00  }
.Ltmp0:
0x49: {  	v5 =	vld [tilespmem:s17+$0x20];
	[tilespmem:s18+$0x6430] =	vst v4;
	v2 =	vsel vm0, $0x0, v0;
	vm0 =	veq.f32 v1, $0.0e+00;
	(pc) =	sbr.rel @p0 .LBB2_2-.Ltmp0, $4  }
0x4a: {  	v4 =	vld [tilespmem:s17+$0x30];
	[tilespmem:s18+$0x6440] =	vst v2;
	v1 =	vsel vm0, $0x0, v0;
	vm0 =	veq.f32 v3, $0.0e+00  }
0x4b: {  	v2 =	vld [tilespmem:s17+$0x40];
	vm1 =	veq.f32 v7, $0.0e+00;
	[tilespmem:s18+$0x6450] =	vst v1;
	v3 =	vsel vm0, $0x0, v0  }
0x4c: {  	vm0 =	veq.f32 v8, $0.0e+00;
	v1 =	vld [tilespmem:s17+$0x50];
	v7 =	vsel vm1, $0x0, v0;
	[tilespmem:s18+$0x6460] =	vst v3;
	s18 =	smov.u32 s17  }
0x4d: {  	s17 =	sshra.s32 s19, $0x2;
	s19 =	sadd.s32 $0x200, s19;
	v6 =	vsel vm0, $0x0, v0;
	vm0 =	veq.f32 v9, $0.0e+00;
	v3 =	vld [tilespmem:s18+$0x60];
	[tilespmem:s18+$0x6470] =	vst v7  }
0x4e: {  	v7 =	vld [tilespmem:s17+$0x70];
	[tilespmem:s18+$0x6400] =	vst v6;
	v6 =	vsel vm0, $0x0, v0;
	vm0 =	veq.f32 v5, $0.0e+00  }
0x4f: {  	v8 =	vld [tilespmem:s17+$0x0];
	[tilespmem:s18+$0x6410] =	vst v6;
	v5 =	vsel vm0, $0x0, v0;
	vm0 =	veq.f32 v4, $0.0e+00  }
0x50: {  	v6 =	vld [tilespmem:s17+$0x10];
	[tilespmem:s18+$0x6420] =	vst v5;
	v4 =	vsel vm0, $0x0, v0;
	vm0 =	veq.f32 v2, $0.0e+00  }
0x51: {  	v5 =	vld [tilespmem:s17+$0x20];
	[tilespmem:s18+$0x6430] =	vst v4;
	v2 =	vsel vm0, $0x0, v0;
	vm0 =	veq.f32 v1, $0.0e+00  }
0x52: {  	v4 =	vld [tilespmem:s17+$0x30];
	[tilespmem:s18+$0x6440] =	vst v2;
	v1 =	vsel vm0, $0x0, v0;
	vm0 =	veq.f32 v3, $0.0e+00  }
0x53: {  	v2 =	vld [tilespmem:s17+$0x40];
	[tilespmem:s18+$0x6450] =	vst v1;
	v1 =	vsel vm0, $0x0, v0;
	vm0 =	veq.f32 v7, $0.0e+00  }
0x54: {  	v3 =	vld [tilespmem:s17+$0x50];
	[tilespmem:s18+$0x6460] =	vst v1;
	vm1 =	veq.f32 v8, $0.0e+00;
	v1 =	vsel vm0, $0x0, v0  }
0x55: {  	v7 =	vld [tilespmem:s17+$0x60];
	vm0 =	veq.f32 v6, $0.0e+00;
	v6 =	vsel vm1, $0x0, v0;
	[tilespmem:s17+$0x6470] =	vst v1  }
0x56: {  	[tilespmem:s17+$0x6400] =	vst v6;
	v1 =	vsel vm0, $0x0, v0;
	vm0 =	veq.f32 v5, $0.0e+00  }
0x57: {  	[tilespmem:s17+$0x6410] =	vst v1;
	v1 =	vsel vm0, $0x0, v0;
	vm0 =	veq.f32 v4, $0.0e+00  }
0x58: {  	[tilespmem:s17+$0x6420] =	vst v1;
	v1 =	vsel vm0, $0x0, v0;
	vm0 =	veq.f32 v2, $0.0e+00  }
0x59: {  	[tilespmem:s17+$0x6430] =	vst v1;
	v1 =	vsel vm0, $0x0, v0;
	vm0 =	veq.f32 v3, $0.0e+00  }
0x5a: {  	[tilespmem:s17+$0x6440] =	vst v1;
	v1 =	vsel vm0, $0x0, v0;
	vm0 =	veq.f32 v7, $0.0e+00  }
0x5b: {  	[tilespmem:s17+$0x6450] =	vst v1;
	v1 =	vsel vm0, $0x0, v0  }
0x5c: {  	s18 =	simm.s32 $0x0;
	[tilespmem:s17+$0x6460] =	vst v1  }
0x5d: {  	[hbm4b:s4+s9] =	stream.strided.scatter [tilespmem:s12], [sflag:$0x1], $0x6400, s10, s9, $0x38;
	[tilespmem:$0x12C00] =	vst v63  }
0x5e: {  	v1 =	vld [tilespmem:s18+$0x70]  }
0x5f: {  	v3 =	vld [tilespmem:s18+$0x0]  }
0x60: {  	v6 =	vld [tilespmem:s18+$0x10]  }
0x61: {  	v5 =	vld [tilespmem:s18+$0x20]  }
0x62: {  	v4 =	vld [tilespmem:s18+$0x30]  }
0x63: {  	v2 =	vld [tilespmem:s18+$0x40];
	vm0 =	veq.f32 v1, $1.000000000e+00  }
0x64: {  	v1 =	vld [tilespmem:s18+$0x50];
	vm1 =	veq.f32 v3, $1.000000000e+00;
	v7 =	vsel vm0, $0x0, v0  }
0x65: {  	s19 =	simm.s32 $0x400;
	s17 =	simm.s32 $0x80;
	v3 =	vld [tilespmem:s18+$0x60];
	vm0 =	veq.f32 v6, $1.000000000e+00;
	v6 =	vsel vm1, $0x0, v0;
	[tilespmem:s18+$0xC870] =	vst v7  }
.LBB2_4:
0x66: {  	p0 =	sne.s32 s19, $0x18E00;
	v7 =	vld [tilespmem:s17+$0x70];
	[tilespmem:s18+$0xC800] =	vst v6;
	v6 =	vsel vm0, $0x0, v0;
	vm0 =	veq.f32 v5, $1.000000000e+00  }
0x67: {  	v8 =	vld [tilespmem:s17+$0x0];
	[tilespmem:s18+$0xC810] =	vst v6;
	v5 =	vsel vm0, $0x0, v0;
	vm0 =	veq.f32 v4, $1.000000000e+00  }
0x68: {  	v9 =	vld [tilespmem:s17+$0x10];
	[tilespmem:s18+$0xC820] =	vst v5;
	v4 =	vsel vm0, $0x0, v0;
	vm0 =	veq.f32 v2, $1.000000000e+00  }
.Ltmp1:
0x69: {  	v5 =	vld [tilespmem:s17+$0x20];
	[tilespmem:s18+$0xC830] =	vst v4;
	v2 =	vsel vm0, $0x0, v0;
	vm0 =	veq.f32 v1, $1.000000000e+00;
	(pc) =	sbr.rel @p0 .LBB2_4-.Ltmp1, $4  }
0x6a: {  	v4 =	vld [tilespmem:s17+$0x30];
	[tilespmem:s18+$0xC840] =	vst v2;
	v1 =	vsel vm0, $0x0, v0;
	vm0 =	veq.f32 v3, $1.000000000e+00  }
0x6b: {  	v2 =	vld [tilespmem:s17+$0x40];
	vm1 =	veq.f32 v7, $1.000000000e+00;
	[tilespmem:s18+$0xC850] =	vst v1;
	v3 =	vsel vm0, $0x0, v0  }
0x6c: {  	vm0 =	veq.f32 v8, $1.000000000e+00;
	v1 =	vld [tilespmem:s17+$0x50];
	v7 =	vsel vm1, $0x0, v0;
	[tilespmem:s18+$0xC860] =	vst v3;
	s18 =	smov.u32 s17  }
0x6d: {  	s17 =	sshra.s32 s19, $0x2;
	s19 =	sadd.s32 $0x200, s19;
	v6 =	vsel vm0, $0x0, v0;
	vm0 =	veq.f32 v9, $1.000000000e+00;
	v3 =	vld [tilespmem:s18+$0x60];
	[tilespmem:s18+$0xC870] =	vst v7  }
0x6e: {  	v7 =	vld [tilespmem:s17+$0x70];
	[tilespmem:s18+$0xC800] =	vst v6;
	v61 =	vsel vm0, $0x0, v0;
	vm4 =	veq.f32 v5, $1.000000000e+00  }
0x6f: {  	v8 =	vld [tilespmem:s17+$0x0];
	[tilespmem:s18+$0xC810] =	vst v61;
	v5 =	vsel vm4, $0x0, v0;
	vm5 =	veq.f32 v4, $1.000000000e+00  }
0x70: {  	v6 =	vld [tilespmem:s17+$0x10];
	[tilespmem:s18+$0xC820] =	vst v5;
	v4 =	vsel vm5, $0x0, v0;
	vm6 =	veq.f32 v2, $1.000000000e+00  }
0x71: {  	v5 =	vld [tilespmem:s17+$0x20];
	[tilespmem:s18+$0xC830] =	vst v4;
	v2 =	vsel vm6, $0x0, v0;
	vm7 =	veq.f32 v1, $1.000000000e+00  }
0x72: {  	v4 =	vld [tilespmem:s17+$0x30];
	[tilespmem:s18+$0xC840] =	vst v2;
	v1 =	vsel vm7, $0x0, v0;
	vm8 =	veq.f32 v3, $1.000000000e+00  }
0x73: {  	v2 =	vld [tilespmem:s17+$0x40];
	[tilespmem:s18+$0xC850] =	vst v1;
	v1 =	vsel vm8, $0x0, v0;
	vm9 =	veq.f32 v7, $1.000000000e+00  }
0x74: {  	v3 =	vld [tilespmem:s17+$0x50];
	[tilespmem:s18+$0xC860] =	vst v1;
	vm1 =	veq.f32 v8, $1.000000000e+00;
	v1 =	vsel vm9, $0x0, v0  }
0x75: {  	v62 =	vld [tilespmem:s17+$0x60];
	vm10 =	veq.f32 v6, $1.000000000e+00;
	v63 =	vsel vm1, $0x0, v0;
	[tilespmem:s17+$0xC870] =	vst v1  }
0x76: {  	[tilespmem:s17+$0xC800] =	vst v63;
	v1 =	vsel vm10, $0x0, v0;
	vm11 =	veq.f32 v5, $1.000000000e+00  }
0x77: {  	[tilespmem:s17+$0xC810] =	vst v1;
	v1 =	vsel vm11, $0x0, v0;
	vm12 =	veq.f32 v4, $1.000000000e+00  }
0x78: {  	[tilespmem:s17+$0xC820] =	vst v1;
	v1 =	vsel vm12, $0x0, v0;
	vm13 =	veq.f32 v2, $1.000000000e+00  }
0x79: {  	[tilespmem:s17+$0xC830] =	vst v1;
	v1 =	vsel vm13, $0x0, v0;
	vm14 =	veq.f32 v3, $1.000000000e+00  }
0x7a: {  	[tilespmem:s17+$0xC840] =	vst v1;
	v1 =	vsel vm14, $0x0, v0;
	vm15 =	veq.f32 v62, $1.000000000e+00  }
0x7b: {  	[tilespmem:s17+$0xC850] =	vst v1;
	v1 =	vsel vm15, $0x0, v0  }
0x7c: {  	s19 =	rddreg [dreg:$0x4];
	[tilespmem:s17+$0xC860] =	vst v1  }
0x7d: {  	[hbm4b:s19+s9] =	stream.strided.scatter [tilespmem:s13], [sflag:$0x2], $0x6400, s10, s9, $0x38;
	[tilespmem:$0x12C00] =	vst v63  }
0x7e: {  	_ =	swait.ge [sflag:s14], $0x6400  }
0x7f: {  	[sflag:s14] =	ssyncset.done $0x0  }
0x80: {  	s18 =	rddreg [dreg:$0x5];
	[sflag:s14] =	ssyncadd.s32 $0xFFFF9C00  }
0x81: {  	[hbm4b:s18+s9] =	stream.strided.scatter [tilespmem:s12], [sflag:$0x1], $0x6400, s10, s9, $0x38;
	[tilespmem:$0x12C00] =	vst v63  }
0x82: {  	_ =	swait.ge [sflag:s15], $0x6400  }
0x83: {  	[sflag:s15] =	ssyncset.done $0x0  }
0x84: {  	s19 =	rddreg [dreg:$0x6];
	[sflag:s15] =	ssyncadd.s32 $0xFFFF9C00  }
0x85: {  	[hbm4b:s19+s9] =	stream.strided.scatter [tilespmem:s13], [sflag:$0x2], $0x6400, s10, s9, $0x38;
	[tilespmem:$0x12C00] =	vst v63  }
0x86: {  	_ =	swait.ge [sflag:s14], $0x6400  }
0x87: {  	[sflag:s14] =	ssyncset.done $0x0  }
0x88: {  	s18 =	rddreg [dreg:$0x7];
	[sflag:s14] =	ssyncadd.s32 $0xFFFF9C00  }
0x89: {  	[hbm4b:s18+s9] =	stream.strided.scatter [tilespmem:s12], [sflag:$0x1], $0x6400, s10, s9, $0x38;
	[tilespmem:$0x12C00] =	vst v63  }
0x8a: {  	_ =	swait.ge [sflag:s15], $0x6400  }
0x8b: {  	[sflag:s15] =	ssyncset.done $0x0  }
0x8c: {  	s19 =	rddreg [dreg:$0x8];
	[sflag:s15] =	ssyncadd.s32 $0xFFFF9C00  }
0x8d: {  	[hbm4b:s19+s9] =	stream.strided.scatter [tilespmem:s13], [sflag:$0x2], $0x6400, s10, s9, $0x38;
	[tilespmem:$0x12C00] =	vst v63  }
0x8e: {  	_ =	swait.ge [sflag:s14], $0x6400  }
0x8f: {  	[sflag:s14] =	ssyncset.done $0x0  }
0x90: {  	s18 =	rddreg [dreg:$0x9];
	[sflag:s14] =	ssyncadd.s32 $0xFFFF9C00  }
0x91: {  	[hbm4b:s18+s9] =	stream.strided.scatter [tilespmem:s12], [sflag:$0x1], $0x6400, s10, s9, $0x38;
	[tilespmem:$0x12C00] =	vst v63  }
0x92: {  	_ =	swait.ge [sflag:s15], $0x6400  }
0x93: {  	[sflag:s15] =	ssyncset.done $0x0  }
0x94: {  	s19 =	rddreg [dreg:$0xa];
	[sflag:s15] =	ssyncadd.s32 $0xFFFF9C00  }
0x95: {  	[hbm4b:s19+s9] =	stream.strided.scatter [tilespmem:s13], [sflag:$0x2], $0x6400, s10, s9, $0x38;
	[tilespmem:$0x12C00] =	vst v63  }
0x96: {  	_ =	swait.ge [sflag:s14], $0x6400  }
0x97: {  	[sflag:s14] =	ssyncset.done $0x0  }
0x98: {  	s18 =	rddreg [dreg:$0xb];
	[sflag:s14] =	ssyncadd.s32 $0xFFFF9C00  }
0x99: {  	[hbm4b:s18+s9] =	stream.strided.scatter [tilespmem:s12], [sflag:$0x1], $0x6400, s10, s9, $0x38;
	[tilespmem:$0x12C00] =	vst v63  }
0x9a: {  	_ =	swait.ge [sflag:s15], $0x6400  }
0x9b: {  	[sflag:s15] =	ssyncset.done $0x0  }
0x9c: {  	s19 =	rddreg [dreg:$0xc];
	[sflag:s15] =	ssyncadd.s32 $0xFFFF9C00  }
0x9d: {  	[hbm4b:s19+s9] =	stream.strided.scatter [tilespmem:s13], [sflag:$0x2], $0x6400, s10, s9, $0x38;
	[tilespmem:$0x12C00] =	vst v63  }
0x9e: {  	_ =	swait.ge [sflag:s14], $0x6400  }
0x9f: {  	[sflag:s14] =	ssyncset.done $0x0  }
0xa0: {  	s18 =	rddreg [dreg:$0xd];
	[sflag:s14] =	ssyncadd.s32 $0xFFFF9C00  }
0xa1: {  	[hbm4b:s18+s9] =	stream.strided.scatter [tilespmem:s12], [sflag:$0x1], $0x6400, s10, s9, $0x38;
	[tilespmem:$0x12C00] =	vst v63  }
0xa2: {  	_ =	swait.ge [sflag:s15], $0x6400  }
0xa3: {  	[sflag:s15] =	ssyncset.done $0x0  }
0xa4: {  	s19 =	rddreg [dreg:$0xe];
	[sflag:s15] =	ssyncadd.s32 $0xFFFF9C00  }
0xa5: {  	[hbm4b:s19+s9] =	stream.strided.scatter [tilespmem:s13], [sflag:$0x2], $0x6400, s10, s9, $0x38;
	[tilespmem:$0x12C00] =	vst v63  }
0xa6: {  	_ =	swait.ge [sflag:s14], $0x6400  }
0xa7: {  	[sflag:s14] =	ssyncset.done $0x0  }
0xa8: {  	s18 =	rddreg [dreg:$0xf];
	[sflag:s14] =	ssyncadd.s32 $0xFFFF9C00  }
0xa9: {  	[hbm4b:s18+s9] =	stream.strided.scatter [tilespmem:s12], [sflag:$0x1], $0x6400, s10, s9, $0x38;
	[tilespmem:$0x12C00] =	vst v63  }
0xaa: {  	_ =	swait.ge [sflag:s15], $0x6400  }
0xab: {  	[sflag:s15] =	ssyncset.done $0x0  }
0xac: {  	s19 =	rddreg [dreg:$0x10];
	[sflag:s15] =	ssyncadd.s32 $0xFFFF9C00  }
0xad: {  	[hbm4b:s19+s9] =	stream.strided.scatter [tilespmem:s13], [sflag:$0x2], $0x6400, s10, s9, $0x38;
	[tilespmem:$0x12C00] =	vst v63  }
0xae: {  	_ =	swait.ge [sflag:s14], $0x6400  }
0xaf: {  	[sflag:s14] =	ssyncset.done $0x0  }
0xb0: {  	s18 =	rddreg [dreg:$0x11];
	[sflag:s14] =	ssyncadd.s32 $0xFFFF9C00  }
0xb1: {  	[hbm4b:s18+s9] =	stream.strided.scatter [tilespmem:s12], [sflag:$0x1], $0x6400, s10, s9, $0x38;
	[tilespmem:$0x12C00] =	vst v63  }
0xb2: {  	_ =	swait.ge [sflag:s15], $0x6400  }
0xb3: {  	[sflag:s15] =	ssyncset.done $0x0  }
0xb4: {  	s19 =	rddreg [dreg:$0x12];
	[sflag:s15] =	ssyncadd.s32 $0xFFFF9C00  }
0xb5: {  	[hbm4b:s19+s9] =	stream.strided.scatter [tilespmem:s13], [sflag:$0x2], $0x6400, s10, s9, $0x38;
	[tilespmem:$0x12C00] =	vst v63  }
0xb6: {  	_ =	swait.ge [sflag:s14], $0x6400  }
0xb7: {  	[sflag:s14] =	ssyncset.done $0x0  }
0xb8: {  	s18 =	rddreg [dreg:$0x13];
	[sflag:s14] =	ssyncadd.s32 $0xFFFF9C00  }
0xb9: {  	[hbm4b:s18+s9] =	stream.strided.scatter [tilespmem:s12], [sflag:$0x1], $0x6400, s10, s9, $0x38;
	[tilespmem:$0x12C00] =	vst v63  }
0xba: {  	_ =	swait.ge [sflag:s15], $0x6400  }
0xbb: {  	[sflag:s15] =	ssyncset.done $0x0  }
0xbc: {  	s19 =	rddreg [dreg:$0x14];
	[sflag:s15] =	ssyncadd.s32 $0xFFFF9C00  }
0xbd: {  	[hbm4b:s19+s9] =	stream.strided.scatter [tilespmem:s13], [sflag:$0x2], $0x6400, s10, s9, $0x38;
	[tilespmem:$0x12C00] =	vst v63  }
0xbe: {  	_ =	swait.ge [sflag:s14], $0x6400  }
0xbf: {  	[sflag:s14] =	ssyncset.done $0x0  }
0xc0: {  	s18 =	rddreg [dreg:$0x15];
	[sflag:s14] =	ssyncadd.s32 $0xFFFF9C00  }
0xc1: {  	[hbm4b:s18+s9] =	stream.strided.scatter [tilespmem:s12], [sflag:$0x1], $0x6400, s10, s9, $0x38;
	[tilespmem:$0x12C00] =	vst v63  }
0xc2: {  	_ =	swait.ge [sflag:s15], $0x6400  }
0xc3: {  	[sflag:s15] =	ssyncset.done $0x0  }
0xc4: {  	s19 =	rddreg [dreg:$0x16];
	[sflag:s15] =	ssyncadd.s32 $0xFFFF9C00  }
0xc5: {  	[hbm4b:s19+s9] =	stream.strided.scatter [tilespmem:s13], [sflag:$0x2], $0x6400, s10, s9, $0x38;
	[tilespmem:$0x12C00] =	vst v63  }
0xc6: {  	_ =	swait.ge [sflag:s14], $0x6400  }
0xc7: {  	[sflag:s14] =	ssyncset.done $0x0  }
0xc8: {  	s18 =	rddreg [dreg:$0x17];
	[sflag:s14] =	ssyncadd.s32 $0xFFFF9C00  }
0xc9: {  	[hbm4b:s18+s9] =	stream.strided.scatter [tilespmem:s12], [sflag:$0x1], $0x6400, s10, s9, $0x38;
	[tilespmem:$0x12C00] =	vst v63  }
0xca: {  	_ =	swait.ge [sflag:s15], $0x6400  }
0xcb: {  	[sflag:s15] =	ssyncset.done $0x0  }
0xcc: {  	s19 =	rddreg [dreg:$0x19];
	[sflag:s15] =	ssyncadd.s32 $0xFFFF9C00  }
0xcd: {  	[hbm4b:s19+s9] =	stream.strided.scatter [tilespmem:s13], [sflag:$0x2], $0x6400, s10, s9, $0x38;
	[tilespmem:$0x12C00] =	vst v63  }
0xce: {  	_ =	swait.ge [sflag:s14], $0x6400  }
0xcf: {  	[sflag:s14] =	ssyncset.done $0x0  }
0xd0: {  	s18 =	rddreg [dreg:$0x1a];
	[sflag:s14] =	ssyncadd.s32 $0xFFFF9C00  }
0xd1: {  	[hbm4b:s18+s9] =	stream.strided.scatter [tilespmem:s12], [sflag:$0x1], $0x6400, s10, s9, $0x38;
	[tilespmem:$0x12C00] =	vst v63  }
0xd2: {  	_ =	swait.ge [sflag:s15], $0x6400  }
0xd3: {  	[sflag:s15] =	ssyncset.done $0x0  }
0xd4: {  	s19 =	rddreg [dreg:$0x1b];
	[sflag:s15] =	ssyncadd.s32 $0xFFFF9C00  }
0xd5: {  	[hbm4b:s19+s9] =	stream.strided.scatter [tilespmem:s13], [sflag:$0x2], $0x6400, s10, s9, $0x38;
	[tilespmem:$0x12C00] =	vst v63  }
0xd6: {  	_ =	swait.ge [sflag:s14], $0x6400  }
0xd7: {  	[sflag:s14] =	ssyncset.done $0x0  }
0xd8: {  	s18 =	rddreg [dreg:$0x1c];
	[sflag:s14] =	ssyncadd.s32 $0xFFFF9C00  }
0xd9: {  	[hbm4b:s18+s9] =	stream.strided.scatter [tilespmem:s12], [sflag:$0x1], $0x6400, s10, s9, $0x38;
	[tilespmem:$0x12C00] =	vst v63  }
0xda: {  	_ =	swait.ge [sflag:s15], $0x6400  }
0xdb: {  	[sflag:s15] =	ssyncset.done $0x0  }
0xdc: {  	s19 =	rddreg [dreg:$0x1d];
	[sflag:s15] =	ssyncadd.s32 $0xFFFF9C00  }
0xdd: {  	[hbm4b:s19+s9] =	stream.strided.scatter [tilespmem:s13], [sflag:$0x2], $0x6400, s10, s9, $0x38;
	[tilespmem:$0x12C00] =	vst v63  }
0xde: {  	_ =	swait.ge [sflag:s14], $0x6400  }
0xdf: {  	[sflag:s14] =	ssyncset.done $0x0  }
0xe0: {  	s18 =	rddreg [dreg:$0x1e];
	[sflag:s14] =	ssyncadd.s32 $0xFFFF9C00  }
0xe1: {  	[hbm4b:s18+s9] =	stream.strided.scatter [tilespmem:s12], [sflag:$0x1], $0x6400, s10, s9, $0x38;
	[tilespmem:$0x12C00] =	vst v63  }
0xe2: {  	_ =	swait.ge [sflag:s15], $0x6400  }
0xe3: {  	[sflag:s15] =	ssyncset.done $0x0  }
0xe4: {  	s19 =	rddreg [dreg:$0x1f];
	[sflag:s15] =	ssyncadd.s32 $0xFFFF9C00  }
0xe5: {  	[hbm4b:s19+s9] =	stream.strided.scatter [tilespmem:s13], [sflag:$0x2], $0x6400, s10, s9, $0x38;
	[tilespmem:$0x12C00] =	vst v63  }
0xe6: {  	_ =	swait.ge [sflag:s14], $0x6400  }
0xe7: {  	s18 =	sld [smem:$0x7ED]  }
0xe8: {  	[sflag:s14] =	ssyncset.done $0x0  }
0xe9: {  	[sflag:s14] =	ssyncadd.s32 $0xFFFF9C00  }
0xea: {  	[hbm4b:s18+s9] =	stream.strided.scatter [tilespmem:s12], [sflag:$0x1], $0x6400, s10, s9, $0x38;
	[tilespmem:$0x12C00] =	vst v63  }
0xeb: {  	_ =	swait.ge [sflag:s15], $0x6400  }
0xec: {  	s19 =	sld [smem:$0x7EE]  }
0xed: {  	[sflag:s15] =	ssyncset.done $0x0  }
0xee: {  	[sflag:s15] =	ssyncadd.s32 $0xFFFF9C00  }
0xef: {  	[hbm4b:s19+s9] =	stream.strided.scatter [tilespmem:s13], [sflag:$0x2], $0x6400, s10, s9, $0x38;
	[tilespmem:$0x12C00] =	vst v63  }
0xf0: {  	_ =	swait.ge [sflag:s14], $0x6400  }
0xf1: {  	s18 =	sld [smem:$0x7EF]  }
0xf2: {  	[sflag:s14] =	ssyncset.done $0x0  }
0xf3: {  	[sflag:s14] =	ssyncadd.s32 $0xFFFF9C00  }
0xf4: {  	[hbm4b:s18+s9] =	stream.strided.scatter [tilespmem:s12], [sflag:$0x1], $0x6400, s10, s9, $0x38;
	[tilespmem:$0x12C00] =	vst v63  }
0xf5: {  	_ =	swait.ge [sflag:s15], $0x6400  }
0xf6: {  	s19 =	sld [smem:$0x7F0]  }
0xf7: {  	[sflag:s15] =	ssyncset.done $0x0  }
0xf8: {  	[sflag:s15] =	ssyncadd.s32 $0xFFFF9C00  }
0xf9: {  	[hbm4b:s19+s9] =	stream.strided.scatter [tilespmem:s13], [sflag:$0x2], $0x6400, s10, s9, $0x38;
	[tilespmem:$0x12C00] =	vst v63  }
0xfa: {  	_ =	swait.ge [sflag:s14], $0x6400  }
0xfb: {  	s18 =	sld [smem:$0x7F1]  }
0xfc: {  	[sflag:s14] =	ssyncset.done $0x0  }
0xfd: {  	[sflag:s14] =	ssyncadd.s32 $0xFFFF9C00  }
0xfe: {  	[hbm4b:s18+s9] =	stream.strided.scatter [tilespmem:s12], [sflag:$0x1], $0x6400, s10, s9, $0x38;
	[tilespmem:$0x12C00] =	vst v63  }
0xff: {  	_ =	swait.ge [sflag:s15], $0x6400  }
0x100: {  	s19 =	sld [smem:$0x7F2]  }
0x101: {  	[sflag:s15] =	ssyncset.done $0x0  }
0x102: {  	[sflag:s15] =	ssyncadd.s32 $0xFFFF9C00  }
0x103: {  	[hbm4b:s19+s9] =	stream.strided.scatter [tilespmem:s13], [sflag:$0x2], $0x6400, s10, s9, $0x38;
	[tilespmem:$0x12C00] =	vst v63  }
0x104: {  	_ =	swait.ge [sflag:s14], $0x6400  }
0x105: {  	s18 =	sld [smem:$0x7F3]  }
0x106: {  	[sflag:s14] =	ssyncset.done $0x0  }
0x107: {  	[sflag:s14] =	ssyncadd.s32 $0xFFFF9C00  }
0x108: {  	[hbm4b:s18+s9] =	stream.strided.scatter [tilespmem:s12], [sflag:$0x1], $0x6400, s10, s9, $0x38;
	[tilespmem:$0x12C00] =	vst v63  }
0x109: {  	_ =	swait.ge [sflag:s15], $0x6400  }
0x10a: {  	s19 =	sld [smem:$0x7F4]  }
0x10b: {  	[sflag:s15] =	ssyncset.done $0x0  }
0x10c: {  	[sflag:s15] =	ssyncadd.s32 $0xFFFF9C00  }
0x10d: {  	[hbm4b:s19+s9] =	stream.strided.scatter [tilespmem:s13], [sflag:$0x2], $0x6400, s10, s9, $0x38;
	[tilespmem:$0x12C00] =	vst v63  }
0x10e: {  	_ =	swait.ge [sflag:s14], $0x6400  }
0x10f: {  	s18 =	sld [smem:$0x7F5]  }
0x110: {  	[sflag:s14] =	ssyncset.done $0x0  }
0x111: {  	[sflag:s14] =	ssyncadd.s32 $0xFFFF9C00  }
0x112: {  	[hbm4b:s18+s9] =	stream.strided.scatter [tilespmem:s12], [sflag:$0x1], $0x6400, s10, s9, $0x38;
	[tilespmem:$0x12C00] =	vst v63  }
0x113: {  	_ =	swait.ge [sflag:s15], $0x6400  }
0x114: {  	s19 =	sld [smem:$0x7F6]  }
0x115: {  	[sflag:s15] =	ssyncset.done $0x0  }
0x116: {  	[sflag:s15] =	ssyncadd.s32 $0xFFFF9C00  }
0x117: {  	[hbm4b:s19+s9] =	stream.strided.scatter [tilespmem:s13], [sflag:$0x2], $0x6400, s10, s9, $0x38;
	[tilespmem:$0x12C00] =	vst v63  }
0x118: {  	_ =	swait.ge [sflag:s14], $0x6400  }
0x119: {  	s18 =	sld [smem:$0x7F7]  }
0x11a: {  	[sflag:s14] =	ssyncset.done $0x0  }
0x11b: {  	[sflag:s14] =	ssyncadd.s32 $0xFFFF9C00  }
0x11c: {  	[hbm4b:s18+s9] =	stream.strided.scatter [tilespmem:s12], [sflag:$0x1], $0x6400, s10, s9, $0x38;
	[tilespmem:$0x12C00] =	vst v63  }
0x11d: {  	_ =	swait.ge [sflag:s15], $0x6400  }
0x11e: {  	s19 =	sld [smem:$0x7F8]  }
0x11f: {  	[sflag:s15] =	ssyncset.done $0x0  }
0x120: {  	[sflag:s15] =	ssyncadd.s32 $0xFFFF9C00  }
0x121: {  	[hbm4b:s19+s9] =	stream.strided.scatter [tilespmem:s13], [sflag:$0x2], $0x6400, s10, s9, $0x38;
	[tilespmem:$0x12C00] =	vst v63  }
0x122: {  	_ =	swait.ge [sflag:s14], $0x6400  }
0x123: {  	s18 =	sld [smem:$0x7F9]  }
0x124: {  	[sflag:s14] =	ssyncset.done $0x0  }
0x125: {  	[sflag:s14] =	ssyncadd.s32 $0xFFFF9C00  }
0x126: {  	[hbm4b:s18+s9] =	stream.strided.scatter [tilespmem:s12], [sflag:$0x1], $0x6400, s10, s9, $0x38;
	[tilespmem:$0x12C00] =	vst v63  }
0x127: {  	_ =	swait.ge [sflag:s15], $0x6400  }
0x128: {  	s19 =	sld [smem:$0x7FA]  }
0x129: {  	[sflag:s15] =	ssyncset.done $0x0  }
0x12a: {  	[sflag:s15] =	ssyncadd.s32 $0xFFFF9C00  }
0x12b: {  	[hbm4b:s19+s9] =	stream.strided.scatter [tilespmem:s13], [sflag:$0x2], $0x6400, s10, s9, $0x38;
	[tilespmem:$0x12C00] =	vst v63  }
0x12c: {  	_ =	swait.ge [sflag:s14], $0x6400  }
0x12d: {  	s18 =	sld [smem:$0x7FB]  }
0x12e: {  	[sflag:s14] =	ssyncset.done $0x0  }
0x12f: {  	[sflag:s14] =	ssyncadd.s32 $0xFFFF9C00  }
0x130: {  	[hbm4b:s18+s9] =	stream.strided.scatter [tilespmem:s12], [sflag:$0x1], $0x6400, s10, s9, $0x38;
	[tilespmem:$0x12C00] =	vst v63  }
0x131: {  	_ =	swait.ge [sflag:s15], $0x6400  }
0x132: {  	s19 =	sld [smem:$0x7FC]  }
0x133: {  	[sflag:s15] =	ssyncset.done $0x0  }
0x134: {  	[sflag:s15] =	ssyncadd.s32 $0xFFFF9C00  }
0x135: {  	[hbm4b:s19+s9] =	stream.strided.scatter [tilespmem:s13], [sflag:$0x2], $0x6400, s10, s9, $0x38;
	[tilespmem:$0x12C00] =	vst v63  }
0x136: {  	_ =	swait.ge [sflag:s14], $0x6400  }
0x137: {  	s18 =	sld [smem:$0x7FD]  }
0x138: {  	[sflag:s14] =	ssyncset.done $0x0  }
0x139: {  	[sflag:s14] =	ssyncadd.s32 $0xFFFF9C00  }
0x13a: {  	[hbm4b:s18+s9] =	stream.strided.scatter [tilespmem:s12], [sflag:$0x1], $0x6400, s10, s9, $0x38;
	[tilespmem:$0x12C00] =	vst v63  }
0x13b: {  	_ =	swait.ge [sflag:s15], $0x6400  }
0x13c: {  	[sflag:s15] =	ssyncset.done $0x0  }
0x13d: {  	[sflag:s15] =	ssyncadd.s32 $0xFFFF9C00  }
0x13e: {  	[hbm4b:s20+s9] =	stream.strided.scatter [tilespmem:s13], [sflag:$0x2], $0x6400, s10, s9, $0x38;
	[tilespmem:$0x12C00] =	vst v63  }
0x13f: {  	_ =	swait.ge [sflag:s14], $0x6400  }
0x140: {  	[sflag:s14] =	ssyncset.done $0x0  }
0x141: {  	[sflag:s14] =	ssyncadd.s32 $0xFFFF9C00  }
0x142: {  	[hbm4b:s21+s9] =	stream.strided.scatter [tilespmem:s12], [sflag:$0x1], $0x6400, s10, s9, $0x38;
	[tilespmem:$0x12C00] =	vst v63  }
0x143: {  	_ =	swait.ge [sflag:s15], $0x6400  }
0x144: {  	[sflag:s15] =	ssyncset.done $0x0  }
0x145: {  	[sflag:s15] =	ssyncadd.s32 $0xFFFF9C00  }
0x146: {  	[hbm4b:s22+s9] =	stream.strided.scatter [tilespmem:s13], [sflag:$0x2], $0x6400, s10, s9, $0x38;
	[tilespmem:$0x12C00] =	vst v63  }
0x147: {  	_ =	swait.ge [sflag:s14], $0x6400  }
0x148: {  	[sflag:s14] =	ssyncset.done $0x0  }
0x149: {  	[sflag:s14] =	ssyncadd.s32 $0xFFFF9C00  }
0x14a: {  	[hbm4b:s23+s9] =	stream.strided.scatter [tilespmem:s12], [sflag:$0x1], $0x6400, s10, s9, $0x38;
	[tilespmem:$0x12C00] =	vst v63  }
0x14b: {  	_ =	swait.ge [sflag:s15], $0x6400  }
0x14c: {  	[sflag:s15] =	ssyncset.done $0x0  }
0x14d: {  	[sflag:s15] =	ssyncadd.s32 $0xFFFF9C00  }
0x14e: {  	[hbm4b:s24+s9] =	stream.strided.scatter [tilespmem:s13], [sflag:$0x2], $0x6400, s10, s9, $0x38;
	[tilespmem:$0x12C00] =	vst v63  }
0x14f: {  	_ =	swait.ge [sflag:s14], $0x6400  }
0x150: {  	[sflag:s14] =	ssyncset.done $0x0  }
0x151: {  	[sflag:s14] =	ssyncadd.s32 $0xFFFF9C00  }
0x152: {  	[hbm4b:s25+s9] =	stream.strided.scatter [tilespmem:s12], [sflag:$0x1], $0x6400, s10, s9, $0x38;
	[tilespmem:$0x12C00] =	vst v63  }
0x153: {  	_ =	swait.ge [sflag:s15], $0x6400  }
0x154: {  	[sflag:s15] =	ssyncset.done $0x0  }
0x155: {  	[sflag:s15] =	ssyncadd.s32 $0xFFFF9C00  }
0x156: {  	[hbm4b:s26+s9] =	stream.strided.scatter [tilespmem:s13], [sflag:$0x2], $0x6400, s10, s9, $0x38;
	[tilespmem:$0x12C00] =	vst v63  }
0x157: {  	_ =	swait.ge [sflag:s14], $0x6400  }
0x158: {  	[sflag:s14] =	ssyncset.done $0x0  }
0x159: {  	[sflag:s14] =	ssyncadd.s32 $0xFFFF9C00  }
0x15a: {  	[hbm4b:s28+s9] =	stream.strided.scatter [tilespmem:s12], [sflag:$0x1], $0x6400, s10, s9, $0x38;
	[tilespmem:$0x12C00] =	vst v63  }
0x15b: {  	_ =	swait.ge [sflag:s15], $0x6400  }
0x15c: {  	[sflag:s15] =	ssyncset.done $0x0  }
0x15d: {  	[sflag:s15] =	ssyncadd.s32 $0xFFFF9C00  }
0x15e: {  	[hbm4b:s29+s9] =	stream.strided.scatter [tilespmem:s13], [sflag:$0x2], $0x6400, s10, s9, $0x38;
	[tilespmem:$0x12C00] =	vst v63  }
0x15f: {  	_ =	swait.ge [sflag:s14], $0x6400  }
0x160: {  	[sflag:s14] =	ssyncset.done $0x0  }
0x161: {  	[sflag:s14] =	ssyncadd.s32 $0xFFFF9C00  }
0x162: {  	[hbm4b:s30+s9] =	stream.strided.scatter [tilespmem:s12], [sflag:$0x1], $0x6400, s10, s9, $0x38;
	[tilespmem:$0x12C00] =	vst v63  }
0x163: {  	_ =	swait.ge [sflag:s15], $0x6400  }
0x164: {  	[sflag:s15] =	ssyncset.done $0x0  }
0x165: {  	[sflag:s15] =	ssyncadd.s32 $0xFFFF9C00  }
0x166: {  	[hbm4b:s31+s9] =	stream.strided.scatter [tilespmem:s13], [sflag:$0x2], $0x6400, s10, s9, $0x38;
	[tilespmem:$0x12C00] =	vst v63  }
0x167: {  	_ =	swait.ge [sflag:s14], $0x6400  }
0x168: {  	[sflag:s14] =	ssyncset.done $0x0  }
0x169: {  	[sflag:s14] =	ssyncadd.s32 $0xFFFF9C00  }
0x16a: {  	[hbm4b:s0+s9] =	stream.strided.scatter [tilespmem:s12], [sflag:$0x1], $0x6400, s10, s9, $0x38;
	[tilespmem:$0x12C00] =	vst v63  }
0x16b: {  	_ =	swait.ge [sflag:s15], $0x6400  }
0x16c: {  	[sflag:s15] =	ssyncset.done $0x0  }
0x16d: {  	[sflag:s15] =	ssyncadd.s32 $0xFFFF9C00  }
0x16e: {  	[hbm4b:s1+s9] =	stream.strided.scatter [tilespmem:s13], [sflag:$0x2], $0x6400, s10, s9, $0x38;
	[tilespmem:$0x12C00] =	vst v63  }
0x16f: {  	_ =	swait.ge [sflag:s14], $0x6400  }
0x170: {  	[sflag:s14] =	ssyncset.done $0x0  }
0x171: {  	[sflag:s14] =	ssyncadd.s32 $0xFFFF9C00  }
0x172: {  	[hbm4b:s2+s9] =	stream.strided.scatter [tilespmem:s12], [sflag:$0x1], $0x6400, s10, s9, $0x38;
	[tilespmem:$0x12C00] =	vst v63  }
0x173: {  	_ =	swait.ge [sflag:s15], $0x6400  }
0x174: {  	[sflag:s15] =	ssyncset.done $0x0  }
0x175: {  	[sflag:s15] =	ssyncadd.s32 $0xFFFF9C00  }
0x176: {  	[hbm4b:s3+s9] =	stream.strided.scatter [tilespmem:s13], [sflag:$0x2], $0x6400, s10, s9, $0x38;
	[tilespmem:$0x12C00] =	vst v63  }
0x177: {  	_ =	swait.ge [sflag:s14], $0x6400  }
0x178: {  	[sflag:s14] =	ssyncset.done $0x0  }
0x179: {  	[sflag:s14] =	ssyncadd.s32 $0xFFFF9C00  }
0x17a: {  	[hbm4b:s5+s9] =	stream.strided.scatter [tilespmem:s12], [sflag:$0x1], $0x6400, s10, s9, $0x38;
	[tilespmem:$0x12C00] =	vst v63  }
0x17b: {  	_ =	swait.ge [sflag:s15], $0x6400  }
0x17c: {  	[sflag:s15] =	ssyncset.done $0x0  }
0x17d: {  	[sflag:s15] =	ssyncadd.s32 $0xFFFF9C00  }
0x17e: {  	[hbm4b:s6+s9] =	stream.strided.scatter [tilespmem:s13], [sflag:$0x2], $0x6400, s10, s9, $0x38;
	[tilespmem:$0x12C00] =	vst v63  }
0x17f: {  	_ =	swait.ge [sflag:s14], $0x6400  }
0x180: {  	[sflag:s14] =	ssyncset.done $0x0  }
0x181: {  	[sflag:s14] =	ssyncadd.s32 $0xFFFF9C00  }
0x182: {  	[hbm4b:s7+s9] =	stream.strided.scatter [tilespmem:s12], [sflag:$0x1], $0x6400, s10, s9, $0x38;
	[tilespmem:$0x12C00] =	vst v63  }
0x183: {  	_ =	swait.ge [sflag:s15], $0x6400  }
0x184: {  	[sflag:s15] =	ssyncset.done $0x0  }
0x185: {  	[sflag:s15] =	ssyncadd.s32 $0xFFFF9C00  }
0x186: {  	[hbm4b:s8+s9] =	stream.strided.scatter [tilespmem:s13], [sflag:$0x2], $0x6400, s10, s9, $0x38;
	[tilespmem:$0x12C00] =	vst v63  }
0x187: {  	_ =	swait.ge [sflag:s14], $0x6400  }
0x188: {  	[sflag:s14] =	ssyncset.done $0x0  }
0x189: {  	[sflag:s14] =	ssyncadd.s32 $0xFFFF9C00  }
0x18a: {  	_ =	swait.ge [sflag:s15], $0x6400  }
0x18b: {  	s16 =	sadd.s32 $0x1, s16;
	s19 =	rddreg [dreg:$0x18]  }
0x18c: {  	p0 =	sne.s32 s16, s19  }
.Ltmp2:
0x18d: {  	_ = 	snop;
	(pc) =	sbr.rel @p0 .LBB2_1-.Ltmp2, $3  }
0x18e: {  	_ =	sdelay $0x1  }
0x18f: {  	[sflag:s15] =	ssyncset.done $0x0  }
0x190: {  	[sflag:s15] =	ssyncadd.s32 $0xFFFF9C00  }
0x191: {  	_ =	sfence.sel $0x180000  }
0x192: {  	[bflag:$0x0] =	sbarrier.arrive $0xFFFF  }
0x193: {  	_ =	strace $0x90000047  }
0x194: {  	s0 =	stileid.u32;
	[bflag:$0x2] =	sbarrier.arrive $0xFFFF  }
0x195: {  	p0 =	sne.s32 s0, $0x0;
	s0 =	rddreg [dreg:$0x2]  }
0x196: {  	s0 =	sadd.s32 @!p0 $0x100000, s0  }
0x197: {  	[sflag:s0] =	ssyncadd.tile.s32 @!p0 $0x1;
	_ =	shalt  }
.Lfunc_end2:
_tile_overlayer_lowered:
.L_overlay_start_2:
0x198: {  	(tag) =	ssettag $0x2  }
0x199: {  	s0 =	rddreg [dreg:$0x0];
	s2 =	stileid.u32  }
0x19a: {  	s1 =	rddreg [dreg:$0x1];
	p0 =	sne.s32 s2, $0x0  }
0x19b: {  	s3 =	rddreg [dreg:$0x2];
	[bflag:$0x3] =	sbarrier.arrive $0xFFFF;
	s2 =	simm.s32 @!p0 $0x1C03  }
0x19c: {  	[timem:s3], [sflag:s2] =	dma.local @!p0 [hbm:s0], s1  }
0x19d: {  	s0 =	simm.s32 @!p0 $0x3  }
0x19e: {  	_ =	swait.ge @!p0 [sflag:s0], s1  }
0x19f: {  	s1 =	ssub.s32 @!p0 $0x0, s1;
	[sflag:s0] =	ssyncset.done @!p0 $0x0  }
0x1a0: {  	[sflag:s0] =	ssyncadd.s32 @!p0 s1  }
0x1a1: {  	[bflag:$0x3] =	sbarrier.arrive $0xFFFF  }
0x1a2: {  	_ =	shalt  }

</sc_bundles>
